<compile_context>
chip_gen: v7x
topology: tpu7x:2x2x1
jax: 0.10.2.dev20260603
libtpu: 0.0.44.dev20260713+nightly
codegen_flags: <defaults>
</compile_context>

<pallas_src>
import functools

import jax
import jax.numpy as jnp
from jax import lax
from jax.experimental import pallas as pl
from jax.experimental.pallas import tpu as pltpu
from jax.experimental.pallas import tpu_sc as plsc

_NU = 8000
_NP = 2000
_N = _NU + _NP
_E = 320000
_D = 128

_NCORES = 2
_NSUB = 16
_NTILES = _NCORES * _NSUB
_CHUNK = 80
_EPT = _E // _NTILES
_NCHUNK = _EPT // _CHUNK
_RPT = _N // _NSUB



_CPT = 624
_NPADC = _NSUB * 640


@functools.lru_cache(maxsize=None)
def _make_seg_sum(with_cnt):
    mesh = plsc.VectorSubcoreMesh(core_axis_name="c", subcore_axis_name="s",
                                  num_cores=_NCORES, num_subcores=_NSUB)
    out_type = [jax.ShapeDtypeStruct((_NCORES, _NSUB, _RPT, _D), jnp.float32)]
    scratch = [
        pltpu.VMEM((_CHUNK, _D), jnp.float32),
        pltpu.VMEM((_CHUNK, _D), jnp.float32),
        pltpu.VMEM((_CHUNK, _D), jnp.float32),
        pltpu.VMEM((_CHUNK,), jnp.int32),
        pltpu.VMEM((_CHUNK,), jnp.int32),
        pltpu.VMEM((_CHUNK,), jnp.int32),
        pltpu.VMEM((_CHUNK,), jnp.int32),
        pltpu.VMEM((_CHUNK,), jnp.int32),
        pltpu.VMEM((_CHUNK,), jnp.int32),
        pltpu.VMEM_SHARED((_N, _D), jnp.float32),
        pltpu.SemaphoreType.DMA,
        pltpu.SemaphoreType.DMA,
        pltpu.SemaphoreType.DMA,
        pltpu.SemaphoreType.DMA,
        pltpu.SemaphoreType.DMA,
        pltpu.SemaphoreType.DMA,
    ]
    if with_cnt:
        out_type.append(
            jax.ShapeDtypeStruct((_NCORES, 1, _NPADC), jnp.float32))
        scratch += [
            pltpu.VMEM((_CHUNK,), jnp.float32),
            pltpu.VMEM((640,), jnp.float32),
            pltpu.VMEM_SHARED((_NPADC,), jnp.float32),
        ]

    def body(table, src, dst, zeros_a, agg_out, *rest):
        if with_cnt:
            cnt_out, gbuf0, gbuf1, gbuf2, sidx0, didx0, sidx1, didx1, sidx2, \
                didx2, acc, sem0, sem1, sem2, ssm0, ssm1, ssm2, onesv, zc, \
                cacc = rest
        else:
            gbuf0, gbuf1, gbuf2, sidx0, didx0, sidx1, didx1, sidx2, didx2, \
                acc, sem0, sem1, sem2, ssm0, ssm1, ssm2 = rest
            cnt_out = cacc = onesv = zc = None
        cid = lax.axis_index("c")
        sid = lax.axis_index("s")
        wid = cid * _NSUB + sid
        r0 = sid * _RPT
        base = wid * _EPT

        pltpu.sync_copy(zeros_a, acc.at[pl.ds(r0, _RPT)])
        if with_cnt:
            ones16 = jnp.full((16,), 1.0, jnp.float32)
            zeros16 = jnp.zeros((16,), jnp.float32)

            def fill_ones(i, c):
                onesv[pl.ds(i * 16, 16)] = ones16
                return c

            lax.fori_loop(0, _CHUNK // 16, fill_ones, 0)

            def fill_zero(i, c):
                zc[pl.ds(i * 16, 16)] = zeros16
                return c

            lax.fori_loop(0, 40, fill_zero, 0)
            pltpu.sync_copy(zc, cacc.at[pl.ds(sid * _CPT, 640)])
        plsc.subcore_barrier()

        bufs = ((gbuf0, sem0, ssm0, sidx0, didx0),
                (gbuf1, sem1, ssm1, sidx1, didx1),
                (gbuf2, sem2, ssm2, sidx2, didx2))

        def load_and_fire(c, buf, sem, ssm, sidx, didx):
            off = base + c * _CHUNK
            pltpu.sync_copy(src.at[pl.ds(off, _CHUNK)], sidx)
            pltpu.sync_copy(dst.at[pl.ds(off, _CHUNK)], didx)
            pltpu.async_copy(table.at[sidx], buf, sem)

        def wait_scatters(buf, ssm, didx):
            pltpu.make_async_copy(buf, acc.at[didx], ssm).wait()
            if with_cnt:
                pltpu.make_async_copy(onesv, cacc.at[didx], ssm).wait()

        def visit(c, B, Bn, wait_sc, fire_next):
            buf, sem, ssm, sidx, didx = B
            if fire_next:
                if wait_sc:
                    wait_scatters(Bn[0], Bn[2], Bn[4])
                load_and_fire(c + 1, *Bn)
            pltpu.make_async_copy(table.at[sidx], buf, sem).wait()
            pltpu.async_copy(buf, acc.at[didx], ssm, add=True)
            if with_cnt:
                pltpu.async_copy(onesv, cacc.at[didx], ssm, add=True)

        load_and_fire(0, *bufs[0])
        visit(0, bufs[0], bufs[1], False, True)
        visit(1, bufs[1], bufs[2], False, True)

        def group(g, carry):
            c = 3 * g + 2
            for b in range(3):
                visit(c + b, bufs[(2 + b) % 3], bufs[(3 + b) % 3],
                      True, True)
            return carry

        lax.fori_loop(0, (_NCHUNK - 5) // 3, group, 0)
        visit(_NCHUNK - 3, bufs[(_NCHUNK - 3) % 3], bufs[(_NCHUNK - 2) % 3],
              True, True)
        visit(_NCHUNK - 2, bufs[(_NCHUNK - 2) % 3], bufs[(_NCHUNK - 1) % 3],
              True, True)
        visit(_NCHUNK - 1, bufs[(_NCHUNK - 1) % 3], None, False, False)
        for b in range(3):
            wait_scatters(bufs[b][0], bufs[b][2], bufs[b][4])
        plsc.subcore_barrier()

        pltpu.sync_copy(acc.at[pl.ds(r0, _RPT)], agg_out.at[cid, sid])
        if with_cnt:
            pltpu.sync_copy(cacc.at[pl.ds(sid * _CPT, 640)], zc)
            pltpu.sync_copy(zc, cnt_out.at[cid, 0, pl.ds(sid * 640, 640)])

    return pl.kernel(body, out_type, mesh=mesh, scratch_types=scratch)


def _seg_sum_cnt(*args):
    return _make_seg_sum(True)(*args)


def _seg_sum(*args):
    res = _make_seg_sum(False)(*args)
    return res[0] if isinstance(res, (list, tuple)) else res



def _tc_embed(x, W, b, block_rows):
    M, K = x.shape
    H = W.shape[1]

    def body(x_ref, w_ref, b_ref, o_ref):
        o_ref[...] = (jnp.dot(x_ref[...], w_ref[...],
                              preferred_element_type=jnp.float32) + b_ref[...])

    return pl.pallas_call(
        body,
        grid=(M // block_rows,),
        in_specs=[
            pl.BlockSpec((block_rows, K), lambda i: (i, 0)),
            pl.BlockSpec((K, H), lambda i: (0, 0)),
            pl.BlockSpec((1, H), lambda i: (0, 0)),
        ],
        out_specs=pl.BlockSpec((block_rows, H), lambda i: (i, 0)),
        out_shape=jax.ShapeDtypeStruct((M, H), jnp.float32),
    )(x, W, b.reshape(1, H))


def _tc_sage(agg, cnt, x, Wl, bl, Wr):
    BR = 1000

    def body(a_ref, c_ref, x_ref, wl_ref, bl_ref, wr_ref, o_ref):
        a = a_ref[0] + a_ref[1]
        c = c_ref[:, 0:1] + c_ref[:, 1:2]
        mean = a / jnp.maximum(c, 1.0)
        o_ref[...] = jnp.maximum(
            jnp.dot(mean, wl_ref[...], preferred_element_type=jnp.float32)
            + bl_ref[...]
            + jnp.dot(x_ref[...], wr_ref[...],
                      preferred_element_type=jnp.float32),
            0.0)

    return pl.pallas_call(
        body,
        grid=(_N // BR,),
        in_specs=[
            pl.BlockSpec((_NCORES, BR, _D), lambda i: (0, i, 0)),
            pl.BlockSpec((BR, _NCORES), lambda i: (i, 0)),
            pl.BlockSpec((BR, _D), lambda i: (i, 0)),
            pl.BlockSpec((_D, _D), lambda i: (0, 0)),
            pl.BlockSpec((1, _D), lambda i: (0, 0)),
            pl.BlockSpec((_D, _D), lambda i: (0, 0)),
        ],
        out_specs=pl.BlockSpec((BR, _D), lambda i: (i, 0)),
        out_shape=jax.ShapeDtypeStruct((_N, _D), jnp.float32),
    )(agg, cnt, x, Wl, bl.reshape(1, _D), Wr)


def _tc_head(x0, x1, x2, W1a, W1b, W1c, b1, W2, b2, Wc, bc, Wt, bt, WT_, bT_,
             Woc, boc, Wot, bot, WoT, boT):
    BR = 1000
    HH = 64

    def body(x0r, x1r, x2r, w1ar, w1br, w1cr, b1r, w2r, b2r, wcr, bcr,
             wtr, btr, wTr, bTr, wocr, bocr, wotr, botr, wTor, bTor,
             ot1, ot0, oT, ht1, ht0):
        dot = lambda a, w: jnp.dot(a, w, preferred_element_type=jnp.float32)
        h = jnp.maximum(dot(x0r[...], w1ar[...]) + dot(x1r[...], w1br[...])
                        + dot(x2r[...], w1cr[...]) + b1r[...], 0.0)
        h = jnp.maximum(dot(h, w2r[...]) + b2r[...], 0.0)
        a_t0 = jnp.maximum(dot(h, wcr[...]) + bcr[...], 0.0)
        a_t1 = jnp.maximum(dot(h, wtr[...]) + btr[...], 0.0)
        a_T = jnp.maximum(dot(h, wTr[...]) + bTr[...], 0.0)
        ht0[...] = a_t0
        ht1[...] = a_t1
        ot0[...] = jnp.maximum(dot(a_t0, wocr[...]) + bocr[...], 0.0)[:, :1]
        ot1[...] = jnp.maximum(dot(a_t1, wotr[...]) + botr[...], 0.0)[:, :1]
        oT[...] = jnp.maximum(dot(a_T, wTor[...]) + bTor[...], 0.0)[:, :1]

    full = lambda s: pl.BlockSpec(s, lambda i: tuple(0 for _ in s))
    row_spec = lambda w: pl.BlockSpec((BR, w), lambda i: (i, 0))
    outs = pl.pallas_call(
        body,
        grid=(_NU // BR,),
        in_specs=[
            row_spec(_D), row_spec(_D), row_spec(_D),
            full((_D, _D)), full((_D, _D)), full((_D, _D)), full((1, _D)),
            full((_D, _D)), full((1, _D)),
            full((_D, HH)), full((1, HH)),
            full((_D, HH)), full((1, HH)),
            full((_D, HH)), full((1, HH)),
            full((HH, _D)), full((1, _D)),
            full((HH, _D)), full((1, _D)),
            full((HH, _D)), full((1, _D)),
        ],
        out_specs=[
            row_spec(1), row_spec(1), row_spec(1),
            row_spec(HH), row_spec(HH),
        ],
        out_shape=[
            jax.ShapeDtypeStruct((_NU, 1), jnp.float32),
            jax.ShapeDtypeStruct((_NU, 1), jnp.float32),
            jax.ShapeDtypeStruct((_NU, 1), jnp.float32),
            jax.ShapeDtypeStruct((_NU, HH), jnp.float32),
            jax.ShapeDtypeStruct((_NU, HH), jnp.float32),
        ],
    )(x0, x1, x2, W1a, W1b, W1c, b1.reshape(1, _D), W2, b2.reshape(1, _D),
      Wc, bc.reshape(1, HH), Wt, bt.reshape(1, HH), WT_, bT_.reshape(1, HH),
      Woc, boc.reshape(1, _D), Wot, bot.reshape(1, _D), WoT, boT.reshape(1, _D))
    return outs


def kernel(xu, xp, edge_index, Wu, bu, Wp, bp, Wl0, bl0, Wr0, Wl1, bl1, Wr1,
           Wc1, bc1, Wc2, bc2, Wctl, bctl, Wtrt, btrt, WT, bT, Woc, boc,
           Wot, bot, WoT, boT):
    f32 = jnp.float32
    src = edge_index[0]
    dst = edge_index[1]

    xu_e = _tc_embed(xu, Wu, bu, 1000)
    xp_e = _tc_embed(xp, Wp, bp, 1000)
    emb0 = jnp.concatenate([xu_e, xp_e], axis=0)
    zeros_a = jnp.zeros((_RPT, _D), f32)

    agg0, cntp = _seg_sum_cnt(emb0, src, dst, zeros_a)
    agg0 = agg0.reshape(_NCORES, _N, _D)
    arr = cntp.reshape(_NCORES, _NSUB, 640)
    cnt = jnp.concatenate(
        [arr[:, :_NSUB - 1, :_CPT].reshape(_NCORES, -1), arr[:, _NSUB - 1]],
        axis=1).T
    emb1 = _tc_sage(agg0, cnt, emb0, Wl0, bl0, Wr0)
    agg1 = _seg_sum(emb1, src, dst, zeros_a)
    agg1 = agg1.reshape(_NCORES, _N, _D)
    emb2 = _tc_sage(agg1, cnt, emb1, Wl1, bl1, Wr1)

    pad_w = lambda w: jnp.pad(w, ((0, 0), (0, _D - w.shape[1])))
    pad_b = lambda b: jnp.pad(b, (0, _D - b.shape[0]))

    o_t1, o_t0, o_T, h_t1, h_t0 = _tc_head(
        xu_e, emb1, emb2,
        Wc1[0:_D], Wc1[_D:2 * _D], Wc1[2 * _D:3 * _D], bc1, Wc2, bc2,
        Wctl, bctl, Wtrt, btrt, WT, bT,
        pad_w(Woc), pad_b(boc), pad_w(Wot), pad_b(bot), pad_w(WoT), pad_b(boT))

    return (o_t1, o_t0, o_T, h_t1, h_t0)

# --- scband reference (transcript-rebuilt; emitter-appended) ---
"""Pipeline reference for scband-bipartite-dra-gnn-16999480558339 (READ-ONLY COPY).

The authoritative reference and input builder live on the scoring server;
editing this copy changes nothing except your own understanding.
"""

import jax, jax.numpy as jnp
import numpy as np

NU = 8000
NP_ = 2000
E = 320000
NFEAT = 256
NPROD = 128
H = 128
HH = 64
OUT = 1

def setup_inputs(seed: int = 0):
    key = jax.random.key(seed)
    ks = jax.random.split(key, 32)
    def nrm(k, shape, scale=1.0):
        return jax.random.normal(k, shape, dtype=jnp.float32) * scale
    def glorot(k, shape):
        return jax.random.normal(k, shape, dtype=jnp.float32) * (1.0 / np.sqrt(shape[0]))
    inp = {}
    inp['xu'] = nrm(ks[0], (NU, NFEAT))
    inp['xp'] = nrm(ks[1], (NP_, NPROD))
    inp['edge_index'] = jax.random.randint(ks[2], (2, E), 0, NU + NP_, dtype=jnp.int32)
    inp['Wu'] = glorot(ks[3], (NFEAT, H)); inp['bu'] = jnp.zeros((H,), jnp.float32)
    inp['Wp'] = glorot(ks[4], (NPROD, H)); inp['bp'] = jnp.zeros((H,), jnp.float32)
    inp['Wl0'] = glorot(ks[5], (H, H)); inp['bl0'] = jnp.zeros((H,), jnp.float32)
    inp['Wr0'] = glorot(ks[6], (H, H))
    inp['Wl1'] = glorot(ks[7], (H, H)); inp['bl1'] = jnp.zeros((H,), jnp.float32)
    inp['Wr1'] = glorot(ks[8], (H, H))
    inp['Wc1'] = glorot(ks[9], (H + 2 * H, H)); inp['bc1'] = jnp.zeros((H,), jnp.float32)
    inp['Wc2'] = glorot(ks[10], (H, H)); inp['bc2'] = jnp.zeros((H,), jnp.float32)
    inp['Wctl'] = glorot(ks[11], (H, HH)); inp['bctl'] = jnp.zeros((HH,), jnp.float32)
    inp['Wtrt'] = glorot(ks[12], (H, HH)); inp['btrt'] = jnp.zeros((HH,), jnp.float32)
    inp['WT'] = glorot(ks[13], (H, HH)); inp['bT'] = jnp.zeros((HH,), jnp.float32)
    inp['Woc'] = glorot(ks[14], (HH, OUT)); inp['boc'] = jnp.zeros((OUT,), jnp.float32)
    inp['Wot'] = glorot(ks[15], (HH, OUT)); inp['bot'] = jnp.zeros((OUT,), jnp.float32)
    inp['WoT'] = glorot(ks[16], (HH, OUT)); inp['boT'] = jnp.zeros((OUT,), jnp.float32)
    return inp

def _sage_conv(x, edge_index, Wl, bl, Wr):
    # PyG SAGEConv (mean aggr): out = lin_l(mean_{j in N(i)} x_j) + lin_r(x_i); lin_r has no bias
    src = edge_index[0]
    dst = edge_index[1]
    n = x.shape[0]
    msg = jnp.take(x, src, axis=0)
    agg = jax.ops.segment_sum(msg, dst, num_segments=n)
    cnt = jax.ops.segment_sum(jnp.ones((src.shape[0], 1), jnp.float32), dst, num_segments=n)
    mean = agg / jnp.clip(cnt, 1.0)
    return mean @ Wl + bl + x @ Wr

def reference(xu, xp, edge_index, Wu, bu, Wp, bp, Wl0, bl0, Wr0, Wl1, bl1, Wr1, Wc1, bc1, Wc2, bc2, Wctl, bctl, Wtrt, btrt, WT, bT, Woc, boc, Wot, bot, WoT, boT):
    xu_e = xu @ Wu + bu
    xp_e = xp @ Wp + bp
    outs = [xu_e]
    emb = jnp.concatenate([xu_e, xp_e], axis=0)
    emb = jax.nn.relu(_sage_conv(emb, edge_index, Wl0, bl0, Wr0))
    outs.append(emb[:xu.shape[0]])
    emb = jax.nn.relu(_sage_conv(emb, edge_index, Wl1, bl1, Wr1))
    outs.append(emb[:xu.shape[0]])
    out = jnp.concatenate(outs, axis=1)
    hidden = jax.nn.relu(out @ Wc1 + bc1)
    hidden = jax.nn.relu(hidden @ Wc2 + bc2)
    h_t0 = jax.nn.relu(hidden @ Wctl + bctl)
    h_t1 = jax.nn.relu(hidden @ Wtrt + btrt)
    h_T = jax.nn.relu(hidden @ WT + bT)
    o_t0 = jax.nn.relu(h_t0 @ Woc + boc)
    o_t1 = jax.nn.relu(h_t1 @ Wot + bot)
    o_T = jax.nn.relu(h_T @ WoT + boT)
    return (o_t1, o_t0, o_T, h_t1, h_t0)

if __name__ == "__main__":
    import jax
    _d = setup_inputs()
    print(jax.jit(kernel)(*tuple(_d.values())))

</pallas_src>

<mosaic_0001>
#map = affine_map<(d0, d1) -> (0, 0)>
#map1 = affine_map<(d0, d1) -> (0)>
#map2 = affine_map<(d0, d1) -> (0, 0, 0, 0)>
module attributes {stable_mosaic.version = 14 : i64} {
  func.func @body(%arg0: i32, %arg1: i32, %arg2: memref<10000x128xf32, #tpu.memory_space<hbm>>, %arg3: memref<320000xi32, #tpu.memory_space<hbm>>, %arg4: memref<320000xi32, #tpu.memory_space<hbm>>, %arg5: memref<625x128xf32, #tpu.memory_space<hbm>>, %arg6: memref<2x16x625x128xf32, #tpu.memory_space<hbm>>, %arg7: memref<80x128xf32, #tpu.memory_space<vmem>>, %arg8: memref<80x128xf32, #tpu.memory_space<vmem>>, %arg9: memref<80x128xf32, #tpu.memory_space<vmem>>, %arg10: memref<80xi32, #tpu.memory_space<vmem>>, %arg11: memref<80xi32, #tpu.memory_space<vmem>>, %arg12: memref<80xi32, #tpu.memory_space<vmem>>, %arg13: memref<80xi32, #tpu.memory_space<vmem>>, %arg14: memref<80xi32, #tpu.memory_space<vmem>>, %arg15: memref<80xi32, #tpu.memory_space<vmem>>, %arg16: memref<10000x128xf32, #tpu.memory_space<vmem_shared>>, %arg17: memref<!tpu.dma_semaphore, #tpu.memory_space<semaphore_mem>>, %arg18: memref<!tpu.dma_semaphore, #tpu.memory_space<semaphore_mem>>, %arg19: memref<!tpu.dma_semaphore, #tpu.memory_space<semaphore_mem>>, %arg20: memref<!tpu.dma_semaphore, #tpu.memory_space<semaphore_mem>>, %arg21: memref<!tpu.dma_semaphore, #tpu.memory_space<semaphore_mem>>, %arg22: memref<!tpu.dma_semaphore, #tpu.memory_space<semaphore_mem>>) attributes {dimension_semantics = [#tpu.dimension_semantics<core_parallel>, #tpu.dimension_semantics<subcore_parallel>], iteration_bounds = array<i64: 2, 16>, scalar_prefetch = 0 : i64, scratch_operands = 16 : i64, tpu.core_type = #tpu.core_type<sc_vector_subcore>, window_params = [{transform_indices = #map}, {transform_indices = #map1}, {transform_indices = #map1}, {transform_indices = #map}, {transform_indices = #map2}]} {
    %mul3A = arith.constant 16 : i32
    %mul3A_0 = arith.muli %arg0, %mul3A : i32
    %add3A = arith.addi %mul3A_0, %arg1 : i32
    %mul3A_1 = arith.constant 625 : i32
    %mul3A_2 = arith.muli %arg1, %mul3A_1 : i32
    %mul3A_3 = arith.constant 10000 : i32
    %mul3A_4 = arith.muli %add3A, %mul3A_3 : i32
    "tpu.region"() ({
      %run_scoped3A = tpu.sem_alloc : memref<!tpu.dma_semaphore, #tpu.memory_space<semaphore_mem>>
      %dma_start3A_79 = arith.constant 0 : i32
      %dma_start3A_80 = tpu.memref_slice %arg16[%mul3A_2, %dma_start3A_79] : memref<10000x128xf32, #tpu.memory_space<vmem_shared>> -> memref<625x128xf32, #tpu.memory_space<vmem_shared>>
      tpu.enqueue_dma source(%arg5 : memref<625x128xf32, #tpu.memory_space<hbm>>) target(%dma_start3A_80 : memref<625x128xf32, #tpu.memory_space<vmem_shared>>) target_semaphore(%run_scoped3A : memref<!tpu.dma_semaphore, #tpu.memory_space<semaphore_mem>>)
      %dma_wait3A_81 = arith.constant 0 : i32
      %dma_wait3A_82 = tpu.memref_slice %arg16[%mul3A_2, %dma_wait3A_81] : memref<10000x128xf32, #tpu.memory_space<vmem_shared>> -> memref<625x128xf32, #tpu.memory_space<vmem_shared>>
      tpu.wait_dma2 semaphore(%run_scoped3A : memref<!tpu.dma_semaphore, #tpu.memory_space<semaphore_mem>>) src(%arg5 : memref<625x128xf32, #tpu.memory_space<hbm>>) dst(%dma_wait3A_82 : memref<625x128xf32, #tpu.memory_space<vmem_shared>>)
      tpu.yield
    }) : () -> ()
    %barrier3A = arith.constant 0 : index
    tpu.barrier barrier_id(%barrier3A)
    %add3A_5 = arith.constant 0 : i32
    %add3A_6 = arith.addi %mul3A_4, %add3A_5 : i32
    "tpu.region"() ({
      %run_scoped3A = tpu.sem_alloc : memref<!tpu.dma_semaphore, #tpu.memory_space<semaphore_mem>>
      %dma_start3A_79 = tpu.memref_slice %arg3[%add3A_6] : memref<320000xi32, #tpu.memory_space<hbm>> -> memref<80xi32, #tpu.memory_space<hbm>>
      %dma_start3A_80 = tpu.memref_slice %arg3[%add3A_6] : memref<320000xi32, #tpu.memory_space<hbm>> -> memref<80xi32, #tpu.memory_space<hbm>>
      tpu.enqueue_dma source(%dma_start3A_80 : memref<80xi32, #tpu.memory_space<hbm>>) target(%arg10 : memref<80xi32, #tpu.memory_space<vmem>>) target_semaphore(%run_scoped3A : memref<!tpu.dma_semaphore, #tpu.memory_space<semaphore_mem>>)
      %dma_wait3A_81 = tpu.memref_slice %arg3[%add3A_6] : memref<320000xi32, #tpu.memory_space<hbm>> -> memref<80xi32, #tpu.memory_space<hbm>>
      %dma_wait3A_82 = tpu.memref_slice %arg3[%add3A_6] : memref<320000xi32, #tpu.memory_space<hbm>> -> memref<80xi32, #tpu.memory_space<hbm>>
      tpu.wait_dma2 semaphore(%run_scoped3A : memref<!tpu.dma_semaphore, #tpu.memory_space<semaphore_mem>>) src(%dma_wait3A_82 : memref<80xi32, #tpu.memory_space<hbm>>) dst(%arg10 : memref<80xi32, #tpu.memory_space<vmem>>)
      tpu.yield
    }) : () -> ()
    "tpu.region"() ({
      %run_scoped3A = tpu.sem_alloc : memref<!tpu.dma_semaphore, #tpu.memory_space<semaphore_mem>>
      %dma_start3A_79 = tpu.memref_slice %arg4[%add3A_6] : memref<320000xi32, #tpu.memory_space<hbm>> -> memref<80xi32, #tpu.memory_space<hbm>>
      %dma_start3A_80 = tpu.memref_slice %arg4[%add3A_6] : memref<320000xi32, #tpu.memory_space<hbm>> -> memref<80xi32, #tpu.memory_space<hbm>>
      tpu.enqueue_dma source(%dma_start3A_80 : memref<80xi32, #tpu.memory_space<hbm>>) target(%arg11 : memref<80xi32, #tpu.memory_space<vmem>>) target_semaphore(%run_scoped3A : memref<!tpu.dma_semaphore, #tpu.memory_space<semaphore_mem>>)
      %dma_wait3A_81 = tpu.memref_slice %arg4[%add3A_6] : memref<320000xi32, #tpu.memory_space<hbm>> -> memref<80xi32, #tpu.memory_space<hbm>>
      %dma_wait3A_82 = tpu.memref_slice %arg4[%add3A_6] : memref<320000xi32, #tpu.memory_space<hbm>> -> memref<80xi32, #tpu.memory_space<hbm>>
      tpu.wait_dma2 semaphore(%run_scoped3A : memref<!tpu.dma_semaphore, #tpu.memory_space<semaphore_mem>>) src(%dma_wait3A_82 : memref<80xi32, #tpu.memory_space<hbm>>) dst(%arg11 : memref<80xi32, #tpu.memory_space<vmem>>)
      tpu.yield
    }) : () -> ()
    %dma_start3A = arith.constant 0 : i32
    %dma_start3A_7 = arith.constant 0 : i32
    %dma_start3A_8 = tpu.memref_slice %arg2[%dma_start3A, %dma_start3A_7] : memref<10000x128xf32, #tpu.memory_space<hbm>> -> memref<10000x128xf32, #tpu.memory_space<hbm>>
    tpu.enqueue_indirect_dma source(%dma_start3A_8 : memref<10000x128xf32, #tpu.memory_space<hbm>>) target(%arg7 : memref<80x128xf32, #tpu.memory_space<vmem>>) offsets(%arg10 : memref<80xi32, #tpu.memory_space<vmem>>) semaphore(%arg17 : memref<!tpu.dma_semaphore, #tpu.memory_space<semaphore_mem>>)
    %add3A_9 = arith.constant 80 : i32
    %add3A_10 = arith.addi %mul3A_4, %add3A_9 : i32
    "tpu.region"() ({
      %run_scoped3A = tpu.sem_alloc : memref<!tpu.dma_semaphore, #tpu.memory_space<semaphore_mem>>
      %dma_start3A_79 = tpu.memref_slice %arg3[%add3A_10] : memref<320000xi32, #tpu.memory_space<hbm>> -> memref<80xi32, #tpu.memory_space<hbm>>
      %dma_start3A_80 = tpu.memref_slice %arg3[%add3A_10] : memref<320000xi32, #tpu.memory_space<hbm>> -> memref<80xi32, #tpu.memory_space<hbm>>
      tpu.enqueue_dma source(%dma_start3A_80 : memref<80xi32, #tpu.memory_space<hbm>>) target(%arg12 : memref<80xi32, #tpu.memory_space<vmem>>) target_semaphore(%run_scoped3A : memref<!tpu.dma_semaphore, #tpu.memory_space<semaphore_mem>>)
      %dma_wait3A_81 = tpu.memref_slice %arg3[%add3A_10] : memref<320000xi32, #tpu.memory_space<hbm>> -> memref<80xi32, #tpu.memory_space<hbm>>
      %dma_wait3A_82 = tpu.memref_slice %arg3[%add3A_10] : memref<320000xi32, #tpu.memory_space<hbm>> -> memref<80xi32, #tpu.memory_space<hbm>>
      tpu.wait_dma2 semaphore(%run_scoped3A : memref<!tpu.dma_semaphore, #tpu.memory_space<semaphore_mem>>) src(%dma_wait3A_82 : memref<80xi32, #tpu.memory_space<hbm>>) dst(%arg12 : memref<80xi32, #tpu.memory_space<vmem>>)
      tpu.yield
    }) : () -> ()
    "tpu.region"() ({
      %run_scoped3A = tpu.sem_alloc : memref<!tpu.dma_semaphore, #tpu.memory_space<semaphore_mem>>
      %dma_start3A_79 = tpu.memref_slice %arg4[%add3A_10] : memref<320000xi32, #tpu.memory_space<hbm>> -> memref<80xi32, #tpu.memory_space<hbm>>
      %dma_start3A_80 = tpu.memref_slice %arg4[%add3A_10] : memref<320000xi32, #tpu.memory_space<hbm>> -> memref<80xi32, #tpu.memory_space<hbm>>
      tpu.enqueue_dma source(%dma_start3A_80 : memref<80xi32, #tpu.memory_space<hbm>>) target(%arg13 : memref<80xi32, #tpu.memory_space<vmem>>) target_semaphore(%run_scoped3A : memref<!tpu.dma_semaphore, #tpu.memory_space<semaphore_mem>>)
      %dma_wait3A_81 = tpu.memref_slice %arg4[%add3A_10] : memref<320000xi32, #tpu.memory_space<hbm>> -> memref<80xi32, #tpu.memory_space<hbm>>
      %dma_wait3A_82 = tpu.memref_slice %arg4[%add3A_10] : memref<320000xi32, #tpu.memory_space<hbm>> -> memref<80xi32, #tpu.memory_space<hbm>>
      tpu.wait_dma2 semaphore(%run_scoped3A : memref<!tpu.dma_semaphore, #tpu.memory_space<semaphore_mem>>) src(%dma_wait3A_82 : memref<80xi32, #tpu.memory_space<hbm>>) dst(%arg13 : memref<80xi32, #tpu.memory_space<vmem>>)
      tpu.yield
    }) : () -> ()
    %dma_start3A_11 = arith.constant 0 : i32
    %dma_start3A_12 = arith.constant 0 : i32
    %dma_start3A_13 = tpu.memref_slice %arg2[%dma_start3A_11, %dma_start3A_12] : memref<10000x128xf32, #tpu.memory_space<hbm>> -> memref<10000x128xf32, #tpu.memory_space<hbm>>
    tpu.enqueue_indirect_dma source(%dma_start3A_13 : memref<10000x128xf32, #tpu.memory_space<hbm>>) target(%arg8 : memref<80x128xf32, #tpu.memory_space<vmem>>) offsets(%arg12 : memref<80xi32, #tpu.memory_space<vmem>>) semaphore(%arg18 : memref<!tpu.dma_semaphore, #tpu.memory_space<semaphore_mem>>)
    %dma_wait3A = arith.constant 0 : i32
    %dma_wait3A_14 = arith.constant 0 : i32
    %dma_wait3A_15 = tpu.memref_slice %arg2[%dma_wait3A, %dma_wait3A_14] : memref<10000x128xf32, #tpu.memory_space<hbm>> -> memref<10000x128xf32, #tpu.memory_space<hbm>>
    tpu.wait_indirect_dma semaphore(%arg17 : memref<!tpu.dma_semaphore, #tpu.memory_space<semaphore_mem>>) src(%dma_wait3A_15 : memref<10000x128xf32, #tpu.memory_space<hbm>>) dst(%arg7 : memref<80x128xf32, #tpu.memory_space<vmem>>)
    %dma_start3A_16 = arith.constant 0 : i32
    %dma_start3A_17 = arith.constant 0 : i32
    %dma_start3A_18 = tpu.memref_slice %arg16[%dma_start3A_16, %dma_start3A_17] : memref<10000x128xf32, #tpu.memory_space<vmem_shared>> -> memref<10000x128xf32, #tpu.memory_space<vmem_shared>>
    tpu.enqueue_indirect_dma source(%arg7 : memref<80x128xf32, #tpu.memory_space<vmem>>) target(%dma_start3A_18 : memref<10000x128xf32, #tpu.memory_space<vmem_shared>>) offsets(%arg11 : memref<80xi32, #tpu.memory_space<vmem>>) semaphore(%arg20 : memref<!tpu.dma_semaphore, #tpu.memory_space<semaphore_mem>>) {add = true}
    %add3A_19 = arith.constant 160 : i32
    %add3A_20 = arith.addi %mul3A_4, %add3A_19 : i32
    "tpu.region"() ({
      %run_scoped3A = tpu.sem_alloc : memref<!tpu.dma_semaphore, #tpu.memory_space<semaphore_mem>>
      %dma_start3A_79 = tpu.memref_slice %arg3[%add3A_20] : memref<320000xi32, #tpu.memory_space<hbm>> -> memref<80xi32, #tpu.memory_space<hbm>>
      %dma_start3A_80 = tpu.memref_slice %arg3[%add3A_20] : memref<320000xi32, #tpu.memory_space<hbm>> -> memref<80xi32, #tpu.memory_space<hbm>>
      tpu.enqueue_dma source(%dma_start3A_80 : memref<80xi32, #tpu.memory_space<hbm>>) target(%arg14 : memref<80xi32, #tpu.memory_space<vmem>>) target_semaphore(%run_scoped3A : memref<!tpu.dma_semaphore, #tpu.memory_space<semaphore_mem>>)
      %dma_wait3A_81 = tpu.memref_slice %arg3[%add3A_20] : memref<320000xi32, #tpu.memory_space<hbm>> -> memref<80xi32, #tpu.memory_space<hbm>>
      %dma_wait3A_82 = tpu.memref_slice %arg3[%add3A_20] : memref<320000xi32, #tpu.memory_space<hbm>> -> memref<80xi32, #tpu.memory_space<hbm>>
      tpu.wait_dma2 semaphore(%run_scoped3A : memref<!tpu.dma_semaphore, #tpu.memory_space<semaphore_mem>>) src(%dma_wait3A_82 : memref<80xi32, #tpu.memory_space<hbm>>) dst(%arg14 : memref<80xi32, #tpu.memory_space<vmem>>)
      tpu.yield
    }) : () -> ()
    "tpu.region"() ({
      %run_scoped3A = tpu.sem_alloc : memref<!tpu.dma_semaphore, #tpu.memory_space<semaphore_mem>>
      %dma_start3A_79 = tpu.memref_slice %arg4[%add3A_20] : memref<320000xi32, #tpu.memory_space<hbm>> -> memref<80xi32, #tpu.memory_space<hbm>>
      %dma_start3A_80 = tpu.memref_slice %arg4[%add3A_20] : memref<320000xi32, #tpu.memory_space<hbm>> -> memref<80xi32, #tpu.memory_space<hbm>>
      tpu.enqueue_dma source(%dma_start3A_80 : memref<80xi32, #tpu.memory_space<hbm>>) target(%arg15 : memref<80xi32, #tpu.memory_space<vmem>>) target_semaphore(%run_scoped3A : memref<!tpu.dma_semaphore, #tpu.memory_space<semaphore_mem>>)
      %dma_wait3A_81 = tpu.memref_slice %arg4[%add3A_20] : memref<320000xi32, #tpu.memory_space<hbm>> -> memref<80xi32, #tpu.memory_space<hbm>>
      %dma_wait3A_82 = tpu.memref_slice %arg4[%add3A_20] : memref<320000xi32, #tpu.memory_space<hbm>> -> memref<80xi32, #tpu.memory_space<hbm>>
      tpu.wait_dma2 semaphore(%run_scoped3A : memref<!tpu.dma_semaphore, #tpu.memory_space<semaphore_mem>>) src(%dma_wait3A_82 : memref<80xi32, #tpu.memory_space<hbm>>) dst(%arg15 : memref<80xi32, #tpu.memory_space<vmem>>)
      tpu.yield
    }) : () -> ()
    %dma_start3A_21 = arith.constant 0 : i32
    %dma_start3A_22 = arith.constant 0 : i32
    %dma_start3A_23 = tpu.memref_slice %arg2[%dma_start3A_21, %dma_start3A_22] : memref<10000x128xf32, #tpu.memory_space<hbm>> -> memref<10000x128xf32, #tpu.memory_space<hbm>>
    tpu.enqueue_indirect_dma source(%dma_start3A_23 : memref<10000x128xf32, #tpu.memory_space<hbm>>) target(%arg9 : memref<80x128xf32, #tpu.memory_space<vmem>>) offsets(%arg14 : memref<80xi32, #tpu.memory_space<vmem>>) semaphore(%arg19 : memref<!tpu.dma_semaphore, #tpu.memory_space<semaphore_mem>>)
    %dma_wait3A_24 = arith.constant 0 : i32
    %dma_wait3A_25 = arith.constant 0 : i32
    %dma_wait3A_26 = tpu.memref_slice %arg2[%dma_wait3A_24, %dma_wait3A_25] : memref<10000x128xf32, #tpu.memory_space<hbm>> -> memref<10000x128xf32, #tpu.memory_space<hbm>>
    tpu.wait_indirect_dma semaphore(%arg18 : memref<!tpu.dma_semaphore, #tpu.memory_space<semaphore_mem>>) src(%dma_wait3A_26 : memref<10000x128xf32, #tpu.memory_space<hbm>>) dst(%arg8 : memref<80x128xf32, #tpu.memory_space<vmem>>)
    %dma_start3A_27 = arith.constant 0 : i32
    %dma_start3A_28 = arith.constant 0 : i32
    %dma_start3A_29 = tpu.memref_slice %arg16[%dma_start3A_27, %dma_start3A_28] : memref<10000x128xf32, #tpu.memory_space<vmem_shared>> -> memref<10000x128xf32, #tpu.memory_space<vmem_shared>>
    tpu.enqueue_indirect_dma source(%arg8 : memref<80x128xf32, #tpu.memory_space<vmem>>) target(%dma_start3A_29 : memref<10000x128xf32, #tpu.memory_space<vmem_shared>>) offsets(%arg13 : memref<80xi32, #tpu.memory_space<vmem>>) semaphore(%arg21 : memref<!tpu.dma_semaphore, #tpu.memory_space<semaphore_mem>>) {add = true}
    %scan3A = arith.constant 0 : i32
    %scan3A_30 = arith.constant 0 : i32
    %scan3A_31 = arith.constant 40 : i32
    %scan3A_32 = arith.addi %scan3A_30, %scan3A_31 : i32
    %scan3A_33 = arith.constant 1 : i32
    scf.for %scan3A_79 = %scan3A_30 to %scan3A_32 step %scan3A_33  : i32 {
      %mul3A_80 = arith.constant 3 : i32
      %mul3A_81 = arith.muli %mul3A_80, %scan3A_79 : i32
      %add3A_82 = arith.constant 2 : i32
      %add3A_83 = arith.addi %mul3A_81, %add3A_82 : i32
      %add3A_84 = arith.constant 0 : i32
      %add3A_85 = arith.addi %add3A_83, %add3A_84 : i32
      %dma_wait3A_86 = arith.constant 0 : i32
      %dma_wait3A_87 = arith.constant 0 : i32
      %dma_wait3A_88 = tpu.memref_slice %arg16[%dma_wait3A_86, %dma_wait3A_87] : memref<10000x128xf32, #tpu.memory_space<vmem_shared>> -> memref<10000x128xf32, #tpu.memory_space<vmem_shared>>
      tpu.wait_indirect_dma semaphore(%arg20 : memref<!tpu.dma_semaphore, #tpu.memory_space<semaphore_mem>>) src(%arg7 : memref<80x128xf32, #tpu.memory_space<vmem>>) dst(%dma_wait3A_88 : memref<10000x128xf32, #tpu.memory_space<vmem_shared>>)
      %add3A_89 = arith.constant 1 : i32
      %add3A_90 = arith.addi %add3A_85, %add3A_89 : i32
      %mul3A_91 = arith.constant 80 : i32
      %mul3A_92 = arith.muli %add3A_90, %mul3A_91 : i32
      %add3A_93 = arith.addi %mul3A_4, %mul3A_92 : i32
      "tpu.region"() ({
        %run_scoped3A = tpu.sem_alloc : memref<!tpu.dma_semaphore, #tpu.memory_space<semaphore_mem>>
        %dma_start3A_141 = tpu.memref_slice %arg3[%add3A_93] : memref<320000xi32, #tpu.memory_space<hbm>> -> memref<80xi32, #tpu.memory_space<hbm>>
        %dma_start3A_142 = tpu.memref_slice %arg3[%add3A_93] : memref<320000xi32, #tpu.memory_space<hbm>> -> memref<80xi32, #tpu.memory_space<hbm>>
        tpu.enqueue_dma source(%dma_start3A_142 : memref<80xi32, #tpu.memory_space<hbm>>) target(%arg10 : memref<80xi32, #tpu.memory_space<vmem>>) target_semaphore(%run_scoped3A : memref<!tpu.dma_semaphore, #tpu.memory_space<semaphore_mem>>)
        %dma_wait3A_143 = tpu.memref_slice %arg3[%add3A_93] : memref<320000xi32, #tpu.memory_space<hbm>> -> memref<80xi32, #tpu.memory_space<hbm>>
        %dma_wait3A_144 = tpu.memref_slice %arg3[%add3A_93] : memref<320000xi32, #tpu.memory_space<hbm>> -> memref<80xi32, #tpu.memory_space<hbm>>
        tpu.wait_dma2 semaphore(%run_scoped3A : memref<!tpu.dma_semaphore, #tpu.memory_space<semaphore_mem>>) src(%dma_wait3A_144 : memref<80xi32, #tpu.memory_space<hbm>>) dst(%arg10 : memref<80xi32, #tpu.memory_space<vmem>>)
        tpu.yield
      }) : () -> ()
      "tpu.region"() ({
        %run_scoped3A = tpu.sem_alloc : memref<!tpu.dma_semaphore, #tpu.memory_space<semaphore_mem>>
        %dma_start3A_141 = tpu.memref_slice %arg4[%add3A_93] : memref<320000xi32, #tpu.memory_space<hbm>> -> memref<80xi32, #tpu.memory_space<hbm>>
        %dma_start3A_142 = tpu.memref_slice %arg4[%add3A_93] : memref<320000xi32, #tpu.memory_space<hbm>> -> memref<80xi32, #tpu.memory_space<hbm>>
        tpu.enqueue_dma source(%dma_start3A_142 : memref<80xi32, #tpu.memory_space<hbm>>) target(%arg11 : memref<80xi32, #tpu.memory_space<vmem>>) target_semaphore(%run_scoped3A : memref<!tpu.dma_semaphore, #tpu.memory_space<semaphore_mem>>)
        %dma_wait3A_143 = tpu.memref_slice %arg4[%add3A_93] : memref<320000xi32, #tpu.memory_space<hbm>> -> memref<80xi32, #tpu.memory_space<hbm>>
        %dma_wait3A_144 = tpu.memref_slice %arg4[%add3A_93] : memref<320000xi32, #tpu.memory_space<hbm>> -> memref<80xi32, #tpu.memory_space<hbm>>
        tpu.wait_dma2 semaphore(%run_scoped3A : memref<!tpu.dma_semaphore, #tpu.memory_space<semaphore_mem>>) src(%dma_wait3A_144 : memref<80xi32, #tpu.memory_space<hbm>>) dst(%arg11 : memref<80xi32, #tpu.memory_space<vmem>>)
        tpu.yield
      }) : () -> ()
      %dma_start3A_94 = arith.constant 0 : i32
      %dma_start3A_95 = arith.constant 0 : i32
      %dma_start3A_96 = tpu.memref_slice %arg2[%dma_start3A_94, %dma_start3A_95] : memref<10000x128xf32, #tpu.memory_space<hbm>> -> memref<10000x128xf32, #tpu.memory_space<hbm>>
      tpu.enqueue_indirect_dma source(%dma_start3A_96 : memref<10000x128xf32, #tpu.memory_space<hbm>>) target(%arg7 : memref<80x128xf32, #tpu.memory_space<vmem>>) offsets(%arg10 : memref<80xi32, #tpu.memory_space<vmem>>) semaphore(%arg17 : memref<!tpu.dma_semaphore, #tpu.memory_space<semaphore_mem>>)
      %dma_wait3A_97 = arith.constant 0 : i32
      %dma_wait3A_98 = arith.constant 0 : i32
      %dma_wait3A_99 = tpu.memref_slice %arg2[%dma_wait3A_97, %dma_wait3A_98] : memref<10000x128xf32, #tpu.memory_space<hbm>> -> memref<10000x128xf32, #tpu.memory_space<hbm>>
      tpu.wait_indirect_dma semaphore(%arg19 : memref<!tpu.dma_semaphore, #tpu.memory_space<semaphore_mem>>) src(%dma_wait3A_99 : memref<10000x128xf32, #tpu.memory_space<hbm>>) dst(%arg9 : memref<80x128xf32, #tpu.memory_space<vmem>>)
      %dma_start3A_100 = arith.constant 0 : i32
      %dma_start3A_101 = arith.constant 0 : i32
      %dma_start3A_102 = tpu.memref_slice %arg16[%dma_start3A_100, %dma_start3A_101] : memref<10000x128xf32, #tpu.memory_space<vmem_shared>> -> memref<10000x128xf32, #tpu.memory_space<vmem_shared>>
      tpu.enqueue_indirect_dma source(%arg9 : memref<80x128xf32, #tpu.memory_space<vmem>>) target(%dma_start3A_102 : memref<10000x128xf32, #tpu.memory_space<vmem_shared>>) offsets(%arg15 : memref<80xi32, #tpu.memory_space<vmem>>) semaphore(%arg22 : memref<!tpu.dma_semaphore, #tpu.memory_space<semaphore_mem>>) {add = true}
      %add3A_103 = arith.constant 1 : i32
      %add3A_104 = arith.addi %add3A_83, %add3A_103 : i32
      %dma_wait3A_105 = arith.constant 0 : i32
      %dma_wait3A_106 = arith.constant 0 : i32
      %dma_wait3A_107 = tpu.memref_slice %arg16[%dma_wait3A_105, %dma_wait3A_106] : memref<10000x128xf32, #tpu.memory_space<vmem_shared>> -> memref<10000x128xf32, #tpu.memory_space<vmem_shared>>
      tpu.wait_indirect_dma semaphore(%arg21 : memref<!tpu.dma_semaphore, #tpu.memory_space<semaphore_mem>>) src(%arg8 : memref<80x128xf32, #tpu.memory_space<vmem>>) dst(%dma_wait3A_107 : memref<10000x128xf32, #tpu.memory_space<vmem_shared>>)
      %add3A_108 = arith.constant 1 : i32
      %add3A_109 = arith.addi %add3A_104, %add3A_108 : i32
      %mul3A_110 = arith.constant 80 : i32
      %mul3A_111 = arith.muli %add3A_109, %mul3A_110 : i32
      %add3A_112 = arith.addi %mul3A_4, %mul3A_111 : i32
      "tpu.region"() ({
        %run_scoped3A = tpu.sem_alloc : memref<!tpu.dma_semaphore, #tpu.memory_space<semaphore_mem>>
        %dma_start3A_141 = tpu.memref_slice %arg3[%add3A_112] : memref<320000xi32, #tpu.memory_space<hbm>> -> memref<80xi32, #tpu.memory_space<hbm>>
        %dma_start3A_142 = tpu.memref_slice %arg3[%add3A_112] : memref<320000xi32, #tpu.memory_space<hbm>> -> memref<80xi32, #tpu.memory_space<hbm>>
        tpu.enqueue_dma source(%dma_start3A_142 : memref<80xi32, #tpu.memory_space<hbm>>) target(%arg12 : memref<80xi32, #tpu.memory_space<vmem>>) target_semaphore(%run_scoped3A : memref<!tpu.dma_semaphore, #tpu.memory_space<semaphore_mem>>)
        %dma_wait3A_143 = tpu.memref_slice %arg3[%add3A_112] : memref<320000xi32, #tpu.memory_space<hbm>> -> memref<80xi32, #tpu.memory_space<hbm>>
        %dma_wait3A_144 = tpu.memref_slice %arg3[%add3A_112] : memref<320000xi32, #tpu.memory_space<hbm>> -> memref<80xi32, #tpu.memory_space<hbm>>
        tpu.wait_dma2 semaphore(%run_scoped3A : memref<!tpu.dma_semaphore, #tpu.memory_space<semaphore_mem>>) src(%dma_wait3A_144 : memref<80xi32, #tpu.memory_space<hbm>>) dst(%arg12 : memref<80xi32, #tpu.memory_space<vmem>>)
        tpu.yield
      }) : () -> ()
      "tpu.region"() ({
        %run_scoped3A = tpu.sem_alloc : memref<!tpu.dma_semaphore, #tpu.memory_space<semaphore_mem>>
        %dma_start3A_141 = tpu.memref_slice %arg4[%add3A_112] : memref<320000xi32, #tpu.memory_space<hbm>> -> memref<80xi32, #tpu.memory_space<hbm>>
        %dma_start3A_142 = tpu.memref_slice %arg4[%add3A_112] : memref<320000xi32, #tpu.memory_space<hbm>> -> memref<80xi32, #tpu.memory_space<hbm>>
        tpu.enqueue_dma source(%dma_start3A_142 : memref<80xi32, #tpu.memory_space<hbm>>) target(%arg13 : memref<80xi32, #tpu.memory_space<vmem>>) target_semaphore(%run_scoped3A : memref<!tpu.dma_semaphore, #tpu.memory_space<semaphore_mem>>)
        %dma_wait3A_143 = tpu.memref_slice %arg4[%add3A_112] : memref<320000xi32, #tpu.memory_space<hbm>> -> memref<80xi32, #tpu.memory_space<hbm>>
        %dma_wait3A_144 = tpu.memref_slice %arg4[%add3A_112] : memref<320000xi32, #tpu.memory_space<hbm>> -> memref<80xi32, #tpu.memory_space<hbm>>
        tpu.wait_dma2 semaphore(%run_scoped3A : memref<!tpu.dma_semaphore, #tpu.memory_space<semaphore_mem>>) src(%dma_wait3A_144 : memref<80xi32, #tpu.memory_space<hbm>>) dst(%arg13 : memref<80xi32, #tpu.memory_space<vmem>>)
        tpu.yield
      }) : () -> ()
      %dma_start3A_113 = arith.constant 0 : i32
      %dma_start3A_114 = arith.constant 0 : i32
      %dma_start3A_115 = tpu.memref_slice %arg2[%dma_start3A_113, %dma_start3A_114] : memref<10000x128xf32, #tpu.memory_space<hbm>> -> memref<10000x128xf32, #tpu.memory_space<hbm>>
      tpu.enqueue_indirect_dma source(%dma_start3A_115 : memref<10000x128xf32, #tpu.memory_space<hbm>>) target(%arg8 : memref<80x128xf32, #tpu.memory_space<vmem>>) offsets(%arg12 : memref<80xi32, #tpu.memory_space<vmem>>) semaphore(%arg18 : memref<!tpu.dma_semaphore, #tpu.memory_space<semaphore_mem>>)
      %dma_wait3A_116 = arith.constant 0 : i32
      %dma_wait3A_117 = arith.constant 0 : i32
      %dma_wait3A_118 = tpu.memref_slice %arg2[%dma_wait3A_116, %dma_wait3A_117] : memref<10000x128xf32, #tpu.memory_space<hbm>> -> memref<10000x128xf32, #tpu.memory_space<hbm>>
      tpu.wait_indirect_dma semaphore(%arg17 : memref<!tpu.dma_semaphore, #tpu.memory_space<semaphore_mem>>) src(%dma_wait3A_118 : memref<10000x128xf32, #tpu.memory_space<hbm>>) dst(%arg7 : memref<80x128xf32, #tpu.memory_space<vmem>>)
      %dma_start3A_119 = arith.constant 0 : i32
      %dma_start3A_120 = arith.constant 0 : i32
      %dma_start3A_121 = tpu.memref_slice %arg16[%dma_start3A_119, %dma_start3A_120] : memref<10000x128xf32, #tpu.memory_space<vmem_shared>> -> memref<10000x128xf32, #tpu.memory_space<vmem_shared>>
      tpu.enqueue_indirect_dma source(%arg7 : memref<80x128xf32, #tpu.memory_space<vmem>>) target(%dma_start3A_121 : memref<10000x128xf32, #tpu.memory_space<vmem_shared>>) offsets(%arg11 : memref<80xi32, #tpu.memory_space<vmem>>) semaphore(%arg20 : memref<!tpu.dma_semaphore, #tpu.memory_space<semaphore_mem>>) {add = true}
      %add3A_122 = arith.constant 2 : i32
      %add3A_123 = arith.addi %add3A_83, %add3A_122 : i32
      %dma_wait3A_124 = arith.constant 0 : i32
      %dma_wait3A_125 = arith.constant 0 : i32
      %dma_wait3A_126 = tpu.memref_slice %arg16[%dma_wait3A_124, %dma_wait3A_125] : memref<10000x128xf32, #tpu.memory_space<vmem_shared>> -> memref<10000x128xf32, #tpu.memory_space<vmem_shared>>
      tpu.wait_indirect_dma semaphore(%arg22 : memref<!tpu.dma_semaphore, #tpu.memory_space<semaphore_mem>>) src(%arg9 : memref<80x128xf32, #tpu.memory_space<vmem>>) dst(%dma_wait3A_126 : memref<10000x128xf32, #tpu.memory_space<vmem_shared>>)
      %add3A_127 = arith.constant 1 : i32
      %add3A_128 = arith.addi %add3A_123, %add3A_127 : i32
      %mul3A_129 = arith.constant 80 : i32
      %mul3A_130 = arith.muli %add3A_128, %mul3A_129 : i32
      %add3A_131 = arith.addi %mul3A_4, %mul3A_130 : i32
      "tpu.region"() ({
        %run_scoped3A = tpu.sem_alloc : memref<!tpu.dma_semaphore, #tpu.memory_space<semaphore_mem>>
        %dma_start3A_141 = tpu.memref_slice %arg3[%add3A_131] : memref<320000xi32, #tpu.memory_space<hbm>> -> memref<80xi32, #tpu.memory_space<hbm>>
        %dma_start3A_142 = tpu.memref_slice %arg3[%add3A_131] : memref<320000xi32, #tpu.memory_space<hbm>> -> memref<80xi32, #tpu.memory_space<hbm>>
        tpu.enqueue_dma source(%dma_start3A_142 : memref<80xi32, #tpu.memory_space<hbm>>) target(%arg14 : memref<80xi32, #tpu.memory_space<vmem>>) target_semaphore(%run_scoped3A : memref<!tpu.dma_semaphore, #tpu.memory_space<semaphore_mem>>)
        %dma_wait3A_143 = tpu.memref_slice %arg3[%add3A_131] : memref<320000xi32, #tpu.memory_space<hbm>> -> memref<80xi32, #tpu.memory_space<hbm>>
        %dma_wait3A_144 = tpu.memref_slice %arg3[%add3A_131] : memref<320000xi32, #tpu.memory_space<hbm>> -> memref<80xi32, #tpu.memory_space<hbm>>
        tpu.wait_dma2 semaphore(%run_scoped3A : memref<!tpu.dma_semaphore, #tpu.memory_space<semaphore_mem>>) src(%dma_wait3A_144 : memref<80xi32, #tpu.memory_space<hbm>>) dst(%arg14 : memref<80xi32, #tpu.memory_space<vmem>>)
        tpu.yield
      }) : () -> ()
      "tpu.region"() ({
        %run_scoped3A = tpu.sem_alloc : memref<!tpu.dma_semaphore, #tpu.memory_space<semaphore_mem>>
        %dma_start3A_141 = tpu.memref_slice %arg4[%add3A_131] : memref<320000xi32, #tpu.memory_space<hbm>> -> memref<80xi32, #tpu.memory_space<hbm>>
        %dma_start3A_142 = tpu.memref_slice %arg4[%add3A_131] : memref<320000xi32, #tpu.memory_space<hbm>> -> memref<80xi32, #tpu.memory_space<hbm>>
        tpu.enqueue_dma source(%dma_start3A_142 : memref<80xi32, #tpu.memory_space<hbm>>) target(%arg15 : memref<80xi32, #tpu.memory_space<vmem>>) target_semaphore(%run_scoped3A : memref<!tpu.dma_semaphore, #tpu.memory_space<semaphore_mem>>)
        %dma_wait3A_143 = tpu.memref_slice %arg4[%add3A_131] : memref<320000xi32, #tpu.memory_space<hbm>> -> memref<80xi32, #tpu.memory_space<hbm>>
        %dma_wait3A_144 = tpu.memref_slice %arg4[%add3A_131] : memref<320000xi32, #tpu.memory_space<hbm>> -> memref<80xi32, #tpu.memory_space<hbm>>
        tpu.wait_dma2 semaphore(%run_scoped3A : memref<!tpu.dma_semaphore, #tpu.memory_space<semaphore_mem>>) src(%dma_wait3A_144 : memref<80xi32, #tpu.memory_space<hbm>>) dst(%arg15 : memref<80xi32, #tpu.memory_space<vmem>>)
        tpu.yield
      }) : () -> ()
      %dma_start3A_132 = arith.constant 0 : i32
      %dma_start3A_133 = arith.constant 0 : i32
      %dma_start3A_134 = tpu.memref_slice %arg2[%dma_start3A_132, %dma_start3A_133] : memref<10000x128xf32, #tpu.memory_space<hbm>> -> memref<10000x128xf32, #tpu.memory_space<hbm>>
      tpu.enqueue_indirect_dma source(%dma_start3A_134 : memref<10000x128xf32, #tpu.memory_space<hbm>>) target(%arg9 : memref<80x128xf32, #tpu.memory_space<vmem>>) offsets(%arg14 : memref<80xi32, #tpu.memory_space<vmem>>) semaphore(%arg19 : memref<!tpu.dma_semaphore, #tpu.memory_space<semaphore_mem>>)
      %dma_wait3A_135 = arith.constant 0 : i32
      %dma_wait3A_136 = arith.constant 0 : i32
      %dma_wait3A_137 = tpu.memref_slice %arg2[%dma_wait3A_135, %dma_wait3A_136] : memref<10000x128xf32, #tpu.memory_space<hbm>> -> memref<10000x128xf32, #tpu.memory_space<hbm>>
      tpu.wait_indirect_dma semaphore(%arg18 : memref<!tpu.dma_semaphore, #tpu.memory_space<semaphore_mem>>) src(%dma_wait3A_137 : memref<10000x128xf32, #tpu.memory_space<hbm>>) dst(%arg8 : memref<80x128xf32, #tpu.memory_space<vmem>>)
      %dma_start3A_138 = arith.constant 0 : i32
      %dma_start3A_139 = arith.constant 0 : i32
      %dma_start3A_140 = tpu.memref_slice %arg16[%dma_start3A_138, %dma_start3A_139] : memref<10000x128xf32, #tpu.memory_space<vmem_shared>> -> memref<10000x128xf32, #tpu.memory_space<vmem_shared>>
      tpu.enqueue_indirect_dma source(%arg8 : memref<80x128xf32, #tpu.memory_space<vmem>>) target(%dma_start3A_140 : memref<10000x128xf32, #tpu.memory_space<vmem_shared>>) offsets(%arg13 : memref<80xi32, #tpu.memory_space<vmem>>) semaphore(%arg21 : memref<!tpu.dma_semaphore, #tpu.memory_space<semaphore_mem>>) {add = true}
    }
    %scan3A_34 = arith.constant 40 : i32
    %dma_wait3A_35 = arith.constant 0 : i32
    %dma_wait3A_36 = arith.constant 0 : i32
    %dma_wait3A_37 = tpu.memref_slice %arg16[%dma_wait3A_35, %dma_wait3A_36] : memref<10000x128xf32, #tpu.memory_space<vmem_shared>> -> memref<10000x128xf32, #tpu.memory_space<vmem_shared>>
    tpu.wait_indirect_dma semaphore(%arg20 : memref<!tpu.dma_semaphore, #tpu.memory_space<semaphore_mem>>) src(%arg7 : memref<80x128xf32, #tpu.memory_space<vmem>>) dst(%dma_wait3A_37 : memref<10000x128xf32, #tpu.memory_space<vmem_shared>>)
    %add3A_38 = arith.constant 9840 : i32
    %add3A_39 = arith.addi %mul3A_4, %add3A_38 : i32
    "tpu.region"() ({
      %run_scoped3A = tpu.sem_alloc : memref<!tpu.dma_semaphore, #tpu.memory_space<semaphore_mem>>
      %dma_start3A_79 = tpu.memref_slice %arg3[%add3A_39] : memref<320000xi32, #tpu.memory_space<hbm>> -> memref<80xi32, #tpu.memory_space<hbm>>
      %dma_start3A_80 = tpu.memref_slice %arg3[%add3A_39] : memref<320000xi32, #tpu.memory_space<hbm>> -> memref<80xi32, #tpu.memory_space<hbm>>
      tpu.enqueue_dma source(%dma_start3A_80 : memref<80xi32, #tpu.memory_space<hbm>>) target(%arg10 : memref<80xi32, #tpu.memory_space<vmem>>) target_semaphore(%run_scoped3A : memref<!tpu.dma_semaphore, #tpu.memory_space<semaphore_mem>>)
      %dma_wait3A_81 = tpu.memref_slice %arg3[%add3A_39] : memref<320000xi32, #tpu.memory_space<hbm>> -> memref<80xi32, #tpu.memory_space<hbm>>
      %dma_wait3A_82 = tpu.memref_slice %arg3[%add3A_39] : memref<320000xi32, #tpu.memory_space<hbm>> -> memref<80xi32, #tpu.memory_space<hbm>>
      tpu.wait_dma2 semaphore(%run_scoped3A : memref<!tpu.dma_semaphore, #tpu.memory_space<semaphore_mem>>) src(%dma_wait3A_82 : memref<80xi32, #tpu.memory_space<hbm>>) dst(%arg10 : memref<80xi32, #tpu.memory_space<vmem>>)
      tpu.yield
    }) : () -> ()
    "tpu.region"() ({
      %run_scoped3A = tpu.sem_alloc : memref<!tpu.dma_semaphore, #tpu.memory_space<semaphore_mem>>
      %dma_start3A_79 = tpu.memref_slice %arg4[%add3A_39] : memref<320000xi32, #tpu.memory_space<hbm>> -> memref<80xi32, #tpu.memory_space<hbm>>
      %dma_start3A_80 = tpu.memref_slice %arg4[%add3A_39] : memref<320000xi32, #tpu.memory_space<hbm>> -> memref<80xi32, #tpu.memory_space<hbm>>
      tpu.enqueue_dma source(%dma_start3A_80 : memref<80xi32, #tpu.memory_space<hbm>>) target(%arg11 : memref<80xi32, #tpu.memory_space<vmem>>) target_semaphore(%run_scoped3A : memref<!tpu.dma_semaphore, #tpu.memory_space<semaphore_mem>>)
      %dma_wait3A_81 = tpu.memref_slice %arg4[%add3A_39] : memref<320000xi32, #tpu.memory_space<hbm>> -> memref<80xi32, #tpu.memory_space<hbm>>
      %dma_wait3A_82 = tpu.memref_slice %arg4[%add3A_39] : memref<320000xi32, #tpu.memory_space<hbm>> -> memref<80xi32, #tpu.memory_space<hbm>>
      tpu.wait_dma2 semaphore(%run_scoped3A : memref<!tpu.dma_semaphore, #tpu.memory_space<semaphore_mem>>) src(%dma_wait3A_82 : memref<80xi32, #tpu.memory_space<hbm>>) dst(%arg11 : memref<80xi32, #tpu.memory_space<vmem>>)
      tpu.yield
    }) : () -> ()
    %dma_start3A_40 = arith.constant 0 : i32
    %dma_start3A_41 = arith.constant 0 : i32
    %dma_start3A_42 = tpu.memref_slice %arg2[%dma_start3A_40, %dma_start3A_41] : memref<10000x128xf32, #tpu.memory_space<hbm>> -> memref<10000x128xf32, #tpu.memory_space<hbm>>
    tpu.enqueue_indirect_dma source(%dma_start3A_42 : memref<10000x128xf32, #tpu.memory_space<hbm>>) target(%arg7 : memref<80x128xf32, #tpu.memory_space<vmem>>) offsets(%arg10 : memref<80xi32, #tpu.memory_space<vmem>>) semaphore(%arg17 : memref<!tpu.dma_semaphore, #tpu.memory_space<semaphore_mem>>)
    %dma_wait3A_43 = arith.constant 0 : i32
    %dma_wait3A_44 = arith.constant 0 : i32
    %dma_wait3A_45 = tpu.memref_slice %arg2[%dma_wait3A_43, %dma_wait3A_44] : memref<10000x128xf32, #tpu.memory_space<hbm>> -> memref<10000x128xf32, #tpu.memory_space<hbm>>
    tpu.wait_indirect_dma semaphore(%arg19 : memref<!tpu.dma_semaphore, #tpu.memory_space<semaphore_mem>>) src(%dma_wait3A_45 : memref<10000x128xf32, #tpu.memory_space<hbm>>) dst(%arg9 : memref<80x128xf32, #tpu.memory_space<vmem>>)
    %dma_start3A_46 = arith.constant 0 : i32
    %dma_start3A_47 = arith.constant 0 : i32
    %dma_start3A_48 = tpu.memref_slice %arg16[%dma_start3A_46, %dma_start3A_47] : memref<10000x128xf32, #tpu.memory_space<vmem_shared>> -> memref<10000x128xf32, #tpu.memory_space<vmem_shared>>
    tpu.enqueue_indirect_dma source(%arg9 : memref<80x128xf32, #tpu.memory_space<vmem>>) target(%dma_start3A_48 : memref<10000x128xf32, #tpu.memory_space<vmem_shared>>) offsets(%arg15 : memref<80xi32, #tpu.memory_space<vmem>>) semaphore(%arg22 : memref<!tpu.dma_semaphore, #tpu.memory_space<semaphore_mem>>) {add = true}
    %dma_wait3A_49 = arith.constant 0 : i32
    %dma_wait3A_50 = arith.constant 0 : i32
    %dma_wait3A_51 = tpu.memref_slice %arg16[%dma_wait3A_49, %dma_wait3A_50] : memref<10000x128xf32, #tpu.memory_space<vmem_shared>> -> memref<10000x128xf32, #tpu.memory_space<vmem_shared>>
    tpu.wait_indirect_dma semaphore(%arg21 : memref<!tpu.dma_semaphore, #tpu.memory_space<semaphore_mem>>) src(%arg8 : memref<80x128xf32, #tpu.memory_space<vmem>>) dst(%dma_wait3A_51 : memref<10000x128xf32, #tpu.memory_space<vmem_shared>>)
    %add3A_52 = arith.constant 9920 : i32
    %add3A_53 = arith.addi %mul3A_4, %add3A_52 : i32
    "tpu.region"() ({
      %run_scoped3A = tpu.sem_alloc : memref<!tpu.dma_semaphore, #tpu.memory_space<semaphore_mem>>
      %dma_start3A_79 = tpu.memref_slice %arg3[%add3A_53] : memref<320000xi32, #tpu.memory_space<hbm>> -> memref<80xi32, #tpu.memory_space<hbm>>
      %dma_start3A_80 = tpu.memref_slice %arg3[%add3A_53] : memref<320000xi32, #tpu.memory_space<hbm>> -> memref<80xi32, #tpu.memory_space<hbm>>
      tpu.enqueue_dma source(%dma_start3A_80 : memref<80xi32, #tpu.memory_space<hbm>>) target(%arg12 : memref<80xi32, #tpu.memory_space<vmem>>) target_semaphore(%run_scoped3A : memref<!tpu.dma_semaphore, #tpu.memory_space<semaphore_mem>>)
      %dma_wait3A_81 = tpu.memref_slice %arg3[%add3A_53] : memref<320000xi32, #tpu.memory_space<hbm>> -> memref<80xi32, #tpu.memory_space<hbm>>
      %dma_wait3A_82 = tpu.memref_slice %arg3[%add3A_53] : memref<320000xi32, #tpu.memory_space<hbm>> -> memref<80xi32, #tpu.memory_space<hbm>>
      tpu.wait_dma2 semaphore(%run_scoped3A : memref<!tpu.dma_semaphore, #tpu.memory_space<semaphore_mem>>) src(%dma_wait3A_82 : memref<80xi32, #tpu.memory_space<hbm>>) dst(%arg12 : memref<80xi32, #tpu.memory_space<vmem>>)
      tpu.yield
    }) : () -> ()
    "tpu.region"() ({
      %run_scoped3A = tpu.sem_alloc : memref<!tpu.dma_semaphore, #tpu.memory_space<semaphore_mem>>
      %dma_start3A_79 = tpu.memref_slice %arg4[%add3A_53] : memref<320000xi32, #tpu.memory_space<hbm>> -> memref<80xi32, #tpu.memory_space<hbm>>
      %dma_start3A_80 = tpu.memref_slice %arg4[%add3A_53] : memref<320000xi32, #tpu.memory_space<hbm>> -> memref<80xi32, #tpu.memory_space<hbm>>
      tpu.enqueue_dma source(%dma_start3A_80 : memref<80xi32, #tpu.memory_space<hbm>>) target(%arg13 : memref<80xi32, #tpu.memory_space<vmem>>) target_semaphore(%run_scoped3A : memref<!tpu.dma_semaphore, #tpu.memory_space<semaphore_mem>>)
      %dma_wait3A_81 = tpu.memref_slice %arg4[%add3A_53] : memref<320000xi32, #tpu.memory_space<hbm>> -> memref<80xi32, #tpu.memory_space<hbm>>
      %dma_wait3A_82 = tpu.memref_slice %arg4[%add3A_53] : memref<320000xi32, #tpu.memory_space<hbm>> -> memref<80xi32, #tpu.memory_space<hbm>>
      tpu.wait_dma2 semaphore(%run_scoped3A : memref<!tpu.dma_semaphore, #tpu.memory_space<semaphore_mem>>) src(%dma_wait3A_82 : memref<80xi32, #tpu.memory_space<hbm>>) dst(%arg13 : memref<80xi32, #tpu.memory_space<vmem>>)
      tpu.yield
    }) : () -> ()
    %dma_start3A_54 = arith.constant 0 : i32
    %dma_start3A_55 = arith.constant 0 : i32
    %dma_start3A_56 = tpu.memref_slice %arg2[%dma_start3A_54, %dma_start3A_55] : memref<10000x128xf32, #tpu.memory_space<hbm>> -> memref<10000x128xf32, #tpu.memory_space<hbm>>
    tpu.enqueue_indirect_dma source(%dma_start3A_56 : memref<10000x128xf32, #tpu.memory_space<hbm>>) target(%arg8 : memref<80x128xf32, #tpu.memory_space<vmem>>) offsets(%arg12 : memref<80xi32, #tpu.memory_space<vmem>>) semaphore(%arg18 : memref<!tpu.dma_semaphore, #tpu.memory_space<semaphore_mem>>)
    %dma_wait3A_57 = arith.constant 0 : i32
    %dma_wait3A_58 = arith.constant 0 : i32
    %dma_wait3A_59 = tpu.memref_slice %arg2[%dma_wait3A_57, %dma_wait3A_58] : memref<10000x128xf32, #tpu.memory_space<hbm>> -> memref<10000x128xf32, #tpu.memory_space<hbm>>
    tpu.wait_indirect_dma semaphore(%arg17 : memref<!tpu.dma_semaphore, #tpu.memory_space<semaphore_mem>>) src(%dma_wait3A_59 : memref<10000x128xf32, #tpu.memory_space<hbm>>) dst(%arg7 : memref<80x128xf32, #tpu.memory_space<vmem>>)
    %dma_start3A_60 = arith.constant 0 : i32
    %dma_start3A_61 = arith.constant 0 : i32
    %dma_start3A_62 = tpu.memref_slice %arg16[%dma_start3A_60, %dma_start3A_61] : memref<10000x128xf32, #tpu.memory_space<vmem_shared>> -> memref<10000x128xf32, #tpu.memory_space<vmem_shared>>
    tpu.enqueue_indirect_dma source(%arg7 : memref<80x128xf32, #tpu.memory_space<vmem>>) target(%dma_start3A_62 : memref<10000x128xf32, #tpu.memory_space<vmem_shared>>) offsets(%arg11 : memref<80xi32, #tpu.memory_space<vmem>>) semaphore(%arg20 : memref<!tpu.dma_semaphore, #tpu.memory_space<semaphore_mem>>) {add = true}
    %dma_wait3A_63 = arith.constant 0 : i32
    %dma_wait3A_64 = arith.constant 0 : i32
    %dma_wait3A_65 = tpu.memref_slice %arg2[%dma_wait3A_63, %dma_wait3A_64] : memref<10000x128xf32, #tpu.memory_space<hbm>> -> memref<10000x128xf32, #tpu.memory_space<hbm>>
    tpu.wait_indirect_dma semaphore(%arg18 : memref<!tpu.dma_semaphore, #tpu.memory_space<semaphore_mem>>) src(%dma_wait3A_65 : memref<10000x128xf32, #tpu.memory_space<hbm>>) dst(%arg8 : memref<80x128xf32, #tpu.memory_space<vmem>>)
    %dma_start3A_66 = arith.constant 0 : i32
    %dma_start3A_67 = arith.constant 0 : i32
    %dma_start3A_68 = tpu.memref_slice %arg16[%dma_start3A_66, %dma_start3A_67] : memref<10000x128xf32, #tpu.memory_space<vmem_shared>> -> memref<10000x128xf32, #tpu.memory_space<vmem_shared>>
    tpu.enqueue_indirect_dma source(%arg8 : memref<80x128xf32, #tpu.memory_space<vmem>>) target(%dma_start3A_68 : memref<10000x128xf32, #tpu.memory_space<vmem_shared>>) offsets(%arg13 : memref<80xi32, #tpu.memory_space<vmem>>) semaphore(%arg21 : memref<!tpu.dma_semaphore, #tpu.memory_space<semaphore_mem>>) {add = true}
    %dma_wait3A_69 = arith.constant 0 : i32
    %dma_wait3A_70 = arith.constant 0 : i32
    %dma_wait3A_71 = tpu.memref_slice %arg16[%dma_wait3A_69, %dma_wait3A_70] : memref<10000x128xf32, #tpu.memory_space<vmem_shared>> -> memref<10000x128xf32, #tpu.memory_space<vmem_shared>>
    tpu.wait_indirect_dma semaphore(%arg20 : memref<!tpu.dma_semaphore, #tpu.memory_space<semaphore_mem>>) src(%arg7 : memref<80x128xf32, #tpu.memory_space<vmem>>) dst(%dma_wait3A_71 : memref<10000x128xf32, #tpu.memory_space<vmem_shared>>)
    %dma_wait3A_72 = arith.constant 0 : i32
    %dma_wait3A_73 = arith.constant 0 : i32
    %dma_wait3A_74 = tpu.memref_slice %arg16[%dma_wait3A_72, %dma_wait3A_73] : memref<10000x128xf32, #tpu.memory_space<vmem_shared>> -> memref<10000x128xf32, #tpu.memory_space<vmem_shared>>
    tpu.wait_indirect_dma semaphore(%arg21 : memref<!tpu.dma_semaphore, #tpu.memory_space<semaphore_mem>>) src(%arg8 : memref<80x128xf32, #tpu.memory_space<vmem>>) dst(%dma_wait3A_74 : memref<10000x128xf32, #tpu.memory_space<vmem_shared>>)
    %dma_wait3A_75 = arith.constant 0 : i32
    %dma_wait3A_76 = arith.constant 0 : i32
    %dma_wait3A_77 = tpu.memref_slice %arg16[%dma_wait3A_75, %dma_wait3A_76] : memref<10000x128xf32, #tpu.memory_space<vmem_shared>> -> memref<10000x128xf32, #tpu.memory_space<vmem_shared>>
    tpu.wait_indirect_dma semaphore(%arg22 : memref<!tpu.dma_semaphore, #tpu.memory_space<semaphore_mem>>) src(%arg9 : memref<80x128xf32, #tpu.memory_space<vmem>>) dst(%dma_wait3A_77 : memref<10000x128xf32, #tpu.memory_space<vmem_shared>>)
    %barrier3A_78 = arith.constant 0 : index
    tpu.barrier barrier_id(%barrier3A_78)
    "tpu.region"() ({
      %run_scoped3A = tpu.sem_alloc : memref<!tpu.dma_semaphore, #tpu.memory_space<semaphore_mem>>
      %dma_start3A_79 = arith.constant 0 : i32
      %dma_start3A_80 = arith.constant 0 : i32
      %dma_start3A_81 = tpu.memref_slice %arg6[%arg0, %arg1, %dma_start3A_79, %dma_start3A_80] : memref<2x16x625x128xf32, #tpu.memory_space<hbm>> -> memref<1x1x625x128xf32, #tpu.memory_space<hbm>>
      %dma_start3A_82 = tpu.memref_squeeze %dma_start3A_81 : memref<1x1x625x128xf32, #tpu.memory_space<hbm>> -> memref<625x128xf32, #tpu.memory_space<hbm>>
      %dma_start3A_83 = arith.constant 0 : i32
      %dma_start3A_84 = tpu.memref_slice %arg16[%mul3A_2, %dma_start3A_83] : memref<10000x128xf32, #tpu.memory_space<vmem_shared>> -> memref<625x128xf32, #tpu.memory_space<vmem_shared>>
      tpu.enqueue_dma source(%dma_start3A_84 : memref<625x128xf32, #tpu.memory_space<vmem_shared>>) target(%dma_start3A_82 : memref<625x128xf32, #tpu.memory_space<hbm>>) target_semaphore(%run_scoped3A : memref<!tpu.dma_semaphore, #tpu.memory_space<semaphore_mem>>)
      %dma_wait3A_85 = arith.constant 0 : i32
      %dma_wait3A_86 = arith.constant 0 : i32
      %dma_wait3A_87 = tpu.memref_slice %arg6[%arg0, %arg1, %dma_wait3A_85, %dma_wait3A_86] : memref<2x16x625x128xf32, #tpu.memory_space<hbm>> -> memref<1x1x625x128xf32, #tpu.memory_space<hbm>>
      %dma_wait3A_88 = tpu.memref_squeeze %dma_wait3A_87 : memref<1x1x625x128xf32, #tpu.memory_space<hbm>> -> memref<625x128xf32, #tpu.memory_space<hbm>>
      %dma_wait3A_89 = arith.constant 0 : i32
      %dma_wait3A_90 = tpu.memref_slice %arg16[%mul3A_2, %dma_wait3A_89] : memref<10000x128xf32, #tpu.memory_space<vmem_shared>> -> memref<625x128xf32, #tpu.memory_space<vmem_shared>>
      tpu.wait_dma2 semaphore(%run_scoped3A : memref<!tpu.dma_semaphore, #tpu.memory_space<semaphore_mem>>) src(%dma_wait3A_90 : memref<625x128xf32, #tpu.memory_space<vmem_shared>>) dst(%dma_wait3A_88 : memref<625x128xf32, #tpu.memory_space<hbm>>)
      tpu.yield
    }) : () -> ()
    return
  }
}

#map = affine_map<(d0, d1) -> (0, 0)>
#map1 = affine_map<(d0, d1) -> (0)>
#map2 = affine_map<(d0, d1) -> (0, 0, 0, 0)>
#map3 = affine_map<(d0, d1) -> (0, 0, 0)>
module attributes {stable_mosaic.version = 14 : i64} {
  func.func @body(%arg0: i32, %arg1: i32, %arg2: memref<10000x128xf32, #tpu.memory_space<hbm>>, %arg3: memref<320000xi32, #tpu.memory_space<hbm>>, %arg4: memref<320000xi32, #tpu.memory_space<hbm>>, %arg5: memref<625x128xf32, #tpu.memory_space<hbm>>, %arg6: memref<2x16x625x128xf32, #tpu.memory_space<hbm>>, %arg7: memref<2x1x10240xf32, #tpu.memory_space<hbm>>, %arg8: memref<80x128xf32, #tpu.memory_space<vmem>>, %arg9: memref<80x128xf32, #tpu.memory_space<vmem>>, %arg10: memref<80x128xf32, #tpu.memory_space<vmem>>, %arg11: memref<80xi32, #tpu.memory_space<vmem>>, %arg12: memref<80xi32, #tpu.memory_space<vmem>>, %arg13: memref<80xi32, #tpu.memory_space<vmem>>, %arg14: memref<80xi32, #tpu.memory_space<vmem>>, %arg15: memref<80xi32, #tpu.memory_space<vmem>>, %arg16: memref<80xi32, #tpu.memory_space<vmem>>, %arg17: memref<10000x128xf32, #tpu.memory_space<vmem_shared>>, %arg18: memref<!tpu.dma_semaphore, #tpu.memory_space<semaphore_mem>>, %arg19: memref<!tpu.dma_semaphore, #tpu.memory_space<semaphore_mem>>, %arg20: memref<!tpu.dma_semaphore, #tpu.memory_space<semaphore_mem>>, %arg21: memref<!tpu.dma_semaphore, #tpu.memory_space<semaphore_mem>>, %arg22: memref<!tpu.dma_semaphore, #tpu.memory_space<semaphore_mem>>, %arg23: memref<!tpu.dma_semaphore, #tpu.memory_space<semaphore_mem>>, %arg24: memref<80xf32, #tpu.memory_space<vmem>>, %arg25: memref<640xf32, #tpu.memory_space<vmem>>, %arg26: memref<10240xf32, #tpu.memory_space<vmem_shared>>) attributes {dimension_semantics = [#tpu.dimension_semantics<core_parallel>, #tpu.dimension_semantics<subcore_parallel>], iteration_bounds = array<i64: 2, 16>, scalar_prefetch = 0 : i64, scratch_operands = 19 : i64, tpu.core_type = #tpu.core_type<sc_vector_subcore>, window_params = [{transform_indices = #map}, {transform_indices = #map1}, {transform_indices = #map1}, {transform_indices = #map}, {transform_indices = #map2}, {transform_indices = #map3}]} {
    %mul3A = arith.constant 16 : i32
    %mul3A_0 = arith.muli %arg0, %mul3A : i32
    %add3A = arith.addi %mul3A_0, %arg1 : i32
    %mul3A_1 = arith.constant 625 : i32
    %mul3A_2 = arith.muli %arg1, %mul3A_1 : i32
    %mul3A_3 = arith.constant 10000 : i32
    %mul3A_4 = arith.muli %add3A, %mul3A_3 : i32
    "tpu.region"() ({
      %run_scoped3A_120 = tpu.sem_alloc : memref<!tpu.dma_semaphore, #tpu.memory_space<semaphore_mem>>
      %dma_start3A_121 = arith.constant 0 : i32
      %dma_start3A_122 = tpu.memref_slice %arg17[%mul3A_2, %dma_start3A_121] : memref<10000x128xf32, #tpu.memory_space<vmem_shared>> -> memref<625x128xf32, #tpu.memory_space<vmem_shared>>
      tpu.enqueue_dma source(%arg5 : memref<625x128xf32, #tpu.memory_space<hbm>>) target(%dma_start3A_122 : memref<625x128xf32, #tpu.memory_space<vmem_shared>>) target_semaphore(%run_scoped3A_120 : memref<!tpu.dma_semaphore, #tpu.memory_space<semaphore_mem>>)
      %dma_wait3A_123 = arith.constant 0 : i32
      %dma_wait3A_124 = tpu.memref_slice %arg17[%mul3A_2, %dma_wait3A_123] : memref<10000x128xf32, #tpu.memory_space<vmem_shared>> -> memref<625x128xf32, #tpu.memory_space<vmem_shared>>
      tpu.wait_dma2 semaphore(%run_scoped3A_120 : memref<!tpu.dma_semaphore, #tpu.memory_space<semaphore_mem>>) src(%arg5 : memref<625x128xf32, #tpu.memory_space<hbm>>) dst(%dma_wait3A_124 : memref<625x128xf32, #tpu.memory_space<vmem_shared>>)
      tpu.yield
    }) : () -> ()
    %broadcast_in_dim3A = arith.constant 1.000000e+00 : f32
    %broadcast_in_dim3A_5 = vector.broadcast %broadcast_in_dim3A : f32 to vector<16xf32>
    %broadcast_in_dim3A_6 = arith.constant 0.000000e+00 : f32
    %broadcast_in_dim3A_7 = vector.broadcast %broadcast_in_dim3A_6 : f32 to vector<16xf32>
    %scan3A = arith.constant 0 : i32
    %scan3A_8 = arith.constant 0 : i32
    %scan3A_9 = arith.constant 5 : i32
    %scan3A_10 = arith.addi %scan3A_8, %scan3A_9 : i32
    %scan3A_11 = arith.constant 1 : i32
    scf.for %scan3A_120 = %scan3A_8 to %scan3A_10 step %scan3A_11  : i32 {
      %mul3A_121 = arith.constant 16 : i32
      %mul3A_122 = arith.muli %scan3A_120, %mul3A_121 : i32
      %swap3A = arith.index_cast %mul3A_122 : i32 to index
      %swap3A_123 = tpu.vector_load %arg24[%swap3A] {strides = array<i32>} : memref<80xf32, #tpu.memory_space<vmem>>, vector<16xf32>,
      %swap3A_124 = vector.shape_cast %swap3A_123 : vector<16xf32> to vector<16xf32>
      %swap3A_125 = vector.shape_cast %broadcast_in_dim3A_5 : vector<16xf32> to vector<16xf32>
      tpu.vector_store %arg24[%swap3A], %swap3A_125 {strides = array<i32>} : memref<80xf32, #tpu.memory_space<vmem>>, vector<16xf32>,
    }
    %scan3A_12 = arith.constant 5 : i32
    %scan3A_13 = arith.constant 0 : i32
    %scan3A_14 = arith.constant 0 : i32
    %scan3A_15 = arith.constant 40 : i32
    %scan3A_16 = arith.addi %scan3A_14, %scan3A_15 : i32
    %scan3A_17 = arith.constant 1 : i32
    scf.for %scan3A_120 = %scan3A_14 to %scan3A_16 step %scan3A_17  : i32 {
      %mul3A_121 = arith.constant 16 : i32
      %mul3A_122 = arith.muli %scan3A_120, %mul3A_121 : i32
      %swap3A = arith.index_cast %mul3A_122 : i32 to index
      %swap3A_123 = tpu.vector_load %arg25[%swap3A] {strides = array<i32>} : memref<640xf32, #tpu.memory_space<vmem>>, vector<16xf32>,
      %swap3A_124 = vector.shape_cast %swap3A_123 : vector<16xf32> to vector<16xf32>
      %swap3A_125 = vector.shape_cast %broadcast_in_dim3A_7 : vector<16xf32> to vector<16xf32>
      tpu.vector_store %arg25[%swap3A], %swap3A_125 {strides = array<i32>} : memref<640xf32, #tpu.memory_space<vmem>>, vector<16xf32>,
    }
    %scan3A_18 = arith.constant 40 : i32
    %mul3A_19 = arith.constant 624 : i32
    %mul3A_20 = arith.muli %arg1, %mul3A_19 : i32
    "tpu.region"() ({
      %run_scoped3A_120 = tpu.sem_alloc : memref<!tpu.dma_semaphore, #tpu.memory_space<semaphore_mem>>
      %dma_start3A_121 = tpu.memref_slice %arg26[%mul3A_20] : memref<10240xf32, #tpu.memory_space<vmem_shared>> -> memref<640xf32, #tpu.memory_space<vmem_shared>>
      %dma_start3A_122 = tpu.memref_slice %arg26[%mul3A_20] : memref<10240xf32, #tpu.memory_space<vmem_shared>> -> memref<640xf32, #tpu.memory_space<vmem_shared>>
      tpu.enqueue_dma source(%arg25 : memref<640xf32, #tpu.memory_space<vmem>>) target(%dma_start3A_122 : memref<640xf32, #tpu.memory_space<vmem_shared>>) target_semaphore(%run_scoped3A_120 : memref<!tpu.dma_semaphore, #tpu.memory_space<semaphore_mem>>)
      %dma_wait3A_123 = tpu.memref_slice %arg26[%mul3A_20] : memref<10240xf32, #tpu.memory_space<vmem_shared>> -> memref<640xf32, #tpu.memory_space<vmem_shared>>
      %dma_wait3A_124 = tpu.memref_slice %arg26[%mul3A_20] : memref<10240xf32, #tpu.memory_space<vmem_shared>> -> memref<640xf32, #tpu.memory_space<vmem_shared>>
      tpu.wait_dma2 semaphore(%run_scoped3A_120 : memref<!tpu.dma_semaphore, #tpu.memory_space<semaphore_mem>>) src(%arg25 : memref<640xf32, #tpu.memory_space<vmem>>) dst(%dma_wait3A_124 : memref<640xf32, #tpu.memory_space<vmem_shared>>)
      tpu.yield
    }) : () -> ()
    %barrier3A = arith.constant 0 : index
    tpu.barrier barrier_id(%barrier3A)
    %add3A_21 = arith.constant 0 : i32
    %add3A_22 = arith.addi %mul3A_4, %add3A_21 : i32
    "tpu.region"() ({
      %run_scoped3A_120 = tpu.sem_alloc : memref<!tpu.dma_semaphore, #tpu.memory_space<semaphore_mem>>
      %dma_start3A_121 = tpu.memref_slice %arg3[%add3A_22] : memref<320000xi32, #tpu.memory_space<hbm>> -> memref<80xi32, #tpu.memory_space<hbm>>
      %dma_start3A_122 = tpu.memref_slice %arg3[%add3A_22] : memref<320000xi32, #tpu.memory_space<hbm>> -> memref<80xi32, #tpu.memory_space<hbm>>
      tpu.enqueue_dma source(%dma_start3A_122 : memref<80xi32, #tpu.memory_space<hbm>>) target(%arg11 : memref<80xi32, #tpu.memory_space<vmem>>) target_semaphore(%run_scoped3A_120 : memref<!tpu.dma_semaphore, #tpu.memory_space<semaphore_mem>>)
      %dma_wait3A_123 = tpu.memref_slice %arg3[%add3A_22] : memref<320000xi32, #tpu.memory_space<hbm>> -> memref<80xi32, #tpu.memory_space<hbm>>
      %dma_wait3A_124 = tpu.memref_slice %arg3[%add3A_22] : memref<320000xi32, #tpu.memory_space<hbm>> -> memref<80xi32, #tpu.memory_space<hbm>>
      tpu.wait_dma2 semaphore(%run_scoped3A_120 : memref<!tpu.dma_semaphore, #tpu.memory_space<semaphore_mem>>) src(%dma_wait3A_124 : memref<80xi32, #tpu.memory_space<hbm>>) dst(%arg11 : memref<80xi32, #tpu.memory_space<vmem>>)
      tpu.yield
    }) : () -> ()
    "tpu.region"() ({
      %run_scoped3A_120 = tpu.sem_alloc : memref<!tpu.dma_semaphore, #tpu.memory_space<semaphore_mem>>
      %dma_start3A_121 = tpu.memref_slice %arg4[%add3A_22] : memref<320000xi32, #tpu.memory_space<hbm>> -> memref<80xi32, #tpu.memory_space<hbm>>
      %dma_start3A_122 = tpu.memref_slice %arg4[%add3A_22] : memref<320000xi32, #tpu.memory_space<hbm>> -> memref<80xi32, #tpu.memory_space<hbm>>
      tpu.enqueue_dma source(%dma_start3A_122 : memref<80xi32, #tpu.memory_space<hbm>>) target(%arg12 : memref<80xi32, #tpu.memory_space<vmem>>) target_semaphore(%run_scoped3A_120 : memref<!tpu.dma_semaphore, #tpu.memory_space<semaphore_mem>>)
      %dma_wait3A_123 = tpu.memref_slice %arg4[%add3A_22] : memref<320000xi32, #tpu.memory_space<hbm>> -> memref<80xi32, #tpu.memory_space<hbm>>
      %dma_wait3A_124 = tpu.memref_slice %arg4[%add3A_22] : memref<320000xi32, #tpu.memory_space<hbm>> -> memref<80xi32, #tpu.memory_space<hbm>>
      tpu.wait_dma2 semaphore(%run_scoped3A_120 : memref<!tpu.dma_semaphore, #tpu.memory_space<semaphore_mem>>) src(%dma_wait3A_124 : memref<80xi32, #tpu.memory_space<hbm>>) dst(%arg12 : memref<80xi32, #tpu.memory_space<vmem>>)
      tpu.yield
    }) : () -> ()
    %dma_start3A = arith.constant 0 : i32
    %dma_start3A_23 = arith.constant 0 : i32
    %dma_start3A_24 = tpu.memref_slice %arg2[%dma_start3A, %dma_start3A_23] : memref<10000x128xf32, #tpu.memory_space<hbm>> -> memref<10000x128xf32, #tpu.memory_space<hbm>>
    tpu.enqueue_indirect_dma source(%dma_start3A_24 : memref<10000x128xf32, #tpu.memory_space<hbm>>) target(%arg8 : memref<80x128xf32, #tpu.memory_space<vmem>>) offsets(%arg11 : memref<80xi32, #tpu.memory_space<vmem>>) semaphore(%arg18 : memref<!tpu.dma_semaphore, #tpu.memory_space<semaphore_mem>>)
    %add3A_25 = arith.constant 80 : i32
    %add3A_26 = arith.addi %mul3A_4, %add3A_25 : i32
    "tpu.region"() ({
      %run_scoped3A_120 = tpu.sem_alloc : memref<!tpu.dma_semaphore, #tpu.memory_space<semaphore_mem>>
      %dma_start3A_121 = tpu.memref_slice %arg3[%add3A_26] : memref<320000xi32, #tpu.memory_space<hbm>> -> memref<80xi32, #tpu.memory_space<hbm>>
      %dma_start3A_122 = tpu.memref_slice %arg3[%add3A_26] : memref<320000xi32, #tpu.memory_space<hbm>> -> memref<80xi32, #tpu.memory_space<hbm>>
      tpu.enqueue_dma source(%dma_start3A_122 : memref<80xi32, #tpu.memory_space<hbm>>) target(%arg13 : memref<80xi32, #tpu.memory_space<vmem>>) target_semaphore(%run_scoped3A_120 : memref<!tpu.dma_semaphore, #tpu.memory_space<semaphore_mem>>)
      %dma_wait3A_123 = tpu.memref_slice %arg3[%add3A_26] : memref<320000xi32, #tpu.memory_space<hbm>> -> memref<80xi32, #tpu.memory_space<hbm>>
      %dma_wait3A_124 = tpu.memref_slice %arg3[%add3A_26] : memref<320000xi32, #tpu.memory_space<hbm>> -> memref<80xi32, #tpu.memory_space<hbm>>
      tpu.wait_dma2 semaphore(%run_scoped3A_120 : memref<!tpu.dma_semaphore, #tpu.memory_space<semaphore_mem>>) src(%dma_wait3A_124 : memref<80xi32, #tpu.memory_space<hbm>>) dst(%arg13 : memref<80xi32, #tpu.memory_space<vmem>>)
      tpu.yield
    }) : () -> ()
    "tpu.region"() ({
      %run_scoped3A_120 = tpu.sem_alloc : memref<!tpu.dma_semaphore, #tpu.memory_space<semaphore_mem>>
      %dma_start3A_121 = tpu.memref_slice %arg4[%add3A_26] : memref<320000xi32, #tpu.memory_space<hbm>> -> memref<80xi32, #tpu.memory_space<hbm>>
      %dma_start3A_122 = tpu.memref_slice %arg4[%add3A_26] : memref<320000xi32, #tpu.memory_space<hbm>> -> memref<80xi32, #tpu.memory_space<hbm>>
      tpu.enqueue_dma source(%dma_start3A_122 : memref<80xi32, #tpu.memory_space<hbm>>) target(%arg14 : memref<80xi32, #tpu.memory_space<vmem>>) target_semaphore(%run_scoped3A_120 : memref<!tpu.dma_semaphore, #tpu.memory_space<semaphore_mem>>)
      %dma_wait3A_123 = tpu.memref_slice %arg4[%add3A_26] : memref<320000xi32, #tpu.memory_space<hbm>> -> memref<80xi32, #tpu.memory_space<hbm>>
      %dma_wait3A_124 = tpu.memref_slice %arg4[%add3A_26] : memref<320000xi32, #tpu.memory_space<hbm>> -> memref<80xi32, #tpu.memory_space<hbm>>
      tpu.wait_dma2 semaphore(%run_scoped3A_120 : memref<!tpu.dma_semaphore, #tpu.memory_space<semaphore_mem>>) src(%dma_wait3A_124 : memref<80xi32, #tpu.memory_space<hbm>>) dst(%arg14 : memref<80xi32, #tpu.memory_space<vmem>>)
      tpu.yield
    }) : () -> ()
    %dma_start3A_27 = arith.constant 0 : i32
    %dma_start3A_28 = arith.constant 0 : i32
    %dma_start3A_29 = tpu.memref_slice %arg2[%dma_start3A_27, %dma_start3A_28] : memref<10000x128xf32, #tpu.memory_space<hbm>> -> memref<10000x128xf32, #tpu.memory_space<hbm>>
    tpu.enqueue_indirect_dma source(%dma_start3A_29 : memref<10000x128xf32, #tpu.memory_space<hbm>>) target(%arg9 : memref<80x128xf32, #tpu.memory_space<vmem>>) offsets(%arg13 : memref<80xi32, #tpu.memory_space<vmem>>) semaphore(%arg19 : memref<!tpu.dma_semaphore, #tpu.memory_space<semaphore_mem>>)
    %dma_wait3A = arith.constant 0 : i32
    %dma_wait3A_30 = arith.constant 0 : i32
    %dma_wait3A_31 = tpu.memref_slice %arg2[%dma_wait3A, %dma_wait3A_30] : memref<10000x128xf32, #tpu.memory_space<hbm>> -> memref<10000x128xf32, #tpu.memory_space<hbm>>
    tpu.wait_indirect_dma semaphore(%arg18 : memref<!tpu.dma_semaphore, #tpu.memory_space<semaphore_mem>>) src(%dma_wait3A_31 : memref<10000x128xf32, #tpu.memory_space<hbm>>) dst(%arg8 : memref<80x128xf32, #tpu.memory_space<vmem>>)
    %dma_start3A_32 = arith.constant 0 : i32
    %dma_start3A_33 = arith.constant 0 : i32
    %dma_start3A_34 = tpu.memref_slice %arg17[%dma_start3A_32, %dma_start3A_33] : memref<10000x128xf32, #tpu.memory_space<vmem_shared>> -> memref<10000x128xf32, #tpu.memory_space<vmem_shared>>
    tpu.enqueue_indirect_dma source(%arg8 : memref<80x128xf32, #tpu.memory_space<vmem>>) target(%dma_start3A_34 : memref<10000x128xf32, #tpu.memory_space<vmem_shared>>) offsets(%arg12 : memref<80xi32, #tpu.memory_space<vmem>>) semaphore(%arg21 : memref<!tpu.dma_semaphore, #tpu.memory_space<semaphore_mem>>) {add = true}
    %dma_start3A_35 = arith.constant 0 : i32
    %dma_start3A_36 = tpu.memref_slice %arg26[%dma_start3A_35] : memref<10240xf32, #tpu.memory_space<vmem_shared>> -> memref<10240xf32, #tpu.memory_space<vmem_shared>>
    tpu.enqueue_indirect_dma source(%arg24 : memref<80xf32, #tpu.memory_space<vmem>>) target(%dma_start3A_36 : memref<10240xf32, #tpu.memory_space<vmem_shared>>) offsets(%arg12 : memref<80xi32, #tpu.memory_space<vmem>>) semaphore(%arg21 : memref<!tpu.dma_semaphore, #tpu.memory_space<semaphore_mem>>) {add = true}
    %add3A_37 = arith.constant 160 : i32
    %add3A_38 = arith.addi %mul3A_4, %add3A_37 : i32
    "tpu.region"() ({
      %run_scoped3A_120 = tpu.sem_alloc : memref<!tpu.dma_semaphore, #tpu.memory_space<semaphore_mem>>
      %dma_start3A_121 = tpu.memref_slice %arg3[%add3A_38] : memref<320000xi32, #tpu.memory_space<hbm>> -> memref<80xi32, #tpu.memory_space<hbm>>
      %dma_start3A_122 = tpu.memref_slice %arg3[%add3A_38] : memref<320000xi32, #tpu.memory_space<hbm>> -> memref<80xi32, #tpu.memory_space<hbm>>
      tpu.enqueue_dma source(%dma_start3A_122 : memref<80xi32, #tpu.memory_space<hbm>>) target(%arg15 : memref<80xi32, #tpu.memory_space<vmem>>) target_semaphore(%run_scoped3A_120 : memref<!tpu.dma_semaphore, #tpu.memory_space<semaphore_mem>>)
      %dma_wait3A_123 = tpu.memref_slice %arg3[%add3A_38] : memref<320000xi32, #tpu.memory_space<hbm>> -> memref<80xi32, #tpu.memory_space<hbm>>
      %dma_wait3A_124 = tpu.memref_slice %arg3[%add3A_38] : memref<320000xi32, #tpu.memory_space<hbm>> -> memref<80xi32, #tpu.memory_space<hbm>>
      tpu.wait_dma2 semaphore(%run_scoped3A_120 : memref<!tpu.dma_semaphore, #tpu.memory_space<semaphore_mem>>) src(%dma_wait3A_124 : memref<80xi32, #tpu.memory_space<hbm>>) dst(%arg15 : memref<80xi32, #tpu.memory_space<vmem>>)
      tpu.yield
    }) : () -> ()
    "tpu.region"() ({
      %run_scoped3A_120 = tpu.sem_alloc : memref<!tpu.dma_semaphore, #tpu.memory_space<semaphore_mem>>
      %dma_start3A_121 = tpu.memref_slice %arg4[%add3A_38] : memref<320000xi32, #tpu.memory_space<hbm>> -> memref<80xi32, #tpu.memory_space<hbm>>
      %dma_start3A_122 = tpu.memref_slice %arg4[%add3A_38] : memref<320000xi32, #tpu.memory_space<hbm>> -> memref<80xi32, #tpu.memory_space<hbm>>
      tpu.enqueue_dma source(%dma_start3A_122 : memref<80xi32, #tpu.memory_space<hbm>>) target(%arg16 : memref<80xi32, #tpu.memory_space<vmem>>) target_semaphore(%run_scoped3A_120 : memref<!tpu.dma_semaphore, #tpu.memory_space<semaphore_mem>>)
      %dma_wait3A_123 = tpu.memref_slice %arg4[%add3A_38] : memref<320000xi32, #tpu.memory_space<hbm>> -> memref<80xi32, #tpu.memory_space<hbm>>
      %dma_wait3A_124 = tpu.memref_slice %arg4[%add3A_38] : memref<320000xi32, #tpu.memory_space<hbm>> -> memref<80xi32, #tpu.memory_space<hbm>>
      tpu.wait_dma2 semaphore(%run_scoped3A_120 : memref<!tpu.dma_semaphore, #tpu.memory_space<semaphore_mem>>) src(%dma_wait3A_124 : memref<80xi32, #tpu.memory_space<hbm>>) dst(%arg16 : memref<80xi32, #tpu.memory_space<vmem>>)
      tpu.yield
    }) : () -> ()
    %dma_start3A_39 = arith.constant 0 : i32
    %dma_start3A_40 = arith.constant 0 : i32
    %dma_start3A_41 = tpu.memref_slice %arg2[%dma_start3A_39, %dma_start3A_40] : memref<10000x128xf32, #tpu.memory_space<hbm>> -> memref<10000x128xf32, #tpu.memory_space<hbm>>
    tpu.enqueue_indirect_dma source(%dma_start3A_41 : memref<10000x128xf32, #tpu.memory_space<hbm>>) target(%arg10 : memref<80x128xf32, #tpu.memory_space<vmem>>) offsets(%arg15 : memref<80xi32, #tpu.memory_space<vmem>>) semaphore(%arg20 : memref<!tpu.dma_semaphore, #tpu.memory_space<semaphore_mem>>)
    %dma_wait3A_42 = arith.constant 0 : i32
    %dma_wait3A_43 = arith.constant 0 : i32
    %dma_wait3A_44 = tpu.memref_slice %arg2[%dma_wait3A_42, %dma_wait3A_43] : memref<10000x128xf32, #tpu.memory_space<hbm>> -> memref<10000x128xf32, #tpu.memory_space<hbm>>
    tpu.wait_indirect_dma semaphore(%arg19 : memref<!tpu.dma_semaphore, #tpu.memory_space<semaphore_mem>>) src(%dma_wait3A_44 : memref<10000x128xf32, #tpu.memory_space<hbm>>) dst(%arg9 : memref<80x128xf32, #tpu.memory_space<vmem>>)
    %dma_start3A_45 = arith.constant 0 : i32
    %dma_start3A_46 = arith.constant 0 : i32
    %dma_start3A_47 = tpu.memref_slice %arg17[%dma_start3A_45, %dma_start3A_46] : memref<10000x128xf32, #tpu.memory_space<vmem_shared>> -> memref<10000x128xf32, #tpu.memory_space<vmem_shared>>
    tpu.enqueue_indirect_dma source(%arg9 : memref<80x128xf32, #tpu.memory_space<vmem>>) target(%dma_start3A_47 : memref<10000x128xf32, #tpu.memory_space<vmem_shared>>) offsets(%arg14 : memref<80xi32, #tpu.memory_space<vmem>>) semaphore(%arg22 : memref<!tpu.dma_semaphore, #tpu.memory_space<semaphore_mem>>) {add = true}
    %dma_start3A_48 = arith.constant 0 : i32
    %dma_start3A_49 = tpu.memref_slice %arg26[%dma_start3A_48] : memref<10240xf32, #tpu.memory_space<vmem_shared>> -> memref<10240xf32, #tpu.memory_space<vmem_shared>>
    tpu.enqueue_indirect_dma source(%arg24 : memref<80xf32, #tpu.memory_space<vmem>>) target(%dma_start3A_49 : memref<10240xf32, #tpu.memory_space<vmem_shared>>) offsets(%arg14 : memref<80xi32, #tpu.memory_space<vmem>>) semaphore(%arg22 : memref<!tpu.dma_semaphore, #tpu.memory_space<semaphore_mem>>) {add = true}
    %scan3A_50 = arith.constant 0 : i32
    %scan3A_51 = arith.constant 0 : i32
    %scan3A_52 = arith.constant 40 : i32
    %scan3A_53 = arith.addi %scan3A_51, %scan3A_52 : i32
    %scan3A_54 = arith.constant 1 : i32
    scf.for %scan3A_120 = %scan3A_51 to %scan3A_53 step %scan3A_54  : i32 {
      %mul3A_121 = arith.constant 3 : i32
      %mul3A_122 = arith.muli %mul3A_121, %scan3A_120 : i32
      %add3A_123 = arith.constant 2 : i32
      %add3A_124 = arith.addi %mul3A_122, %add3A_123 : i32
      %add3A_125 = arith.constant 0 : i32
      %add3A_126 = arith.addi %add3A_124, %add3A_125 : i32
      %dma_wait3A_127 = arith.constant 0 : i32
      %dma_wait3A_128 = arith.constant 0 : i32
      %dma_wait3A_129 = tpu.memref_slice %arg17[%dma_wait3A_127, %dma_wait3A_128] : memref<10000x128xf32, #tpu.memory_space<vmem_shared>> -> memref<10000x128xf32, #tpu.memory_space<vmem_shared>>
      tpu.wait_indirect_dma semaphore(%arg21 : memref<!tpu.dma_semaphore, #tpu.memory_space<semaphore_mem>>) src(%arg8 : memref<80x128xf32, #tpu.memory_space<vmem>>) dst(%dma_wait3A_129 : memref<10000x128xf32, #tpu.memory_space<vmem_shared>>)
      %dma_wait3A_130 = arith.constant 0 : i32
      %dma_wait3A_131 = tpu.memref_slice %arg26[%dma_wait3A_130] : memref<10240xf32, #tpu.memory_space<vmem_shared>> -> memref<10240xf32, #tpu.memory_space<vmem_shared>>
      tpu.wait_indirect_dma semaphore(%arg21 : memref<!tpu.dma_semaphore, #tpu.memory_space<semaphore_mem>>) src(%arg24 : memref<80xf32, #tpu.memory_space<vmem>>) dst(%dma_wait3A_131 : memref<10240xf32, #tpu.memory_space<vmem_shared>>)
      %add3A_132 = arith.constant 1 : i32
      %add3A_133 = arith.addi %add3A_126, %add3A_132 : i32
      %mul3A_134 = arith.constant 80 : i32
      %mul3A_135 = arith.muli %add3A_133, %mul3A_134 : i32
      %add3A_136 = arith.addi %mul3A_4, %mul3A_135 : i32
      "tpu.region"() ({
        %run_scoped3A_194 = tpu.sem_alloc : memref<!tpu.dma_semaphore, #tpu.memory_space<semaphore_mem>>
        %dma_start3A_195 = tpu.memref_slice %arg3[%add3A_136] : memref<320000xi32, #tpu.memory_space<hbm>> -> memref<80xi32, #tpu.memory_space<hbm>>
        %dma_start3A_196 = tpu.memref_slice %arg3[%add3A_136] : memref<320000xi32, #tpu.memory_space<hbm>> -> memref<80xi32, #tpu.memory_space<hbm>>
        tpu.enqueue_dma source(%dma_start3A_196 : memref<80xi32, #tpu.memory_space<hbm>>) target(%arg11 : memref<80xi32, #tpu.memory_space<vmem>>) target_semaphore(%run_scoped3A_194 : memref<!tpu.dma_semaphore, #tpu.memory_space<semaphore_mem>>)
        %dma_wait3A_197 = tpu.memref_slice %arg3[%add3A_136] : memref<320000xi32, #tpu.memory_space<hbm>> -> memref<80xi32, #tpu.memory_space<hbm>>
        %dma_wait3A_198 = tpu.memref_slice %arg3[%add3A_136] : memref<320000xi32, #tpu.memory_space<hbm>> -> memref<80xi32, #tpu.memory_space<hbm>>
        tpu.wait_dma2 semaphore(%run_scoped3A_194 : memref<!tpu.dma_semaphore, #tpu.memory_space<semaphore_mem>>) src(%dma_wait3A_198 : memref<80xi32, #tpu.memory_space<hbm>>) dst(%arg11 : memref<80xi32, #tpu.memory_space<vmem>>)
        tpu.yield
      }) : () -> ()
      "tpu.region"() ({
        %run_scoped3A_194 = tpu.sem_alloc : memref<!tpu.dma_semaphore, #tpu.memory_space<semaphore_mem>>
        %dma_start3A_195 = tpu.memref_slice %arg4[%add3A_136] : memref<320000xi32, #tpu.memory_space<hbm>> -> memref<80xi32, #tpu.memory_space<hbm>>
        %dma_start3A_196 = tpu.memref_slice %arg4[%add3A_136] : memref<320000xi32, #tpu.memory_space<hbm>> -> memref<80xi32, #tpu.memory_space<hbm>>
        tpu.enqueue_dma source(%dma_start3A_196 : memref<80xi32, #tpu.memory_space<hbm>>) target(%arg12 : memref<80xi32, #tpu.memory_space<vmem>>) target_semaphore(%run_scoped3A_194 : memref<!tpu.dma_semaphore, #tpu.memory_space<semaphore_mem>>)
        %dma_wait3A_197 = tpu.memref_slice %arg4[%add3A_136] : memref<320000xi32, #tpu.memory_space<hbm>> -> memref<80xi32, #tpu.memory_space<hbm>>
        %dma_wait3A_198 = tpu.memref_slice %arg4[%add3A_136] : memref<320000xi32, #tpu.memory_space<hbm>> -> memref<80xi32, #tpu.memory_space<hbm>>
        tpu.wait_dma2 semaphore(%run_scoped3A_194 : memref<!tpu.dma_semaphore, #tpu.memory_space<semaphore_mem>>) src(%dma_wait3A_198 : memref<80xi32, #tpu.memory_space<hbm>>) dst(%arg12 : memref<80xi32, #tpu.memory_space<vmem>>)
        tpu.yield
      }) : () -> ()
      %dma_start3A_137 = arith.constant 0 : i32
      %dma_start3A_138 = arith.constant 0 : i32
      %dma_start3A_139 = tpu.memref_slice %arg2[%dma_start3A_137, %dma_start3A_138] : memref<10000x128xf32, #tpu.memory_space<hbm>> -> memref<10000x128xf32, #tpu.memory_space<hbm>>
      tpu.enqueue_indirect_dma source(%dma_start3A_139 : memref<10000x128xf32, #tpu.memory_space<hbm>>) target(%arg8 : memref<80x128xf32, #tpu.memory_space<vmem>>) offsets(%arg11 : memref<80xi32, #tpu.memory_space<vmem>>) semaphore(%arg18 : memref<!tpu.dma_semaphore, #tpu.memory_space<semaphore_mem>>)
      %dma_wait3A_140 = arith.constant 0 : i32
      %dma_wait3A_141 = arith.constant 0 : i32
      %dma_wait3A_142 = tpu.memref_slice %arg2[%dma_wait3A_140, %dma_wait3A_141] : memref<10000x128xf32, #tpu.memory_space<hbm>> -> memref<10000x128xf32, #tpu.memory_space<hbm>>
      tpu.wait_indirect_dma semaphore(%arg20 : memref<!tpu.dma_semaphore, #tpu.memory_space<semaphore_mem>>) src(%dma_wait3A_142 : memref<10000x128xf32, #tpu.memory_space<hbm>>) dst(%arg10 : memref<80x128xf32, #tpu.memory_space<vmem>>)
      %dma_start3A_143 = arith.constant 0 : i32
      %dma_start3A_144 = arith.constant 0 : i32
      %dma_start3A_145 = tpu.memref_slice %arg17[%dma_start3A_143, %dma_start3A_144] : memref<10000x128xf32, #tpu.memory_space<vmem_shared>> -> memref<10000x128xf32, #tpu.memory_space<vmem_shared>>
      tpu.enqueue_indirect_dma source(%arg10 : memref<80x128xf32, #tpu.memory_space<vmem>>) target(%dma_start3A_145 : memref<10000x128xf32, #tpu.memory_space<vmem_shared>>) offsets(%arg16 : memref<80xi32, #tpu.memory_space<vmem>>) semaphore(%arg23 : memref<!tpu.dma_semaphore, #tpu.memory_space<semaphore_mem>>) {add = true}
      %dma_start3A_146 = arith.constant 0 : i32
      %dma_start3A_147 = tpu.memref_slice %arg26[%dma_start3A_146] : memref<10240xf32, #tpu.memory_space<vmem_shared>> -> memref<10240xf32, #tpu.memory_space<vmem_shared>>
      tpu.enqueue_indirect_dma source(%arg24 : memref<80xf32, #tpu.memory_space<vmem>>) target(%dma_start3A_147 : memref<10240xf32, #tpu.memory_space<vmem_shared>>) offsets(%arg16 : memref<80xi32, #tpu.memory_space<vmem>>) semaphore(%arg23 : memref<!tpu.dma_semaphore, #tpu.memory_space<semaphore_mem>>) {add = true}
      %add3A_148 = arith.constant 1 : i32
      %add3A_149 = arith.addi %add3A_124, %add3A_148 : i32
      %dma_wait3A_150 = arith.constant 0 : i32
      %dma_wait3A_151 = arith.constant 0 : i32
      %dma_wait3A_152 = tpu.memref_slice %arg17[%dma_wait3A_150, %dma_wait3A_151] : memref<10000x128xf32, #tpu.memory_space<vmem_shared>> -> memref<10000x128xf32, #tpu.memory_space<vmem_shared>>
      tpu.wait_indirect_dma semaphore(%arg22 : memref<!tpu.dma_semaphore, #tpu.memory_space<semaphore_mem>>) src(%arg9 : memref<80x128xf32, #tpu.memory_space<vmem>>) dst(%dma_wait3A_152 : memref<10000x128xf32, #tpu.memory_space<vmem_shared>>)
      %dma_wait3A_153 = arith.constant 0 : i32
      %dma_wait3A_154 = tpu.memref_slice %arg26[%dma_wait3A_153] : memref<10240xf32, #tpu.memory_space<vmem_shared>> -> memref<10240xf32, #tpu.memory_space<vmem_shared>>
      tpu.wait_indirect_dma semaphore(%arg22 : memref<!tpu.dma_semaphore, #tpu.memory_space<semaphore_mem>>) src(%arg24 : memref<80xf32, #tpu.memory_space<vmem>>) dst(%dma_wait3A_154 : memref<10240xf32, #tpu.memory_space<vmem_shared>>)
      %add3A_155 = arith.constant 1 : i32
      %add3A_156 = arith.addi %add3A_149, %add3A_155 : i32
      %mul3A_157 = arith.constant 80 : i32
      %mul3A_158 = arith.muli %add3A_156, %mul3A_157 : i32
      %add3A_159 = arith.addi %mul3A_4, %mul3A_158 : i32
      "tpu.region"() ({
        %run_scoped3A_194 = tpu.sem_alloc : memref<!tpu.dma_semaphore, #tpu.memory_space<semaphore_mem>>
        %dma_start3A_195 = tpu.memref_slice %arg3[%add3A_159] : memref<320000xi32, #tpu.memory_space<hbm>> -> memref<80xi32, #tpu.memory_space<hbm>>
        %dma_start3A_196 = tpu.memref_slice %arg3[%add3A_159] : memref<320000xi32, #tpu.memory_space<hbm>> -> memref<80xi32, #tpu.memory_space<hbm>>
        tpu.enqueue_dma source(%dma_start3A_196 : memref<80xi32, #tpu.memory_space<hbm>>) target(%arg13 : memref<80xi32, #tpu.memory_space<vmem>>) target_semaphore(%run_scoped3A_194 : memref<!tpu.dma_semaphore, #tpu.memory_space<semaphore_mem>>)
        %dma_wait3A_197 = tpu.memref_slice %arg3[%add3A_159] : memref<320000xi32, #tpu.memory_space<hbm>> -> memref<80xi32, #tpu.memory_space<hbm>>
        %dma_wait3A_198 = tpu.memref_slice %arg3[%add3A_159] : memref<320000xi32, #tpu.memory_space<hbm>> -> memref<80xi32, #tpu.memory_space<hbm>>
        tpu.wait_dma2 semaphore(%run_scoped3A_194 : memref<!tpu.dma_semaphore, #tpu.memory_space<semaphore_mem>>) src(%dma_wait3A_198 : memref<80xi32, #tpu.memory_space<hbm>>) dst(%arg13 : memref<80xi32, #tpu.memory_space<vmem>>)
        tpu.yield
      }) : () -> ()
      "tpu.region"() ({
        %run_scoped3A_194 = tpu.sem_alloc : memref<!tpu.dma_semaphore, #tpu.memory_space<semaphore_mem>>
        %dma_start3A_195 = tpu.memref_slice %arg4[%add3A_159] : memref<320000xi32, #tpu.memory_space<hbm>> -> memref<80xi32, #tpu.memory_space<hbm>>
        %dma_start3A_196 = tpu.memref_slice %arg4[%add3A_159] : memref<320000xi32, #tpu.memory_space<hbm>> -> memref<80xi32, #tpu.memory_space<hbm>>
        tpu.enqueue_dma source(%dma_start3A_196 : memref<80xi32, #tpu.memory_space<hbm>>) target(%arg14 : memref<80xi32, #tpu.memory_space<vmem>>) target_semaphore(%run_scoped3A_194 : memref<!tpu.dma_semaphore, #tpu.memory_space<semaphore_mem>>)
        %dma_wait3A_197 = tpu.memref_slice %arg4[%add3A_159] : memref<320000xi32, #tpu.memory_space<hbm>> -> memref<80xi32, #tpu.memory_space<hbm>>
        %dma_wait3A_198 = tpu.memref_slice %arg4[%add3A_159] : memref<320000xi32, #tpu.memory_space<hbm>> -> memref<80xi32, #tpu.memory_space<hbm>>
        tpu.wait_dma2 semaphore(%run_scoped3A_194 : memref<!tpu.dma_semaphore, #tpu.memory_space<semaphore_mem>>) src(%dma_wait3A_198 : memref<80xi32, #tpu.memory_space<hbm>>) dst(%arg14 : memref<80xi32, #tpu.memory_space<vmem>>)
        tpu.yield
      }) : () -> ()
      %dma_start3A_160 = arith.constant 0 : i32
      %dma_start3A_161 = arith.constant 0 : i32
      %dma_start3A_162 = tpu.memref_slice %arg2[%dma_start3A_160, %dma_start3A_161] : memref<10000x128xf32, #tpu.memory_space<hbm>> -> memref<10000x128xf32, #tpu.memory_space<hbm>>
      tpu.enqueue_indirect_dma source(%dma_start3A_162 : memref<10000x128xf32, #tpu.memory_space<hbm>>) target(%arg9 : memref<80x128xf32, #tpu.memory_space<vmem>>) offsets(%arg13 : memref<80xi32, #tpu.memory_space<vmem>>) semaphore(%arg19 : memref<!tpu.dma_semaphore, #tpu.memory_space<semaphore_mem>>)
      %dma_wait3A_163 = arith.constant 0 : i32
      %dma_wait3A_164 = arith.constant 0 : i32
      %dma_wait3A_165 = tpu.memref_slice %arg2[%dma_wait3A_163, %dma_wait3A_164] : memref<10000x128xf32, #tpu.memory_space<hbm>> -> memref<10000x128xf32, #tpu.memory_space<hbm>>
      tpu.wait_indirect_dma semaphore(%arg18 : memref<!tpu.dma_semaphore, #tpu.memory_space<semaphore_mem>>) src(%dma_wait3A_165 : memref<10000x128xf32, #tpu.memory_space<hbm>>) dst(%arg8 : memref<80x128xf32, #tpu.memory_space<vmem>>)
      %dma_start3A_166 = arith.constant 0 : i32
      %dma_start3A_167 = arith.constant 0 : i32
      %dma_start3A_168 = tpu.memref_slice %arg17[%dma_start3A_166, %dma_start3A_167] : memref<10000x128xf32, #tpu.memory_space<vmem_shared>> -> memref<10000x128xf32, #tpu.memory_space<vmem_shared>>
      tpu.enqueue_indirect_dma source(%arg8 : memref<80x128xf32, #tpu.memory_space<vmem>>) target(%dma_start3A_168 : memref<10000x128xf32, #tpu.memory_space<vmem_shared>>) offsets(%arg12 : memref<80xi32, #tpu.memory_space<vmem>>) semaphore(%arg21 : memref<!tpu.dma_semaphore, #tpu.memory_space<semaphore_mem>>) {add = true}
      %dma_start3A_169 = arith.constant 0 : i32
      %dma_start3A_170 = tpu.memref_slice %arg26[%dma_start3A_169] : memref<10240xf32, #tpu.memory_space<vmem_shared>> -> memref<10240xf32, #tpu.memory_space<vmem_shared>>
      tpu.enqueue_indirect_dma source(%arg24 : memref<80xf32, #tpu.memory_space<vmem>>) target(%dma_start3A_170 : memref<10240xf32, #tpu.memory_space<vmem_shared>>) offsets(%arg12 : memref<80xi32, #tpu.memory_space<vmem>>) semaphore(%arg21 : memref<!tpu.dma_semaphore, #tpu.memory_space<semaphore_mem>>) {add = true}
      %add3A_171 = arith.constant 2 : i32
      %add3A_172 = arith.addi %add3A_124, %add3A_171 : i32
      %dma_wait3A_173 = arith.constant 0 : i32
      %dma_wait3A_174 = arith.constant 0 : i32
      %dma_wait3A_175 = tpu.memref_slice %arg17[%dma_wait3A_173, %dma_wait3A_174] : memref<10000x128xf32, #tpu.memory_space<vmem_shared>> -> memref<10000x128xf32, #tpu.memory_space<vmem_shared>>
      tpu.wait_indirect_dma semaphore(%arg23 : memref<!tpu.dma_semaphore, #tpu.memory_space<semaphore_mem>>) src(%arg10 : memref<80x128xf32, #tpu.memory_space<vmem>>) dst(%dma_wait3A_175 : memref<10000x128xf32, #tpu.memory_space<vmem_shared>>)
      %dma_wait3A_176 = arith.constant 0 : i32
      %dma_wait3A_177 = tpu.memref_slice %arg26[%dma_wait3A_176] : memref<10240xf32, #tpu.memory_space<vmem_shared>> -> memref<10240xf32, #tpu.memory_space<vmem_shared>>
      tpu.wait_indirect_dma semaphore(%arg23 : memref<!tpu.dma_semaphore, #tpu.memory_space<semaphore_mem>>) src(%arg24 : memref<80xf32, #tpu.memory_space<vmem>>) dst(%dma_wait3A_177 : memref<10240xf32, #tpu.memory_space<vmem_shared>>)
      %add3A_178 = arith.constant 1 : i32
      %add3A_179 = arith.addi %add3A_172, %add3A_178 : i32
      %mul3A_180 = arith.constant 80 : i32
      %mul3A_181 = arith.muli %add3A_179, %mul3A_180 : i32
      %add3A_182 = arith.addi %mul3A_4, %mul3A_181 : i32
      "tpu.region"() ({
        %run_scoped3A_194 = tpu.sem_alloc : memref<!tpu.dma_semaphore, #tpu.memory_space<semaphore_mem>>
        %dma_start3A_195 = tpu.memref_slice %arg3[%add3A_182] : memref<320000xi32, #tpu.memory_space<hbm>> -> memref<80xi32, #tpu.memory_space<hbm>>
        %dma_start3A_196 = tpu.memref_slice %arg3[%add3A_182] : memref<320000xi32, #tpu.memory_space<hbm>> -> memref<80xi32, #tpu.memory_space<hbm>>
        tpu.enqueue_dma source(%dma_start3A_196 : memref<80xi32, #tpu.memory_space<hbm>>) target(%arg15 : memref<80xi32, #tpu.memory_space<vmem>>) target_semaphore(%run_scoped3A_194 : memref<!tpu.dma_semaphore, #tpu.memory_space<semaphore_mem>>)
        %dma_wait3A_197 = tpu.memref_slice %arg3[%add3A_182] : memref<320000xi32, #tpu.memory_space<hbm>> -> memref<80xi32, #tpu.memory_space<hbm>>
        %dma_wait3A_198 = tpu.memref_slice %arg3[%add3A_182] : memref<320000xi32, #tpu.memory_space<hbm>> -> memref<80xi32, #tpu.memory_space<hbm>>
        tpu.wait_dma2 semaphore(%run_scoped3A_194 : memref<!tpu.dma_semaphore, #tpu.memory_space<semaphore_mem>>) src(%dma_wait3A_198 : memref<80xi32, #tpu.memory_space<hbm>>) dst(%arg15 : memref<80xi32, #tpu.memory_space<vmem>>)
        tpu.yield
      }) : () -> ()
      "tpu.region"() ({
        %run_scoped3A_194 = tpu.sem_alloc : memref<!tpu.dma_semaphore, #tpu.memory_space<semaphore_mem>>
        %dma_start3A_195 = tpu.memref_slice %arg4[%add3A_182] : memref<320000xi32, #tpu.memory_space<hbm>> -> memref<80xi32, #tpu.memory_space<hbm>>
        %dma_start3A_196 = tpu.memref_slice %arg4[%add3A_182] : memref<320000xi32, #tpu.memory_space<hbm>> -> memref<80xi32, #tpu.memory_space<hbm>>
        tpu.enqueue_dma source(%dma_start3A_196 : memref<80xi32, #tpu.memory_space<hbm>>) target(%arg16 : memref<80xi32, #tpu.memory_space<vmem>>) target_semaphore(%run_scoped3A_194 : memref<!tpu.dma_semaphore, #tpu.memory_space<semaphore_mem>>)
        %dma_wait3A_197 = tpu.memref_slice %arg4[%add3A_182] : memref<320000xi32, #tpu.memory_space<hbm>> -> memref<80xi32, #tpu.memory_space<hbm>>
        %dma_wait3A_198 = tpu.memref_slice %arg4[%add3A_182] : memref<320000xi32, #tpu.memory_space<hbm>> -> memref<80xi32, #tpu.memory_space<hbm>>
        tpu.wait_dma2 semaphore(%run_scoped3A_194 : memref<!tpu.dma_semaphore, #tpu.memory_space<semaphore_mem>>) src(%dma_wait3A_198 : memref<80xi32, #tpu.memory_space<hbm>>) dst(%arg16 : memref<80xi32, #tpu.memory_space<vmem>>)
        tpu.yield
      }) : () -> ()
      %dma_start3A_183 = arith.constant 0 : i32
      %dma_start3A_184 = arith.constant 0 : i32
      %dma_start3A_185 = tpu.memref_slice %arg2[%dma_start3A_183, %dma_start3A_184] : memref<10000x128xf32, #tpu.memory_space<hbm>> -> memref<10000x128xf32, #tpu.memory_space<hbm>>
      tpu.enqueue_indirect_dma source(%dma_start3A_185 : memref<10000x128xf32, #tpu.memory_space<hbm>>) target(%arg10 : memref<80x128xf32, #tpu.memory_space<vmem>>) offsets(%arg15 : memref<80xi32, #tpu.memory_space<vmem>>) semaphore(%arg20 : memref<!tpu.dma_semaphore, #tpu.memory_space<semaphore_mem>>)
      %dma_wait3A_186 = arith.constant 0 : i32
      %dma_wait3A_187 = arith.constant 0 : i32
      %dma_wait3A_188 = tpu.memref_slice %arg2[%dma_wait3A_186, %dma_wait3A_187] : memref<10000x128xf32, #tpu.memory_space<hbm>> -> memref<10000x128xf32, #tpu.memory_space<hbm>>
      tpu.wait_indirect_dma semaphore(%arg19 : memref<!tpu.dma_semaphore, #tpu.memory_space<semaphore_mem>>) src(%dma_wait3A_188 : memref<10000x128xf32, #tpu.memory_space<hbm>>) dst(%arg9 : memref<80x128xf32, #tpu.memory_space<vmem>>)
      %dma_start3A_189 = arith.constant 0 : i32
      %dma_start3A_190 = arith.constant 0 : i32
      %dma_start3A_191 = tpu.memref_slice %arg17[%dma_start3A_189, %dma_start3A_190] : memref<10000x128xf32, #tpu.memory_space<vmem_shared>> -> memref<10000x128xf32, #tpu.memory_space<vmem_shared>>
      tpu.enqueue_indirect_dma source(%arg9 : memref<80x128xf32, #tpu.memory_space<vmem>>) target(%dma_start3A_191 : memref<10000x128xf32, #tpu.memory_space<vmem_shared>>) offsets(%arg14 : memref<80xi32, #tpu.memory_space<vmem>>) semaphore(%arg22 : memref<!tpu.dma_semaphore, #tpu.memory_space<semaphore_mem>>) {add = true}
      %dma_start3A_192 = arith.constant 0 : i32
      %dma_start3A_193 = tpu.memref_slice %arg26[%dma_start3A_192] : memref<10240xf32, #tpu.memory_space<vmem_shared>> -> memref<10240xf32, #tpu.memory_space<vmem_shared>>
      tpu.enqueue_indirect_dma source(%arg24 : memref<80xf32, #tpu.memory_space<vmem>>) target(%dma_start3A_193 : memref<10240xf32, #tpu.memory_space<vmem_shared>>) offsets(%arg14 : memref<80xi32, #tpu.memory_space<vmem>>) semaphore(%arg22 : memref<!tpu.dma_semaphore, #tpu.memory_space<semaphore_mem>>) {add = true}
    }
    %scan3A_55 = arith.constant 40 : i32
    %dma_wait3A_56 = arith.constant 0 : i32
    %dma_wait3A_57 = arith.constant 0 : i32
    %dma_wait3A_58 = tpu.memref_slice %arg17[%dma_wait3A_56, %dma_wait3A_57] : memref<10000x128xf32, #tpu.memory_space<vmem_shared>> -> memref<10000x128xf32, #tpu.memory_space<vmem_shared>>
    tpu.wait_indirect_dma semaphore(%arg21 : memref<!tpu.dma_semaphore, #tpu.memory_space<semaphore_mem>>) src(%arg8 : memref<80x128xf32, #tpu.memory_space<vmem>>) dst(%dma_wait3A_58 : memref<10000x128xf32, #tpu.memory_space<vmem_shared>>)
    %dma_wait3A_59 = arith.constant 0 : i32
    %dma_wait3A_60 = tpu.memref_slice %arg26[%dma_wait3A_59] : memref<10240xf32, #tpu.memory_space<vmem_shared>> -> memref<10240xf32, #tpu.memory_space<vmem_shared>>
    tpu.wait_indirect_dma semaphore(%arg21 : memref<!tpu.dma_semaphore, #tpu.memory_space<semaphore_mem>>) src(%arg24 : memref<80xf32, #tpu.memory_space<vmem>>) dst(%dma_wait3A_60 : memref<10240xf32, #tpu.memory_space<vmem_shared>>)
    %add3A_61 = arith.constant 9840 : i32
    %add3A_62 = arith.addi %mul3A_4, %add3A_61 : i32
    "tpu.region"() ({
      %run_scoped3A_120 = tpu.sem_alloc : memref<!tpu.dma_semaphore, #tpu.memory_space<semaphore_mem>>
      %dma_start3A_121 = tpu.memref_slice %arg3[%add3A_62] : memref<320000xi32, #tpu.memory_space<hbm>> -> memref<80xi32, #tpu.memory_space<hbm>>
      %dma_start3A_122 = tpu.memref_slice %arg3[%add3A_62] : memref<320000xi32, #tpu.memory_space<hbm>> -> memref<80xi32, #tpu.memory_space<hbm>>
      tpu.enqueue_dma source(%dma_start3A_122 : memref<80xi32, #tpu.memory_space<hbm>>) target(%arg11 : memref<80xi32, #tpu.memory_space<vmem>>) target_semaphore(%run_scoped3A_120 : memref<!tpu.dma_semaphore, #tpu.memory_space<semaphore_mem>>)
      %dma_wait3A_123 = tpu.memref_slice %arg3[%add3A_62] : memref<320000xi32, #tpu.memory_space<hbm>> -> memref<80xi32, #tpu.memory_space<hbm>>
      %dma_wait3A_124 = tpu.memref_slice %arg3[%add3A_62] : memref<320000xi32, #tpu.memory_space<hbm>> -> memref<80xi32, #tpu.memory_space<hbm>>
      tpu.wait_dma2 semaphore(%run_scoped3A_120 : memref<!tpu.dma_semaphore, #tpu.memory_space<semaphore_mem>>) src(%dma_wait3A_124 : memref<80xi32, #tpu.memory_space<hbm>>) dst(%arg11 : memref<80xi32, #tpu.memory_space<vmem>>)
      tpu.yield
    }) : () -> ()
    "tpu.region"() ({
      %run_scoped3A_120 = tpu.sem_alloc : memref<!tpu.dma_semaphore, #tpu.memory_space<semaphore_mem>>
      %dma_start3A_121 = tpu.memref_slice %arg4[%add3A_62] : memref<320000xi32, #tpu.memory_space<hbm>> -> memref<80xi32, #tpu.memory_space<hbm>>
      %dma_start3A_122 = tpu.memref_slice %arg4[%add3A_62] : memref<320000xi32, #tpu.memory_space<hbm>> -> memref<80xi32, #tpu.memory_space<hbm>>
      tpu.enqueue_dma source(%dma_start3A_122 : memref<80xi32, #tpu.memory_space<hbm>>) target(%arg12 : memref<80xi32, #tpu.memory_space<vmem>>) target_semaphore(%run_scoped3A_120 : memref<!tpu.dma_semaphore, #tpu.memory_space<semaphore_mem>>)
      %dma_wait3A_123 = tpu.memref_slice %arg4[%add3A_62] : memref<320000xi32, #tpu.memory_space<hbm>> -> memref<80xi32, #tpu.memory_space<hbm>>
      %dma_wait3A_124 = tpu.memref_slice %arg4[%add3A_62] : memref<320000xi32, #tpu.memory_space<hbm>> -> memref<80xi32, #tpu.memory_space<hbm>>
      tpu.wait_dma2 semaphore(%run_scoped3A_120 : memref<!tpu.dma_semaphore, #tpu.memory_space<semaphore_mem>>) src(%dma_wait3A_124 : memref<80xi32, #tpu.memory_space<hbm>>) dst(%arg12 : memref<80xi32, #tpu.memory_space<vmem>>)
      tpu.yield
    }) : () -> ()
    %dma_start3A_63 = arith.constant 0 : i32
    %dma_start3A_64 = arith.constant 0 : i32
    %dma_start3A_65 = tpu.memref_slice %arg2[%dma_start3A_63, %dma_start3A_64] : memref<10000x128xf32, #tpu.memory_space<hbm>> -> memref<10000x128xf32, #tpu.memory_space<hbm>>
    tpu.enqueue_indirect_dma source(%dma_start3A_65 : memref<10000x128xf32, #tpu.memory_space<hbm>>) target(%arg8 : memref<80x128xf32, #tpu.memory_space<vmem>>) offsets(%arg11 : memref<80xi32, #tpu.memory_space<vmem>>) semaphore(%arg18 : memref<!tpu.dma_semaphore, #tpu.memory_space<semaphore_mem>>)
    %dma_wait3A_66 = arith.constant 0 : i32
    %dma_wait3A_67 = arith.constant 0 : i32
    %dma_wait3A_68 = tpu.memref_slice %arg2[%dma_wait3A_66, %dma_wait3A_67] : memref<10000x128xf32, #tpu.memory_space<hbm>> -> memref<10000x128xf32, #tpu.memory_space<hbm>>
    tpu.wait_indirect_dma semaphore(%arg20 : memref<!tpu.dma_semaphore, #tpu.memory_space<semaphore_mem>>) src(%dma_wait3A_68 : memref<10000x128xf32, #tpu.memory_space<hbm>>) dst(%arg10 : memref<80x128xf32, #tpu.memory_space<vmem>>)
    %dma_start3A_69 = arith.constant 0 : i32
    %dma_start3A_70 = arith.constant 0 : i32
    %dma_start3A_71 = tpu.memref_slice %arg17[%dma_start3A_69, %dma_start3A_70] : memref<10000x128xf32, #tpu.memory_space<vmem_shared>> -> memref<10000x128xf32, #tpu.memory_space<vmem_shared>>
    tpu.enqueue_indirect_dma source(%arg10 : memref<80x128xf32, #tpu.memory_space<vmem>>) target(%dma_start3A_71 : memref<10000x128xf32, #tpu.memory_space<vmem_shared>>) offsets(%arg16 : memref<80xi32, #tpu.memory_space<vmem>>) semaphore(%arg23 : memref<!tpu.dma_semaphore, #tpu.memory_space<semaphore_mem>>) {add = true}
    %dma_start3A_72 = arith.constant 0 : i32
    %dma_start3A_73 = tpu.memref_slice %arg26[%dma_start3A_72] : memref<10240xf32, #tpu.memory_space<vmem_shared>> -> memref<10240xf32, #tpu.memory_space<vmem_shared>>
    tpu.enqueue_indirect_dma source(%arg24 : memref<80xf32, #tpu.memory_space<vmem>>) target(%dma_start3A_73 : memref<10240xf32, #tpu.memory_space<vmem_shared>>) offsets(%arg16 : memref<80xi32, #tpu.memory_space<vmem>>) semaphore(%arg23 : memref<!tpu.dma_semaphore, #tpu.memory_space<semaphore_mem>>) {add = true}
    %dma_wait3A_74 = arith.constant 0 : i32
    %dma_wait3A_75 = arith.constant 0 : i32
    %dma_wait3A_76 = tpu.memref_slice %arg17[%dma_wait3A_74, %dma_wait3A_75] : memref<10000x128xf32, #tpu.memory_space<vmem_shared>> -> memref<10000x128xf32, #tpu.memory_space<vmem_shared>>
    tpu.wait_indirect_dma semaphore(%arg22 : memref<!tpu.dma_semaphore, #tpu.memory_space<semaphore_mem>>) src(%arg9 : memref<80x128xf32, #tpu.memory_space<vmem>>) dst(%dma_wait3A_76 : memref<10000x128xf32, #tpu.memory_space<vmem_shared>>)
    %dma_wait3A_77 = arith.constant 0 : i32
    %dma_wait3A_78 = tpu.memref_slice %arg26[%dma_wait3A_77] : memref<10240xf32, #tpu.memory_space<vmem_shared>> -> memref<10240xf32, #tpu.memory_space<vmem_shared>>
    tpu.wait_indirect_dma semaphore(%arg22 : memref<!tpu.dma_semaphore, #tpu.memory_space<semaphore_mem>>) src(%arg24 : memref<80xf32, #tpu.memory_space<vmem>>) dst(%dma_wait3A_78 : memref<10240xf32, #tpu.memory_space<vmem_shared>>)
    %add3A_79 = arith.constant 9920 : i32
    %add3A_80 = arith.addi %mul3A_4, %add3A_79 : i32
    "tpu.region"() ({
      %run_scoped3A_120 = tpu.sem_alloc : memref<!tpu.dma_semaphore, #tpu.memory_space<semaphore_mem>>
      %dma_start3A_121 = tpu.memref_slice %arg3[%add3A_80] : memref<320000xi32, #tpu.memory_space<hbm>> -> memref<80xi32, #tpu.memory_space<hbm>>
      %dma_start3A_122 = tpu.memref_slice %arg3[%add3A_80] : memref<320000xi32, #tpu.memory_space<hbm>> -> memref<80xi32, #tpu.memory_space<hbm>>
      tpu.enqueue_dma source(%dma_start3A_122 : memref<80xi32, #tpu.memory_space<hbm>>) target(%arg13 : memref<80xi32, #tpu.memory_space<vmem>>) target_semaphore(%run_scoped3A_120 : memref<!tpu.dma_semaphore, #tpu.memory_space<semaphore_mem>>)
      %dma_wait3A_123 = tpu.memref_slice %arg3[%add3A_80] : memref<320000xi32, #tpu.memory_space<hbm>> -> memref<80xi32, #tpu.memory_space<hbm>>
      %dma_wait3A_124 = tpu.memref_slice %arg3[%add3A_80] : memref<320000xi32, #tpu.memory_space<hbm>> -> memref<80xi32, #tpu.memory_space<hbm>>
      tpu.wait_dma2 semaphore(%run_scoped3A_120 : memref<!tpu.dma_semaphore, #tpu.memory_space<semaphore_mem>>) src(%dma_wait3A_124 : memref<80xi32, #tpu.memory_space<hbm>>) dst(%arg13 : memref<80xi32, #tpu.memory_space<vmem>>)
      tpu.yield
    }) : () -> ()
    "tpu.region"() ({
      %run_scoped3A_120 = tpu.sem_alloc : memref<!tpu.dma_semaphore, #tpu.memory_space<semaphore_mem>>
      %dma_start3A_121 = tpu.memref_slice %arg4[%add3A_80] : memref<320000xi32, #tpu.memory_space<hbm>> -> memref<80xi32, #tpu.memory_space<hbm>>
      %dma_start3A_122 = tpu.memref_slice %arg4[%add3A_80] : memref<320000xi32, #tpu.memory_space<hbm>> -> memref<80xi32, #tpu.memory_space<hbm>>
      tpu.enqueue_dma source(%dma_start3A_122 : memref<80xi32, #tpu.memory_space<hbm>>) target(%arg14 : memref<80xi32, #tpu.memory_space<vmem>>) target_semaphore(%run_scoped3A_120 : memref<!tpu.dma_semaphore, #tpu.memory_space<semaphore_mem>>)
      %dma_wait3A_123 = tpu.memref_slice %arg4[%add3A_80] : memref<320000xi32, #tpu.memory_space<hbm>> -> memref<80xi32, #tpu.memory_space<hbm>>
      %dma_wait3A_124 = tpu.memref_slice %arg4[%add3A_80] : memref<320000xi32, #tpu.memory_space<hbm>> -> memref<80xi32, #tpu.memory_space<hbm>>
      tpu.wait_dma2 semaphore(%run_scoped3A_120 : memref<!tpu.dma_semaphore, #tpu.memory_space<semaphore_mem>>) src(%dma_wait3A_124 : memref<80xi32, #tpu.memory_space<hbm>>) dst(%arg14 : memref<80xi32, #tpu.memory_space<vmem>>)
      tpu.yield
    }) : () -> ()
    %dma_start3A_81 = arith.constant 0 : i32
    %dma_start3A_82 = arith.constant 0 : i32
    %dma_start3A_83 = tpu.memref_slice %arg2[%dma_start3A_81, %dma_start3A_82] : memref<10000x128xf32, #tpu.memory_space<hbm>> -> memref<10000x128xf32, #tpu.memory_space<hbm>>
    tpu.enqueue_indirect_dma source(%dma_start3A_83 : memref<10000x128xf32, #tpu.memory_space<hbm>>) target(%arg9 : memref<80x128xf32, #tpu.memory_space<vmem>>) offsets(%arg13 : memref<80xi32, #tpu.memory_space<vmem>>) semaphore(%arg19 : memref<!tpu.dma_semaphore, #tpu.memory_space<semaphore_mem>>)
    %dma_wait3A_84 = arith.constant 0 : i32
    %dma_wait3A_85 = arith.constant 0 : i32
    %dma_wait3A_86 = tpu.memref_slice %arg2[%dma_wait3A_84, %dma_wait3A_85] : memref<10000x128xf32, #tpu.memory_space<hbm>> -> memref<10000x128xf32, #tpu.memory_space<hbm>>
    tpu.wait_indirect_dma semaphore(%arg18 : memref<!tpu.dma_semaphore, #tpu.memory_space<semaphore_mem>>) src(%dma_wait3A_86 : memref<10000x128xf32, #tpu.memory_space<hbm>>) dst(%arg8 : memref<80x128xf32, #tpu.memory_space<vmem>>)
    %dma_start3A_87 = arith.constant 0 : i32
    %dma_start3A_88 = arith.constant 0 : i32
    %dma_start3A_89 = tpu.memref_slice %arg17[%dma_start3A_87, %dma_start3A_88] : memref<10000x128xf32, #tpu.memory_space<vmem_shared>> -> memref<10000x128xf32, #tpu.memory_space<vmem_shared>>
    tpu.enqueue_indirect_dma source(%arg8 : memref<80x128xf32, #tpu.memory_space<vmem>>) target(%dma_start3A_89 : memref<10000x128xf32, #tpu.memory_space<vmem_shared>>) offsets(%arg12 : memref<80xi32, #tpu.memory_space<vmem>>) semaphore(%arg21 : memref<!tpu.dma_semaphore, #tpu.memory_space<semaphore_mem>>) {add = true}
    %dma_start3A_90 = arith.constant 0 : i32
    %dma_start3A_91 = tpu.memref_slice %arg26[%dma_start3A_90] : memref<10240xf32, #tpu.memory_space<vmem_shared>> -> memref<10240xf32, #tpu.memory_space<vmem_shared>>
    tpu.enqueue_indirect_dma source(%arg24 : memref<80xf32, #tpu.memory_space<vmem>>) target(%dma_start3A_91 : memref<10240xf32, #tpu.memory_space<vmem_shared>>) offsets(%arg12 : memref<80xi32, #tpu.memory_space<vmem>>) semaphore(%arg21 : memref<!tpu.dma_semaphore, #tpu.memory_space<semaphore_mem>>) {add = true}
    %dma_wait3A_92 = arith.constant 0 : i32
    %dma_wait3A_93 = arith.constant 0 : i32
    %dma_wait3A_94 = tpu.memref_slice %arg2[%dma_wait3A_92, %dma_wait3A_93] : memref<10000x128xf32, #tpu.memory_space<hbm>> -> memref<10000x128xf32, #tpu.memory_space<hbm>>
    tpu.wait_indirect_dma semaphore(%arg19 : memref<!tpu.dma_semaphore, #tpu.memory_space<semaphore_mem>>) src(%dma_wait3A_94 : memref<10000x128xf32, #tpu.memory_space<hbm>>) dst(%arg9 : memref<80x128xf32, #tpu.memory_space<vmem>>)
    %dma_start3A_95 = arith.constant 0 : i32
    %dma_start3A_96 = arith.constant 0 : i32
    %dma_start3A_97 = tpu.memref_slice %arg17[%dma_start3A_95, %dma_start3A_96] : memref<10000x128xf32, #tpu.memory_space<vmem_shared>> -> memref<10000x128xf32, #tpu.memory_space<vmem_shared>>
    tpu.enqueue_indirect_dma source(%arg9 : memref<80x128xf32, #tpu.memory_space<vmem>>) target(%dma_start3A_97 : memref<10000x128xf32, #tpu.memory_space<vmem_shared>>) offsets(%arg14 : memref<80xi32, #tpu.memory_space<vmem>>) semaphore(%arg22 : memref<!tpu.dma_semaphore, #tpu.memory_space<semaphore_mem>>) {add = true}
    %dma_start3A_98 = arith.constant 0 : i32
    %dma_start3A_99 = tpu.memref_slice %arg26[%dma_start3A_98] : memref<10240xf32, #tpu.memory_space<vmem_shared>> -> memref<10240xf32, #tpu.memory_space<vmem_shared>>
    tpu.enqueue_indirect_dma source(%arg24 : memref<80xf32, #tpu.memory_space<vmem>>) target(%dma_start3A_99 : memref<10240xf32, #tpu.memory_space<vmem_shared>>) offsets(%arg14 : memref<80xi32, #tpu.memory_space<vmem>>) semaphore(%arg22 : memref<!tpu.dma_semaphore, #tpu.memory_space<semaphore_mem>>) {add = true}
    %dma_wait3A_100 = arith.constant 0 : i32
    %dma_wait3A_101 = arith.constant 0 : i32
    %dma_wait3A_102 = tpu.memref_slice %arg17[%dma_wait3A_100, %dma_wait3A_101] : memref<10000x128xf32, #tpu.memory_space<vmem_shared>> -> memref<10000x128xf32, #tpu.memory_space<vmem_shared>>
    tpu.wait_indirect_dma semaphore(%arg21 : memref<!tpu.dma_semaphore, #tpu.memory_space<semaphore_mem>>) src(%arg8 : memref<80x128xf32, #tpu.memory_space<vmem>>) dst(%dma_wait3A_102 : memref<10000x128xf32, #tpu.memory_space<vmem_shared>>)
    %dma_wait3A_103 = arith.constant 0 : i32
    %dma_wait3A_104 = tpu.memref_slice %arg26[%dma_wait3A_103] : memref<10240xf32, #tpu.memory_space<vmem_shared>> -> memref<10240xf32, #tpu.memory_space<vmem_shared>>
    tpu.wait_indirect_dma semaphore(%arg21 : memref<!tpu.dma_semaphore, #tpu.memory_space<semaphore_mem>>) src(%arg24 : memref<80xf32, #tpu.memory_space<vmem>>) dst(%dma_wait3A_104 : memref<10240xf32, #tpu.memory_space<vmem_shared>>)
    %dma_wait3A_105 = arith.constant 0 : i32
    %dma_wait3A_106 = arith.constant 0 : i32
    %dma_wait3A_107 = tpu.memref_slice %arg17[%dma_wait3A_105, %dma_wait3A_106] : memref<10000x128xf32, #tpu.memory_space<vmem_shared>> -> memref<10000x128xf32, #tpu.memory_space<vmem_shared>>
    tpu.wait_indirect_dma semaphore(%arg22 : memref<!tpu.dma_semaphore, #tpu.memory_space<semaphore_mem>>) src(%arg9 : memref<80x128xf32, #tpu.memory_space<vmem>>) dst(%dma_wait3A_107 : memref<10000x128xf32, #tpu.memory_space<vmem_shared>>)
    %dma_wait3A_108 = arith.constant 0 : i32
    %dma_wait3A_109 = tpu.memref_slice %arg26[%dma_wait3A_108] : memref<10240xf32, #tpu.memory_space<vmem_shared>> -> memref<10240xf32, #tpu.memory_space<vmem_shared>>
    tpu.wait_indirect_dma semaphore(%arg22 : memref<!tpu.dma_semaphore, #tpu.memory_space<semaphore_mem>>) src(%arg24 : memref<80xf32, #tpu.memory_space<vmem>>) dst(%dma_wait3A_109 : memref<10240xf32, #tpu.memory_space<vmem_shared>>)
    %dma_wait3A_110 = arith.constant 0 : i32
    %dma_wait3A_111 = arith.constant 0 : i32
    %dma_wait3A_112 = tpu.memref_slice %arg17[%dma_wait3A_110, %dma_wait3A_111] : memref<10000x128xf32, #tpu.memory_space<vmem_shared>> -> memref<10000x128xf32, #tpu.memory_space<vmem_shared>>
    tpu.wait_indirect_dma semaphore(%arg23 : memref<!tpu.dma_semaphore, #tpu.memory_space<semaphore_mem>>) src(%arg10 : memref<80x128xf32, #tpu.memory_space<vmem>>) dst(%dma_wait3A_112 : memref<10000x128xf32, #tpu.memory_space<vmem_shared>>)
    %dma_wait3A_113 = arith.constant 0 : i32
    %dma_wait3A_114 = tpu.memref_slice %arg26[%dma_wait3A_113] : memref<10240xf32, #tpu.memory_space<vmem_shared>> -> memref<10240xf32, #tpu.memory_space<vmem_shared>>
    tpu.wait_indirect_dma semaphore(%arg23 : memref<!tpu.dma_semaphore, #tpu.memory_space<semaphore_mem>>) src(%arg24 : memref<80xf32, #tpu.memory_space<vmem>>) dst(%dma_wait3A_114 : memref<10240xf32, #tpu.memory_space<vmem_shared>>)
    %barrier3A_115 = arith.constant 0 : index
    tpu.barrier barrier_id(%barrier3A_115)
    "tpu.region"() ({
      %run_scoped3A_120 = tpu.sem_alloc : memref<!tpu.dma_semaphore, #tpu.memory_space<semaphore_mem>>
      %dma_start3A_121 = arith.constant 0 : i32
      %dma_start3A_122 = arith.constant 0 : i32
      %dma_start3A_123 = tpu.memref_slice %arg6[%arg0, %arg1, %dma_start3A_121, %dma_start3A_122] : memref<2x16x625x128xf32, #tpu.memory_space<hbm>> -> memref<1x1x625x128xf32, #tpu.memory_space<hbm>>
      %dma_start3A_124 = tpu.memref_squeeze %dma_start3A_123 : memref<1x1x625x128xf32, #tpu.memory_space<hbm>> -> memref<625x128xf32, #tpu.memory_space<hbm>>
      %dma_start3A_125 = arith.constant 0 : i32
      %dma_start3A_126 = tpu.memref_slice %arg17[%mul3A_2, %dma_start3A_125] : memref<10000x128xf32, #tpu.memory_space<vmem_shared>> -> memref<625x128xf32, #tpu.memory_space<vmem_shared>>
      tpu.enqueue_dma source(%dma_start3A_126 : memref<625x128xf32, #tpu.memory_space<vmem_shared>>) target(%dma_start3A_124 : memref<625x128xf32, #tpu.memory_space<hbm>>) target_semaphore(%run_scoped3A_120 : memref<!tpu.dma_semaphore, #tpu.memory_space<semaphore_mem>>)
      %dma_wait3A_127 = arith.constant 0 : i32
      %dma_wait3A_128 = arith.constant 0 : i32
      %dma_wait3A_129 = tpu.memref_slice %arg6[%arg0, %arg1, %dma_wait3A_127, %dma_wait3A_128] : memref<2x16x625x128xf32, #tpu.memory_space<hbm>> -> memref<1x1x625x128xf32, #tpu.memory_space<hbm>>
      %dma_wait3A_130 = tpu.memref_squeeze %dma_wait3A_129 : memref<1x1x625x128xf32, #tpu.memory_space<hbm>> -> memref<625x128xf32, #tpu.memory_space<hbm>>
      %dma_wait3A_131 = arith.constant 0 : i32
      %dma_wait3A_132 = tpu.memref_slice %arg17[%mul3A_2, %dma_wait3A_131] : memref<10000x128xf32, #tpu.memory_space<vmem_shared>> -> memref<625x128xf32, #tpu.memory_space<vmem_shared>>
      tpu.wait_dma2 semaphore(%run_scoped3A_120 : memref<!tpu.dma_semaphore, #tpu.memory_space<semaphore_mem>>) src(%dma_wait3A_132 : memref<625x128xf32, #tpu.memory_space<vmem_shared>>) dst(%dma_wait3A_130 : memref<625x128xf32, #tpu.memory_space<hbm>>)
      tpu.yield
    }) : () -> ()
    %mul3A_116 = arith.constant 624 : i32
    %mul3A_117 = arith.muli %arg1, %mul3A_116 : i32
    "tpu.region"() ({
      %run_scoped3A_120 = tpu.sem_alloc : memref<!tpu.dma_semaphore, #tpu.memory_space<semaphore_mem>>
      %dma_start3A_121 = tpu.memref_slice %arg26[%mul3A_117] : memref<10240xf32, #tpu.memory_space<vmem_shared>> -> memref<640xf32, #tpu.memory_space<vmem_shared>>
      %dma_start3A_122 = tpu.memref_slice %arg26[%mul3A_117] : memref<10240xf32, #tpu.memory_space<vmem_shared>> -> memref<640xf32, #tpu.memory_space<vmem_shared>>
      tpu.enqueue_dma source(%dma_start3A_122 : memref<640xf32, #tpu.memory_space<vmem_shared>>) target(%arg25 : memref<640xf32, #tpu.memory_space<vmem>>) target_semaphore(%run_scoped3A_120 : memref<!tpu.dma_semaphore, #tpu.memory_space<semaphore_mem>>)
      %dma_wait3A_123 = tpu.memref_slice %arg26[%mul3A_117] : memref<10240xf32, #tpu.memory_space<vmem_shared>> -> memref<640xf32, #tpu.memory_space<vmem_shared>>
      %dma_wait3A_124 = tpu.memref_slice %arg26[%mul3A_117] : memref<10240xf32, #tpu.memory_space<vmem_shared>> -> memref<640xf32, #tpu.memory_space<vmem_shared>>
      tpu.wait_dma2 semaphore(%run_scoped3A_120 : memref<!tpu.dma_semaphore, #tpu.memory_space<semaphore_mem>>) src(%dma_wait3A_124 : memref<640xf32, #tpu.memory_space<vmem_shared>>) dst(%arg25 : memref<640xf32, #tpu.memory_space<vmem>>)
      tpu.yield
    }) : () -> ()
    %mul3A_118 = arith.constant 640 : i32
    %mul3A_119 = arith.muli %arg1, %mul3A_118 : i32
    %run_scoped3A = arith.constant 0 : i32
    "tpu.region"() ({
      %run_scoped3A_120 = tpu.sem_alloc : memref<!tpu.dma_semaphore, #tpu.memory_space<semaphore_mem>>
      %dma_start3A_121 = tpu.memref_slice %arg7[%arg0, %run_scoped3A, %mul3A_119] : memref<2x1x10240xf32, #tpu.memory_space<hbm>> -> memref<1x1x640xf32, #tpu.memory_space<hbm>>
      %dma_start3A_122 = tpu.memref_squeeze %dma_start3A_121 : memref<1x1x640xf32, #tpu.memory_space<hbm>> -> memref<640xf32, #tpu.memory_space<hbm>>
      %dma_start3A_123 = tpu.memref_slice %arg7[%arg0, %run_scoped3A, %mul3A_119] : memref<2x1x10240xf32, #tpu.memory_space<hbm>> -> memref<1x1x640xf32, #tpu.memory_space<hbm>>
      %dma_start3A_124 = tpu.memref_squeeze %dma_start3A_123 : memref<1x1x640xf32, #tpu.memory_space<hbm>> -> memref<640xf32, #tpu.memory_space<hbm>>
      tpu.enqueue_dma source(%arg25 : memref<640xf32, #tpu.memory_space<vmem>>) target(%dma_start3A_124 : memref<640xf32, #tpu.memory_space<hbm>>) target_semaphore(%run_scoped3A_120 : memref<!tpu.dma_semaphore, #tpu.memory_space<semaphore_mem>>)
      %dma_wait3A_125 = tpu.memref_slice %arg7[%arg0, %run_scoped3A, %mul3A_119] : memref<2x1x10240xf32, #tpu.memory_space<hbm>> -> memref<1x1x640xf32, #tpu.memory_space<hbm>>
      %dma_wait3A_126 = tpu.memref_squeeze %dma_wait3A_125 : memref<1x1x640xf32, #tpu.memory_space<hbm>> -> memref<640xf32, #tpu.memory_space<hbm>>
      %dma_wait3A_127 = tpu.memref_slice %arg7[%arg0, %run_scoped3A, %mul3A_119] : memref<2x1x10240xf32, #tpu.memory_space<hbm>> -> memref<1x1x640xf32, #tpu.memory_space<hbm>>
      %dma_wait3A_128 = tpu.memref_squeeze %dma_wait3A_127 : memref<1x1x640xf32, #tpu.memory_space<hbm>> -> memref<640xf32, #tpu.memory_space<hbm>>
      tpu.wait_dma2 semaphore(%run_scoped3A_120 : memref<!tpu.dma_semaphore, #tpu.memory_space<semaphore_mem>>) src(%arg25 : memref<640xf32, #tpu.memory_space<vmem>>) dst(%dma_wait3A_128 : memref<640xf32, #tpu.memory_space<hbm>>)
      tpu.yield
    }) : () -> ()
    return
  }
}

module attributes {stable_mosaic.version = 14 : i64} {
  func.func @body(%arg0: i32, %arg1: memref<1000x128xf32, #tpu.memory_space<vmem>>, %arg2: memref<128x128xf32, #tpu.memory_space<vmem>>, %arg3: memref<1x128xf32, #tpu.memory_space<vmem>>, %arg4: memref<1000x128xf32, #tpu.memory_space<vmem>>) attributes {dimension_semantics = [#tpu.dimension_semantics<arbitrary>], iteration_bounds = array<i64: 2>, scalar_prefetch = 0 : i64, scratch_operands = 0 : i64, tpu.core_type = #tpu.core_type<tc>, window_params = [{transform_indices = @transform_0, window_bounds = array<i64: 1000, 128>}, {pipeline_mode = #tpu.pipeline_mode<synchronous>, transform_indices = @transform_1, window_bounds = array<i64: 128, 128>}, {pipeline_mode = #tpu.pipeline_mode<synchronous>, transform_indices = @transform_2, window_bounds = array<i64: 1, 128>}, {transform_indices = @transform_3, window_bounds = array<i64: 1000, 128>}]} {
    %get3A = arith.constant 0 : index
    %get3A_0 = arith.constant 0 : index
    %get3A_1 = vector.load %arg1[%get3A, %get3A_0] : memref<1000x128xf32, #tpu.memory_space<vmem>>, vector<1000x128xf32>
    %get3A_2 = arith.constant 0 : index
    %get3A_3 = arith.constant 0 : index
    %get3A_4 = vector.load %arg2[%get3A_2, %get3A_3] : memref<128x128xf32, #tpu.memory_space<vmem>>, vector<128x128xf32>
    %dot_general3A = arith.constant dense<0.000000e+00> : vector<1000x128xf32>
    %dot_general3A_5 = tpu.matmul %get3A_1, %get3A_4, %dot_general3A {dimension_numbers = #tpu.dot_dimension_numbers<[1], [0], [0], [1], [0, 0, 1, 1], [], []>, transpose_lhs_hint = false} : vector<1000x128xf32>, vector<128x128xf32>, vector<1000x128xf32> -> vector<1000x128xf32>
    %get3A_6 = arith.constant 0 : index
    %get3A_7 = arith.constant 0 : index
    %get3A_8 = vector.load %arg3[%get3A_6, %get3A_7] : memref<1x128xf32, #tpu.memory_space<vmem>>, vector<1x128xf32>
    %add3A = vector.broadcast %get3A_8 : vector<1x128xf32> to vector<1000x128xf32>
    %add3A_9 = arith.addf %dot_general3A_5, %add3A : vector<1000x128xf32>
    %swap3A = arith.constant 0 : index
    %swap3A_10 = arith.constant 0 : index
    %swap3A_11 = vector.load %arg4[%swap3A, %swap3A_10] : memref<1000x128xf32, #tpu.memory_space<vmem>>, vector<1000x128xf32>
    tpu.vector_store %arg4[%swap3A, %swap3A_10], %add3A_9 {strides = array<i32>} : memref<1000x128xf32, #tpu.memory_space<vmem>>, vector<1000x128xf32>,
    return
  }
  func.func @transform_0(%arg0: i32) -> (i32, i32) {
    %c0_i32 = arith.constant 0 : i32
    %c0_i32_0 = arith.constant 0 : i32
    return %arg0, %c0_i32 : i32, i32
  }
  func.func @transform_1(%arg0: i32) -> (i32, i32) {
    %c0_i32 = arith.constant 0 : i32
    %c0_i32_0 = arith.constant 0 : i32
    %c0_i32_1 = arith.constant 0 : i32
    return %c0_i32, %c0_i32_0 : i32, i32
  }
  func.func @transform_2(%arg0: i32) -> (i32, i32) {
    %c0_i32 = arith.constant 0 : i32
    %c0_i32_0 = arith.constant 0 : i32
    %c0_i32_1 = arith.constant 0 : i32
    return %c0_i32, %c0_i32_0 : i32, i32
  }
  func.func @transform_3(%arg0: i32) -> (i32, i32) {
    %c0_i32 = arith.constant 0 : i32
    %c0_i32_0 = arith.constant 0 : i32
    return %arg0, %c0_i32 : i32, i32
  }
}

module attributes {stable_mosaic.version = 14 : i64} {
  func.func @body(%arg0: i32, %arg1: memref<1000x256xf32, #tpu.memory_space<vmem>>, %arg2: memref<256x128xf32, #tpu.memory_space<vmem>>, %arg3: memref<1x128xf32, #tpu.memory_space<vmem>>, %arg4: memref<1000x128xf32, #tpu.memory_space<vmem>>) attributes {dimension_semantics = [#tpu.dimension_semantics<arbitrary>], iteration_bounds = array<i64: 8>, scalar_prefetch = 0 : i64, scratch_operands = 0 : i64, tpu.core_type = #tpu.core_type<tc>, window_params = [{transform_indices = @transform_0, window_bounds = array<i64: 1000, 256>}, {pipeline_mode = #tpu.pipeline_mode<synchronous>, transform_indices = @transform_1, window_bounds = array<i64: 256, 128>}, {pipeline_mode = #tpu.pipeline_mode<synchronous>, transform_indices = @transform_2, window_bounds = array<i64: 1, 128>}, {transform_indices = @transform_3, window_bounds = array<i64: 1000, 128>}]} {
    %get3A = arith.constant 0 : index
    %get3A_0 = arith.constant 0 : index
    %get3A_1 = vector.load %arg1[%get3A, %get3A_0] : memref<1000x256xf32, #tpu.memory_space<vmem>>, vector<1000x256xf32>
    %get3A_2 = arith.constant 0 : index
    %get3A_3 = arith.constant 0 : index
    %get3A_4 = vector.load %arg2[%get3A_2, %get3A_3] : memref<256x128xf32, #tpu.memory_space<vmem>>, vector<256x128xf32>
    %dot_general3A = arith.constant dense<0.000000e+00> : vector<1000x128xf32>
    %dot_general3A_5 = tpu.matmul %get3A_1, %get3A_4, %dot_general3A {dimension_numbers = #tpu.dot_dimension_numbers<[1], [0], [0], [1], [0, 0, 1, 1], [], []>, transpose_lhs_hint = false} : vector<1000x256xf32>, vector<256x128xf32>, vector<1000x128xf32> -> vector<1000x128xf32>
    %get3A_6 = arith.constant 0 : index
    %get3A_7 = arith.constant 0 : index
    %get3A_8 = vector.load %arg3[%get3A_6, %get3A_7] : memref<1x128xf32, #tpu.memory_space<vmem>>, vector<1x128xf32>
    %add3A = vector.broadcast %get3A_8 : vector<1x128xf32> to vector<1000x128xf32>
    %add3A_9 = arith.addf %dot_general3A_5, %add3A : vector<1000x128xf32>
    %swap3A = arith.constant 0 : index
    %swap3A_10 = arith.constant 0 : index
    %swap3A_11 = vector.load %arg4[%swap3A, %swap3A_10] : memref<1000x128xf32, #tpu.memory_space<vmem>>, vector<1000x128xf32>
    tpu.vector_store %arg4[%swap3A, %swap3A_10], %add3A_9 {strides = array<i32>} : memref<1000x128xf32, #tpu.memory_space<vmem>>, vector<1000x128xf32>,
    return
  }
  func.func @transform_0(%arg0: i32) -> (i32, i32) {
    %c0_i32 = arith.constant 0 : i32
    %c0_i32_0 = arith.constant 0 : i32
    return %arg0, %c0_i32 : i32, i32
  }
  func.func @transform_1(%arg0: i32) -> (i32, i32) {
    %c0_i32 = arith.constant 0 : i32
    %c0_i32_0 = arith.constant 0 : i32
    %c0_i32_1 = arith.constant 0 : i32
    return %c0_i32, %c0_i32_0 : i32, i32
  }
  func.func @transform_2(%arg0: i32) -> (i32, i32) {
    %c0_i32 = arith.constant 0 : i32
    %c0_i32_0 = arith.constant 0 : i32
    %c0_i32_1 = arith.constant 0 : i32
    return %c0_i32, %c0_i32_0 : i32, i32
  }
  func.func @transform_3(%arg0: i32) -> (i32, i32) {
    %c0_i32 = arith.constant 0 : i32
    %c0_i32_0 = arith.constant 0 : i32
    return %arg0, %c0_i32 : i32, i32
  }
}

module attributes {stable_mosaic.version = 14 : i64} {
  func.func @body(%arg0: i32, %arg1: memref<2x1000x128xf32, #tpu.memory_space<vmem>>, %arg2: memref<1000x2xf32, #tpu.memory_space<vmem>>, %arg3: memref<1000x128xf32, #tpu.memory_space<vmem>>, %arg4: memref<128x128xf32, #tpu.memory_space<vmem>>, %arg5: memref<1x128xf32, #tpu.memory_space<vmem>>, %arg6: memref<128x128xf32, #tpu.memory_space<vmem>>, %arg7: memref<1000x128xf32, #tpu.memory_space<vmem>>) attributes {dimension_semantics = [#tpu.dimension_semantics<arbitrary>], iteration_bounds = array<i64: 10>, scalar_prefetch = 0 : i64, scratch_operands = 0 : i64, tpu.core_type = #tpu.core_type<tc>, window_params = [{transform_indices = @transform_0, window_bounds = array<i64: 2, 1000, 128>}, {transform_indices = @transform_1, window_bounds = array<i64: 1000, 2>}, {transform_indices = @transform_2, window_bounds = array<i64: 1000, 128>}, {pipeline_mode = #tpu.pipeline_mode<synchronous>, transform_indices = @transform_3, window_bounds = array<i64: 128, 128>}, {pipeline_mode = #tpu.pipeline_mode<synchronous>, transform_indices = @transform_4, window_bounds = array<i64: 1, 128>}, {pipeline_mode = #tpu.pipeline_mode<synchronous>, transform_indices = @transform_5, window_bounds = array<i64: 128, 128>}, {transform_indices = @transform_6, window_bounds = array<i64: 1000, 128>}]} {
    %get3A = arith.constant 0 : index
    %get3A_0 = arith.constant 0 : index
    %get3A_1 = arith.constant 0 : index
    %get3A_2 = vector.load %arg1[%get3A, %get3A_0, %get3A_1] : memref<2x1000x128xf32, #tpu.memory_space<vmem>>, vector<1x1000x128xf32>
    %get3A_3 = vector.shape_cast %get3A_2 : vector<1x1000x128xf32> to vector<1000x128xf32>
    %get3A_4 = arith.constant 1 : index
    %get3A_5 = arith.constant 0 : index
    %get3A_6 = arith.constant 0 : index
    %get3A_7 = vector.load %arg1[%get3A_4, %get3A_5, %get3A_6] : memref<2x1000x128xf32, #tpu.memory_space<vmem>>, vector<1x1000x128xf32>
    %get3A_8 = vector.shape_cast %get3A_7 : vector<1x1000x128xf32> to vector<1000x128xf32>
    %add3A = arith.addf %get3A_3, %get3A_8 : vector<1000x128xf32>
    %get3A_9 = arith.constant 0 : index
    %get3A_10 = arith.constant 0 : index
    %get3A_11 = vector.load %arg2[%get3A_9, %get3A_10] : memref<1000x2xf32, #tpu.memory_space<vmem>>, vector<1000x1xf32>
    %get3A_12 = arith.constant 0 : index
    %get3A_13 = arith.constant 1 : index
    %get3A_14 = vector.load %arg2[%get3A_12, %get3A_13] : memref<1000x2xf32, #tpu.memory_space<vmem>>, vector<1000x1xf32>
    %add3A_15 = arith.addf %get3A_11, %get3A_14 : vector<1000x1xf32>
    %max3A = arith.constant 1.000000e+00 : f32
    %max3A_16 = vector.broadcast %max3A : f32 to vector<1000x1xf32>
    %max3A_17 = arith.maximumf %add3A_15, %max3A_16 : vector<1000x1xf32>
    %div3A = vector.broadcast %max3A_17 : vector<1000x1xf32> to vector<1000x128xf32>
    %div3A_18 = arith.divf %add3A, %div3A : vector<1000x128xf32>
    %get3A_19 = arith.constant 0 : index
    %get3A_20 = arith.constant 0 : index
    %get3A_21 = vector.load %arg4[%get3A_19, %get3A_20] : memref<128x128xf32, #tpu.memory_space<vmem>>, vector<128x128xf32>
    %dot_general3A = arith.constant dense<0.000000e+00> : vector<1000x128xf32>
    %dot_general3A_22 = tpu.matmul %div3A_18, %get3A_21, %dot_general3A {dimension_numbers = #tpu.dot_dimension_numbers<[1], [0], [0], [1], [0, 0, 1, 1], [], []>, transpose_lhs_hint = false} : vector<1000x128xf32>, vector<128x128xf32>, vector<1000x128xf32> -> vector<1000x128xf32>
    %get3A_23 = arith.constant 0 : index
    %get3A_24 = arith.constant 0 : index
    %get3A_25 = vector.load %arg5[%get3A_23, %get3A_24] : memref<1x128xf32, #tpu.memory_space<vmem>>, vector<1x128xf32>
    %add3A_26 = vector.broadcast %get3A_25 : vector<1x128xf32> to vector<1000x128xf32>
    %add3A_27 = arith.addf %dot_general3A_22, %add3A_26 : vector<1000x128xf32>
    %get3A_28 = arith.constant 0 : index
    %get3A_29 = arith.constant 0 : index
    %get3A_30 = vector.load %arg3[%get3A_28, %get3A_29] : memref<1000x128xf32, #tpu.memory_space<vmem>>, vector<1000x128xf32>
    %get3A_31 = arith.constant 0 : index
    %get3A_32 = arith.constant 0 : index
    %get3A_33 = vector.load %arg6[%get3A_31, %get3A_32] : memref<128x128xf32, #tpu.memory_space<vmem>>, vector<128x128xf32>
    %dot_general3A_34 = arith.constant dense<0.000000e+00> : vector<1000x128xf32>
    %dot_general3A_35 = tpu.matmul %get3A_30, %get3A_33, %dot_general3A_34 {dimension_numbers = #tpu.dot_dimension_numbers<[1], [0], [0], [1], [0, 0, 1, 1], [], []>, transpose_lhs_hint = false} : vector<1000x128xf32>, vector<128x128xf32>, vector<1000x128xf32> -> vector<1000x128xf32>
    %add3A_36 = arith.addf %add3A_27, %dot_general3A_35 : vector<1000x128xf32>
    %max3A_37 = arith.constant 0.000000e+00 : f32
    %max3A_38 = vector.broadcast %max3A_37 : f32 to vector<1000x128xf32>
    %max3A_39 = arith.maximumf %add3A_36, %max3A_38 : vector<1000x128xf32>
    %swap3A = arith.constant 0 : index
    %swap3A_40 = arith.constant 0 : index
    %swap3A_41 = vector.load %arg7[%swap3A, %swap3A_40] : memref<1000x128xf32, #tpu.memory_space<vmem>>, vector<1000x128xf32>
    tpu.vector_store %arg7[%swap3A, %swap3A_40], %max3A_39 {strides = array<i32>} : memref<1000x128xf32, #tpu.memory_space<vmem>>, vector<1000x128xf32>,
    return
  }
  func.func @transform_0(%arg0: i32) -> (i32, i32, i32) {
    %c0_i32 = arith.constant 0 : i32
    %c0_i32_0 = arith.constant 0 : i32
    %c0_i32_1 = arith.constant 0 : i32
    return %c0_i32, %arg0, %c0_i32_0 : i32, i32, i32
  }
  func.func @transform_1(%arg0: i32) -> (i32, i32) {
    %c0_i32 = arith.constant 0 : i32
    %c0_i32_0 = arith.constant 0 : i32
    return %arg0, %c0_i32 : i32, i32
  }
  func.func @transform_2(%arg0: i32) -> (i32, i32) {
    %c0_i32 = arith.constant 0 : i32
    %c0_i32_0 = arith.constant 0 : i32
    return %arg0, %c0_i32 : i32, i32
  }
  func.func @transform_3(%arg0: i32) -> (i32, i32) {
    %c0_i32 = arith.constant 0 : i32
    %c0_i32_0 = arith.constant 0 : i32
    %c0_i32_1 = arith.constant 0 : i32
    return %c0_i32, %c0_i32_0 : i32, i32
  }
  func.func @transform_4(%arg0: i32) -> (i32, i32) {
    %c0_i32 = arith.constant 0 : i32
    %c0_i32_0 = arith.constant 0 : i32
    %c0_i32_1 = arith.constant 0 : i32
    return %c0_i32, %c0_i32_0 : i32, i32
  }
  func.func @transform_5(%arg0: i32) -> (i32, i32) {
    %c0_i32 = arith.constant 0 : i32
    %c0_i32_0 = arith.constant 0 : i32
    %c0_i32_1 = arith.constant 0 : i32
    return %c0_i32, %c0_i32_0 : i32, i32
  }
  func.func @transform_6(%arg0: i32) -> (i32, i32) {
    %c0_i32 = arith.constant 0 : i32
    %c0_i32_0 = arith.constant 0 : i32
    return %arg0, %c0_i32 : i32, i32
  }
}

module attributes {stable_mosaic.version = 14 : i64} {
  func.func @body(%arg0: i32, %arg1: memref<1000x128xf32, #tpu.memory_space<vmem>>, %arg2: memref<1000x128xf32, #tpu.memory_space<vmem>>, %arg3: memref<1000x128xf32, #tpu.memory_space<vmem>>, %arg4: memref<128x128xf32, #tpu.memory_space<vmem>>, %arg5: memref<128x128xf32, #tpu.memory_space<vmem>>, %arg6: memref<128x128xf32, #tpu.memory_space<vmem>>, %arg7: memref<1x128xf32, #tpu.memory_space<vmem>>, %arg8: memref<128x128xf32, #tpu.memory_space<vmem>>, %arg9: memref<1x128xf32, #tpu.memory_space<vmem>>, %arg10: memref<128x64xf32, #tpu.memory_space<vmem>>, %arg11: memref<1x64xf32, #tpu.memory_space<vmem>>, %arg12: memref<128x64xf32, #tpu.memory_space<vmem>>, %arg13: memref<1x64xf32, #tpu.memory_space<vmem>>, %arg14: memref<128x64xf32, #tpu.memory_space<vmem>>, %arg15: memref<1x64xf32, #tpu.memory_space<vmem>>, %arg16: memref<64x128xf32, #tpu.memory_space<vmem>>, %arg17: memref<1x128xf32, #tpu.memory_space<vmem>>, %arg18: memref<64x128xf32, #tpu.memory_space<vmem>>, %arg19: memref<1x128xf32, #tpu.memory_space<vmem>>, %arg20: memref<64x128xf32, #tpu.memory_space<vmem>>, %arg21: memref<1x128xf32, #tpu.memory_space<vmem>>, %arg22: memref<1000x1xf32, #tpu.memory_space<vmem>>, %arg23: memref<1000x1xf32, #tpu.memory_space<vmem>>, %arg24: memref<1000x1xf32, #tpu.memory_space<vmem>>, %arg25: memref<1000x64xf32, #tpu.memory_space<vmem>>, %arg26: memref<1000x64xf32, #tpu.memory_space<vmem>>) attributes {dimension_semantics = [#tpu.dimension_semantics<arbitrary>], iteration_bounds = array<i64: 8>, scalar_prefetch = 0 : i64, scratch_operands = 0 : i64, tpu.core_type = #tpu.core_type<tc>, window_params = [{transform_indices = @transform_0, window_bounds = array<i64: 1000, 128>}, {transform_indices = @transform_1, window_bounds = array<i64: 1000, 128>}, {transform_indices = @transform_2, window_bounds = array<i64: 1000, 128>}, {pipeline_mode = #tpu.pipeline_mode<synchronous>, transform_indices = @transform_3, window_bounds = array<i64: 128, 128>}, {pipeline_mode = #tpu.pipeline_mode<synchronous>, transform_indices = @transform_4, window_bounds = array<i64: 128, 128>}, {pipeline_mode = #tpu.pipeline_mode<synchronous>, transform_indices = @transform_5, window_bounds = array<i64: 128, 128>}, {pipeline_mode = #tpu.pipeline_mode<synchronous>, transform_indices = @transform_6, window_bounds = array<i64: 1, 128>}, {pipeline_mode = #tpu.pipeline_mode<synchronous>, transform_indices = @transform_7, window_bounds = array<i64: 128, 128>}, {pipeline_mode = #tpu.pipeline_mode<synchronous>, transform_indices = @transform_8, window_bounds = array<i64: 1, 128>}, {pipeline_mode = #tpu.pipeline_mode<synchronous>, transform_indices = @transform_9, window_bounds = array<i64: 128, 64>}, {pipeline_mode = #tpu.pipeline_mode<synchronous>, transform_indices = @transform_10, window_bounds = array<i64: 1, 64>}, {pipeline_mode = #tpu.pipeline_mode<synchronous>, transform_indices = @transform_11, window_bounds = array<i64: 128, 64>}, {pipeline_mode = #tpu.pipeline_mode<synchronous>, transform_indices = @transform_12, window_bounds = array<i64: 1, 64>}, {pipeline_mode = #tpu.pipeline_mode<synchronous>, transform_indices = @transform_13, window_bounds = array<i64: 128, 64>}, {pipeline_mode = #tpu.pipeline_mode<synchronous>, transform_indices = @transform_14, window_bounds = array<i64: 1, 64>}, {pipeline_mode = #tpu.pipeline_mode<synchronous>, transform_indices = @transform_15, window_bounds = array<i64: 64, 128>}, {pipeline_mode = #tpu.pipeline_mode<synchronous>, transform_indices = @transform_16, window_bounds = array<i64: 1, 128>}, {pipeline_mode = #tpu.pipeline_mode<synchronous>, transform_indices = @transform_17, window_bounds = array<i64: 64, 128>}, {pipeline_mode = #tpu.pipeline_mode<synchronous>, transform_indices = @transform_18, window_bounds = array<i64: 1, 128>}, {pipeline_mode = #tpu.pipeline_mode<synchronous>, transform_indices = @transform_19, window_bounds = array<i64: 64, 128>}, {pipeline_mode = #tpu.pipeline_mode<synchronous>, transform_indices = @transform_20, window_bounds = array<i64: 1, 128>}, {transform_indices = @transform_21, window_bounds = array<i64: 1000, 1>}, {transform_indices = @transform_22, window_bounds = array<i64: 1000, 1>}, {transform_indices = @transform_23, window_bounds = array<i64: 1000, 1>}, {transform_indices = @transform_24, window_bounds = array<i64: 1000, 64>}, {transform_indices = @transform_25, window_bounds = array<i64: 1000, 64>}]} {
    %get3A = arith.constant 0 : index
    %get3A_0 = arith.constant 0 : index
    %get3A_1 = vector.load %arg1[%get3A, %get3A_0] : memref<1000x128xf32, #tpu.memory_space<vmem>>, vector<1000x128xf32>
    %get3A_2 = arith.constant 0 : index
    %get3A_3 = arith.constant 0 : index
    %get3A_4 = vector.load %arg4[%get3A_2, %get3A_3] : memref<128x128xf32, #tpu.memory_space<vmem>>, vector<128x128xf32>
    %dot_general3A = arith.constant dense<0.000000e+00> : vector<1000x128xf32>
    %dot_general3A_5 = tpu.matmul %get3A_1, %get3A_4, %dot_general3A {dimension_numbers = #tpu.dot_dimension_numbers<[1], [0], [0], [1], [0, 0, 1, 1], [], []>, transpose_lhs_hint = false} : vector<1000x128xf32>, vector<128x128xf32>, vector<1000x128xf32> -> vector<1000x128xf32>
    %get3A_6 = arith.constant 0 : index
    %get3A_7 = arith.constant 0 : index
    %get3A_8 = vector.load %arg2[%get3A_6, %get3A_7] : memref<1000x128xf32, #tpu.memory_space<vmem>>, vector<1000x128xf32>
    %get3A_9 = arith.constant 0 : index
    %get3A_10 = arith.constant 0 : index
    %get3A_11 = vector.load %arg5[%get3A_9, %get3A_10] : memref<128x128xf32, #tpu.memory_space<vmem>>, vector<128x128xf32>
    %dot_general3A_12 = arith.constant dense<0.000000e+00> : vector<1000x128xf32>
    %dot_general3A_13 = tpu.matmul %get3A_8, %get3A_11, %dot_general3A_12 {dimension_numbers = #tpu.dot_dimension_numbers<[1], [0], [0], [1], [0, 0, 1, 1], [], []>, transpose_lhs_hint = false} : vector<1000x128xf32>, vector<128x128xf32>, vector<1000x128xf32> -> vector<1000x128xf32>
    %add3A = arith.addf %dot_general3A_5, %dot_general3A_13 : vector<1000x128xf32>
    %get3A_14 = arith.constant 0 : index
    %get3A_15 = arith.constant 0 : index
    %get3A_16 = vector.load %arg3[%get3A_14, %get3A_15] : memref<1000x128xf32, #tpu.memory_space<vmem>>, vector<1000x128xf32>
    %get3A_17 = arith.constant 0 : index
    %get3A_18 = arith.constant 0 : index
    %get3A_19 = vector.load %arg6[%get3A_17, %get3A_18] : memref<128x128xf32, #tpu.memory_space<vmem>>, vector<128x128xf32>
    %dot_general3A_20 = arith.constant dense<0.000000e+00> : vector<1000x128xf32>
    %dot_general3A_21 = tpu.matmul %get3A_16, %get3A_19, %dot_general3A_20 {dimension_numbers = #tpu.dot_dimension_numbers<[1], [0], [0], [1], [0, 0, 1, 1], [], []>, transpose_lhs_hint = false} : vector<1000x128xf32>, vector<128x128xf32>, vector<1000x128xf32> -> vector<1000x128xf32>
    %add3A_22 = arith.addf %add3A, %dot_general3A_21 : vector<1000x128xf32>
    %get3A_23 = arith.constant 0 : index
    %get3A_24 = arith.constant 0 : index
    %get3A_25 = vector.load %arg7[%get3A_23, %get3A_24] : memref<1x128xf32, #tpu.memory_space<vmem>>, vector<1x128xf32>
    %add3A_26 = vector.broadcast %get3A_25 : vector<1x128xf32> to vector<1000x128xf32>
    %add3A_27 = arith.addf %add3A_22, %add3A_26 : vector<1000x128xf32>
    %max3A = arith.constant 0.000000e+00 : f32
    %max3A_28 = vector.broadcast %max3A : f32 to vector<1000x128xf32>
    %max3A_29 = arith.maximumf %add3A_27, %max3A_28 : vector<1000x128xf32>
    %get3A_30 = arith.constant 0 : index
    %get3A_31 = arith.constant 0 : index
    %get3A_32 = vector.load %arg8[%get3A_30, %get3A_31] : memref<128x128xf32, #tpu.memory_space<vmem>>, vector<128x128xf32>
    %dot_general3A_33 = arith.constant dense<0.000000e+00> : vector<1000x128xf32>
    %dot_general3A_34 = tpu.matmul %max3A_29, %get3A_32, %dot_general3A_33 {dimension_numbers = #tpu.dot_dimension_numbers<[1], [0], [0], [1], [0, 0, 1, 1], [], []>, transpose_lhs_hint = false} : vector<1000x128xf32>, vector<128x128xf32>, vector<1000x128xf32> -> vector<1000x128xf32>
    %get3A_35 = arith.constant 0 : index
    %get3A_36 = arith.constant 0 : index
    %get3A_37 = vector.load %arg9[%get3A_35, %get3A_36] : memref<1x128xf32, #tpu.memory_space<vmem>>, vector<1x128xf32>
    %add3A_38 = vector.broadcast %get3A_37 : vector<1x128xf32> to vector<1000x128xf32>
    %add3A_39 = arith.addf %dot_general3A_34, %add3A_38 : vector<1000x128xf32>
    %max3A_40 = arith.constant 0.000000e+00 : f32
    %max3A_41 = vector.broadcast %max3A_40 : f32 to vector<1000x128xf32>
    %max3A_42 = arith.maximumf %add3A_39, %max3A_41 : vector<1000x128xf32>
    %get3A_43 = arith.constant 0 : index
    %get3A_44 = arith.constant 0 : index
    %get3A_45 = vector.load %arg10[%get3A_43, %get3A_44] : memref<128x64xf32, #tpu.memory_space<vmem>>, vector<128x64xf32>
    %dot_general3A_46 = arith.constant dense<0.000000e+00> : vector<1000x64xf32>
    %dot_general3A_47 = tpu.matmul %max3A_42, %get3A_45, %dot_general3A_46 {dimension_numbers = #tpu.dot_dimension_numbers<[1], [0], [0], [1], [0, 0, 1, 1], [], []>, transpose_lhs_hint = false} : vector<1000x128xf32>, vector<128x64xf32>, vector<1000x64xf32> -> vector<1000x64xf32>
    %get3A_48 = arith.constant 0 : index
    %get3A_49 = arith.constant 0 : index
    %get3A_50 = vector.load %arg11[%get3A_48, %get3A_49] : memref<1x64xf32, #tpu.memory_space<vmem>>, vector<1x64xf32>
    %add3A_51 = vector.broadcast %get3A_50 : vector<1x64xf32> to vector<1000x64xf32>
    %add3A_52 = arith.addf %dot_general3A_47, %add3A_51 : vector<1000x64xf32>
    %max3A_53 = arith.constant 0.000000e+00 : f32
    %max3A_54 = vector.broadcast %max3A_53 : f32 to vector<1000x64xf32>
    %max3A_55 = arith.maximumf %add3A_52, %max3A_54 : vector<1000x64xf32>
    %get3A_56 = arith.constant 0 : index
    %get3A_57 = arith.constant 0 : index
    %get3A_58 = vector.load %arg12[%get3A_56, %get3A_57] : memref<128x64xf32, #tpu.memory_space<vmem>>, vector<128x64xf32>
    %dot_general3A_59 = arith.constant dense<0.000000e+00> : vector<1000x64xf32>
    %dot_general3A_60 = tpu.matmul %max3A_42, %get3A_58, %dot_general3A_59 {dimension_numbers = #tpu.dot_dimension_numbers<[1], [0], [0], [1], [0, 0, 1, 1], [], []>, transpose_lhs_hint = false} : vector<1000x128xf32>, vector<128x64xf32>, vector<1000x64xf32> -> vector<1000x64xf32>
    %get3A_61 = arith.constant 0 : index
    %get3A_62 = arith.constant 0 : index
    %get3A_63 = vector.load %arg13[%get3A_61, %get3A_62] : memref<1x64xf32, #tpu.memory_space<vmem>>, vector<1x64xf32>
    %add3A_64 = vector.broadcast %get3A_63 : vector<1x64xf32> to vector<1000x64xf32>
    %add3A_65 = arith.addf %dot_general3A_60, %add3A_64 : vector<1000x64xf32>
    %max3A_66 = arith.constant 0.000000e+00 : f32
    %max3A_67 = vector.broadcast %max3A_66 : f32 to vector<1000x64xf32>
    %max3A_68 = arith.maximumf %add3A_65, %max3A_67 : vector<1000x64xf32>
    %get3A_69 = arith.constant 0 : index
    %get3A_70 = arith.constant 0 : index
    %get3A_71 = vector.load %arg14[%get3A_69, %get3A_70] : memref<128x64xf32, #tpu.memory_space<vmem>>, vector<128x64xf32>
    %dot_general3A_72 = arith.constant dense<0.000000e+00> : vector<1000x64xf32>
    %dot_general3A_73 = tpu.matmul %max3A_42, %get3A_71, %dot_general3A_72 {dimension_numbers = #tpu.dot_dimension_numbers<[1], [0], [0], [1], [0, 0, 1, 1], [], []>, transpose_lhs_hint = false} : vector<1000x128xf32>, vector<128x64xf32>, vector<1000x64xf32> -> vector<1000x64xf32>
    %get3A_74 = arith.constant 0 : index
    %get3A_75 = arith.constant 0 : index
    %get3A_76 = vector.load %arg15[%get3A_74, %get3A_75] : memref<1x64xf32, #tpu.memory_space<vmem>>, vector<1x64xf32>
    %add3A_77 = vector.broadcast %get3A_76 : vector<1x64xf32> to vector<1000x64xf32>
    %add3A_78 = arith.addf %dot_general3A_73, %add3A_77 : vector<1000x64xf32>
    %max3A_79 = arith.constant 0.000000e+00 : f32
    %max3A_80 = vector.broadcast %max3A_79 : f32 to vector<1000x64xf32>
    %max3A_81 = arith.maximumf %add3A_78, %max3A_80 : vector<1000x64xf32>
    %swap3A = arith.constant 0 : index
    %swap3A_82 = arith.constant 0 : index
    %swap3A_83 = vector.load %arg26[%swap3A, %swap3A_82] : memref<1000x64xf32, #tpu.memory_space<vmem>>, vector<1000x64xf32>
    tpu.vector_store %arg26[%swap3A, %swap3A_82], %max3A_55 {strides = array<i32>} : memref<1000x64xf32, #tpu.memory_space<vmem>>, vector<1000x64xf32>,
    %swap3A_84 = arith.constant 0 : index
    %swap3A_85 = arith.constant 0 : index
    %swap3A_86 = vector.load %arg25[%swap3A_84, %swap3A_85] : memref<1000x64xf32, #tpu.memory_space<vmem>>, vector<1000x64xf32>
    tpu.vector_store %arg25[%swap3A_84, %swap3A_85], %max3A_68 {strides = array<i32>} : memref<1000x64xf32, #tpu.memory_space<vmem>>, vector<1000x64xf32>,
    %get3A_87 = arith.constant 0 : index
    %get3A_88 = arith.constant 0 : index
    %get3A_89 = vector.load %arg16[%get3A_87, %get3A_88] : memref<64x128xf32, #tpu.memory_space<vmem>>, vector<64x128xf32>
    %dot_general3A_90 = arith.constant dense<0.000000e+00> : vector<1000x128xf32>
    %dot_general3A_91 = tpu.matmul %max3A_55, %get3A_89, %dot_general3A_90 {dimension_numbers = #tpu.dot_dimension_numbers<[1], [0], [0], [1], [0, 0, 1, 1], [], []>, transpose_lhs_hint = false} : vector<1000x64xf32>, vector<64x128xf32>, vector<1000x128xf32> -> vector<1000x128xf32>
    %get3A_92 = arith.constant 0 : index
    %get3A_93 = arith.constant 0 : index
    %get3A_94 = vector.load %arg17[%get3A_92, %get3A_93] : memref<1x128xf32, #tpu.memory_space<vmem>>, vector<1x128xf32>
    %add3A_95 = vector.broadcast %get3A_94 : vector<1x128xf32> to vector<1000x128xf32>
    %add3A_96 = arith.addf %dot_general3A_91, %add3A_95 : vector<1000x128xf32>
    %max3A_97 = arith.constant 0.000000e+00 : f32
    %max3A_98 = vector.broadcast %max3A_97 : f32 to vector<1000x128xf32>
    %max3A_99 = arith.maximumf %add3A_96, %max3A_98 : vector<1000x128xf32>
    %slice3A = vector.extract_strided_slice %max3A_99 {offsets = [0, 0], sizes = [1000, 1], strides = [1, 1]} : vector<1000x128xf32> to vector<1000x1xf32>
    %swap3A_100 = arith.constant 0 : index
    %swap3A_101 = arith.constant 0 : index
    %swap3A_102 = vector.load %arg23[%swap3A_100, %swap3A_101] : memref<1000x1xf32, #tpu.memory_space<vmem>>, vector<1000x1xf32>
    tpu.vector_store %arg23[%swap3A_100, %swap3A_101], %slice3A {strides = array<i32>} : memref<1000x1xf32, #tpu.memory_space<vmem>>, vector<1000x1xf32>,
    %get3A_103 = arith.constant 0 : index
    %get3A_104 = arith.constant 0 : index
    %get3A_105 = vector.load %arg18[%get3A_103, %get3A_104] : memref<64x128xf32, #tpu.memory_space<vmem>>, vector<64x128xf32>
    %dot_general3A_106 = arith.constant dense<0.000000e+00> : vector<1000x128xf32>
    %dot_general3A_107 = tpu.matmul %max3A_68, %get3A_105, %dot_general3A_106 {dimension_numbers = #tpu.dot_dimension_numbers<[1], [0], [0], [1], [0, 0, 1, 1], [], []>, transpose_lhs_hint = false} : vector<1000x64xf32>, vector<64x128xf32>, vector<1000x128xf32> -> vector<1000x128xf32>
    %get3A_108 = arith.constant 0 : index
    %get3A_109 = arith.constant 0 : index
    %get3A_110 = vector.load %arg19[%get3A_108, %get3A_109] : memref<1x128xf32, #tpu.memory_space<vmem>>, vector<1x128xf32>
    %add3A_111 = vector.broadcast %get3A_110 : vector<1x128xf32> to vector<1000x128xf32>
    %add3A_112 = arith.addf %dot_general3A_107, %add3A_111 : vector<1000x128xf32>
    %max3A_113 = arith.constant 0.000000e+00 : f32
    %max3A_114 = vector.broadcast %max3A_113 : f32 to vector<1000x128xf32>
    %max3A_115 = arith.maximumf %add3A_112, %max3A_114 : vector<1000x128xf32>
    %slice3A_116 = vector.extract_strided_slice %max3A_115 {offsets = [0, 0], sizes = [1000, 1], strides = [1, 1]} : vector<1000x128xf32> to vector<1000x1xf32>
    %swap3A_117 = arith.constant 0 : index
    %swap3A_118 = arith.constant 0 : index
    %swap3A_119 = vector.load %arg22[%swap3A_117, %swap3A_118] : memref<1000x1xf32, #tpu.memory_space<vmem>>, vector<1000x1xf32>
    tpu.vector_store %arg22[%swap3A_117, %swap3A_118], %slice3A_116 {strides = array<i32>} : memref<1000x1xf32, #tpu.memory_space<vmem>>, vector<1000x1xf32>,
    %get3A_120 = arith.constant 0 : index
    %get3A_121 = arith.constant 0 : index
    %get3A_122 = vector.load %arg20[%get3A_120, %get3A_121] : memref<64x128xf32, #tpu.memory_space<vmem>>, vector<64x128xf32>
    %dot_general3A_123 = arith.constant dense<0.000000e+00> : vector<1000x128xf32>
    %dot_general3A_124 = tpu.matmul %max3A_81, %get3A_122, %dot_general3A_123 {dimension_numbers = #tpu.dot_dimension_numbers<[1], [0], [0], [1], [0, 0, 1, 1], [], []>, transpose_lhs_hint = false} : vector<1000x64xf32>, vector<64x128xf32>, vector<1000x128xf32> -> vector<1000x128xf32>
    %get3A_125 = arith.constant 0 : index
    %get3A_126 = arith.constant 0 : index
    %get3A_127 = vector.load %arg21[%get3A_125, %get3A_126] : memref<1x128xf32, #tpu.memory_space<vmem>>, vector<1x128xf32>
    %add3A_128 = vector.broadcast %get3A_127 : vector<1x128xf32> to vector<1000x128xf32>
    %add3A_129 = arith.addf %dot_general3A_124, %add3A_128 : vector<1000x128xf32>
    %max3A_130 = arith.constant 0.000000e+00 : f32
    %max3A_131 = vector.broadcast %max3A_130 : f32 to vector<1000x128xf32>
    %max3A_132 = arith.maximumf %add3A_129, %max3A_131 : vector<1000x128xf32>
    %slice3A_133 = vector.extract_strided_slice %max3A_132 {offsets = [0, 0], sizes = [1000, 1], strides = [1, 1]} : vector<1000x128xf32> to vector<1000x1xf32>
    %swap3A_134 = arith.constant 0 : index
    %swap3A_135 = arith.constant 0 : index
    %swap3A_136 = vector.load %arg24[%swap3A_134, %swap3A_135] : memref<1000x1xf32, #tpu.memory_space<vmem>>, vector<1000x1xf32>
    tpu.vector_store %arg24[%swap3A_134, %swap3A_135], %slice3A_133 {strides = array<i32>} : memref<1000x1xf32, #tpu.memory_space<vmem>>, vector<1000x1xf32>,
    return
  }
  func.func @transform_0(%arg0: i32) -> (i32, i32) {
    %c0_i32 = arith.constant 0 : i32
    %c0_i32_0 = arith.constant 0 : i32
    return %arg0, %c0_i32 : i32, i32
  }
  func.func @transform_1(%arg0: i32) -> (i32, i32) {
    %c0_i32 = arith.constant 0 : i32
    %c0_i32_0 = arith.constant 0 : i32
    return %arg0, %c0_i32 : i32, i32
  }
  func.func @transform_2(%arg0: i32) -> (i32, i32) {
    %c0_i32 = arith.constant 0 : i32
    %c0_i32_0 = arith.constant 0 : i32
    return %arg0, %c0_i32 : i32, i32
  }
  func.func @transform_3(%arg0: i32) -> (i32, i32) {
    %c0_i32 = arith.constant 0 : i32
    %c0_i32_0 = arith.constant 0 : i32
    %c0_i32_1 = arith.constant 0 : i32
    return %c0_i32, %c0_i32_0 : i32, i32
  }
  func.func @transform_4(%arg0: i32) -> (i32, i32) {
    %c0_i32 = arith.constant 0 : i32
    %c0_i32_0 = arith.constant 0 : i32
    %c0_i32_1 = arith.constant 0 : i32
    return %c0_i32, %c0_i32_0 : i32, i32
  }
  func.func @transform_5(%arg0: i32) -> (i32, i32) {
    %c0_i32 = arith.constant 0 : i32
    %c0_i32_0 = arith.constant 0 : i32
    %c0_i32_1 = arith.constant 0 : i32
    return %c0_i32, %c0_i32_0 : i32, i32
  }
  func.func @transform_6(%arg0: i32) -> (i32, i32) {
    %c0_i32 = arith.constant 0 : i32
    %c0_i32_0 = arith.constant 0 : i32
    %c0_i32_1 = arith.constant 0 : i32
    return %c0_i32, %c0_i32_0 : i32, i32
  }
  func.func @transform_7(%arg0: i32) -> (i32, i32) {
    %c0_i32 = arith.constant 0 : i32
    %c0_i32_0 = arith.constant 0 : i32
    %c0_i32_1 = arith.constant 0 : i32
    return %c0_i32, %c0_i32_0 : i32, i32
  }
  func.func @transform_8(%arg0: i32) -> (i32, i32) {
    %c0_i32 = arith.constant 0 : i32
    %c0_i32_0 = arith.constant 0 : i32
    %c0_i32_1 = arith.constant 0 : i32
    return %c0_i32, %c0_i32_0 : i32, i32
  }
  func.func @transform_9(%arg0: i32) -> (i32, i32) {
    %c0_i32 = arith.constant 0 : i32
    %c0_i32_0 = arith.constant 0 : i32
    %c0_i32_1 = arith.constant 0 : i32
    return %c0_i32, %c0_i32_0 : i32, i32
  }
  func.func @transform_10(%arg0: i32) -> (i32, i32) {
    %c0_i32 = arith.constant 0 : i32
    %c0_i32_0 = arith.constant 0 : i32
    %c0_i32_1 = arith.constant 0 : i32
    return %c0_i32, %c0_i32_0 : i32, i32
  }
  func.func @transform_11(%arg0: i32) -> (i32, i32) {
    %c0_i32 = arith.constant 0 : i32
    %c0_i32_0 = arith.constant 0 : i32
    %c0_i32_1 = arith.constant 0 : i32
    return %c0_i32, %c0_i32_0 : i32, i32
  }
  func.func @transform_12(%arg0: i32) -> (i32, i32) {
    %c0_i32 = arith.constant 0 : i32
    %c0_i32_0 = arith.constant 0 : i32
    %c0_i32_1 = arith.constant 0 : i32
    return %c0_i32, %c0_i32_0 : i32, i32
  }
  func.func @transform_13(%arg0: i32) -> (i32, i32) {
    %c0_i32 = arith.constant 0 : i32
    %c0_i32_0 = arith.constant 0 : i32
    %c0_i32_1 = arith.constant 0 : i32
    return %c0_i32, %c0_i32_0 : i32, i32
  }
  func.func @transform_14(%arg0: i32) -> (i32, i32) {
    %c0_i32 = arith.constant 0 : i32
    %c0_i32_0 = arith.constant 0 : i32
    %c0_i32_1 = arith.constant 0 : i32
    return %c0_i32, %c0_i32_0 : i32, i32
  }
  func.func @transform_15(%arg0: i32) -> (i32, i32) {
    %c0_i32 = arith.constant 0 : i32
    %c0_i32_0 = arith.constant 0 : i32
    %c0_i32_1 = arith.constant 0 : i32
    return %c0_i32, %c0_i32_0 : i32, i32
  }
  func.func @transform_16(%arg0: i32) -> (i32, i32) {
    %c0_i32 = arith.constant 0 : i32
    %c0_i32_0 = arith.constant 0 : i32
    %c0_i32_1 = arith.constant 0 : i32
    return %c0_i32, %c0_i32_0 : i32, i32
  }
  func.func @transform_17(%arg0: i32) -> (i32, i32) {
    %c0_i32 = arith.constant 0 : i32
    %c0_i32_0 = arith.constant 0 : i32
    %c0_i32_1 = arith.constant 0 : i32
    return %c0_i32, %c0_i32_0 : i32, i32
  }
  func.func @transform_18(%arg0: i32) -> (i32, i32) {
    %c0_i32 = arith.constant 0 : i32
    %c0_i32_0 = arith.constant 0 : i32
    %c0_i32_1 = arith.constant 0 : i32
    return %c0_i32, %c0_i32_0 : i32, i32
  }
  func.func @transform_19(%arg0: i32) -> (i32, i32) {
    %c0_i32 = arith.constant 0 : i32
    %c0_i32_0 = arith.constant 0 : i32
    %c0_i32_1 = arith.constant 0 : i32
    return %c0_i32, %c0_i32_0 : i32, i32
  }
  func.func @transform_20(%arg0: i32) -> (i32, i32) {
    %c0_i32 = arith.constant 0 : i32
    %c0_i32_0 = arith.constant 0 : i32
    %c0_i32_1 = arith.constant 0 : i32
    return %c0_i32, %c0_i32_0 : i32, i32
  }
  func.func @transform_21(%arg0: i32) -> (i32, i32) {
    %c0_i32 = arith.constant 0 : i32
    %c0_i32_0 = arith.constant 0 : i32
    return %arg0, %c0_i32 : i32, i32
  }
  func.func @transform_22(%arg0: i32) -> (i32, i32) {
    %c0_i32 = arith.constant 0 : i32
    %c0_i32_0 = arith.constant 0 : i32
    return %arg0, %c0_i32 : i32, i32
  }
  func.func @transform_23(%arg0: i32) -> (i32, i32) {
    %c0_i32 = arith.constant 0 : i32
    %c0_i32_0 = arith.constant 0 : i32
    return %arg0, %c0_i32 : i32, i32
  }
  func.func @transform_24(%arg0: i32) -> (i32, i32) {
    %c0_i32 = arith.constant 0 : i32
    %c0_i32_0 = arith.constant 0 : i32
    return %arg0, %c0_i32 : i32, i32
  }
  func.func @transform_25(%arg0: i32) -> (i32, i32) {
    %c0_i32 = arith.constant 0 : i32
    %c0_i32_0 = arith.constant 0 : i32
    return %arg0, %c0_i32 : i32, i32
  }
}

</mosaic_0001>

<sc_bundles>
// kernel: kernel.12.cloned.1.call-start
scs
__scs_entry_jumppad:
0x0: {  	(pc) =	sbr.rel $0x88, $3  }
0x1: {  	(tag) =	ssettag $0x0;
	lr =	simm.s32 $0x1  }
0x2: {  	[smem:$0x3F84] =	sst lr;
	_ =	strace $0xD0000000  }
0x3: {  	_ = 	snop  }
0x4: {  	_ = 	snop  }
0x5: {  	_ = 	snop  }
0x6: {  	_ = 	snop  }
0x7: {  	_ = 	snop  }
__scs_overlays_trampoline_lowered:
0x8: {  	[smem:$0x3F93] =	sst s0  }
0x9: {  	[smem:$0x3F94] =	sst s1  }
0xa: {  	[smem:$0x3F95] =	sst s2  }
0xb: {  	[smem:$0x3F96] =	sst s3  }
0xc: {  	[smem:$0x3F97] =	sst s4  }
0xd: {  	[smem:$0x3F98] =	sst s5  }
0xe: {  	[smem:$0x3F99] =	sst s6  }
0xf: {  	[smem:$0x3F9A] =	sst s7  }
0x10: {  	[smem:$0x3F9B] =	sst s8  }
0x11: {  	[smem:$0x3F9C] =	sst s9;
	s0 =	simm.s32 @!p0 $0x0  }
0x12: {  	s1 =	sld [smem:$0x3F82];
	s0 =	simm.s32 @p0 $0x1  }
0x13: {  	[smem:$0x3F9D] =	sst s0;
	s0 =	simm.s32 @!p1 $0x0  }
0x14: {  	s2 =	sld [smem:$0x3F81];
	s0 =	simm.s32 @p1 $0x1  }
0x15: {  	[smem:$0x3F9E] =	sst s0;
	s0 =	simm.s32 @!p2 $0x0  }
0x16: {  	s3 =	sld [smem:$0x3FDB];
	s0 =	simm.s32 @p2 $0x1  }
0x17: {  	s4 =	simm.s32 $0x1BF5;
	[smem:$0x3FA0] =	sst s0  }
0x18: {  	s0 =	sld [smem:$0x3F83];
	_ =	swait.ge [sflag:s4], $0x0  }
0x19: {  	s7 =	sld [smem:$0x3F84]  }
0x1a: {  	s8 =	sadd.s32 $0xFFFFE003, lr  }
0x1b: {  	s9 =	sadd.s32 $0xFFFFFEF7, lr;
	s5 =	simm.s32 $0xFFFFFFFF;
	p2 =	slt.u32 s8, $0xFFFFF086  }
0x1c: {  	p1 =	slt.u32 s9, $0xF7A;
	s5 =	simm.s32 @!p2 $0x0  }
0x1d: {  	s5 =	simm.s32 @p1 $0x1;
	p0 =	seq.s32 s7, s2  }
0x1e: {  	s7 =	smul.u32 @!p0 $0xF7A, s2;
	p2 =	seq.s32 @!p0 s5, $0x0  }
0x1f: {  	s9 =	smul.u32 $0xF7A, s1;
	s8 =	simm.s32 @!p0 $0x1BF5;
	p2 =	por !p2, p0  }
0x20: {  	[sflag:s8] =	ssyncset.s32 @!p0 $0xFFFFF086;
	s6 =	sadd.s32 @!p0 s3, s7;
	s7 =	simm.s32 @!p0 $0x108  }
0x21: {  	s3 =	sadd.s32 s3, s9;
	s6 =	sadd.s32 @!p0 $0x88, s6;
	s7 =	simm.s32 @p2 $0x1082  }
0x22: {  	[simem:s7], [sflag:s8] =	dma.local @!p0 [hbm:s6], $0xF7A  }
0x23: {  	s9 =	sor.u32 $0xD0000000, s2;
	s6 =	simm.s32 $0x108;
	_ =	swait.ge @!p0 [sflag:s8], $0x0  }
0x24: {  	s3 =	sadd.s32 $0x88, s3;
	s6 =	simm.s32 @!p1 $0x1082;
	[sflag:s4] =	ssyncset.s32 $0xFFFFF086  }
0x25: {  	[simem:s6], [sflag:s4] =	dma.local [hbm:s3], $0xF7A  }
0x26: {  	[smem:$0x3F84] =	sst s1;
	(tag) =	ssettag s2;
	_ =	strace s9  }
0x27: {  	s1 =	sld [smem:$0x3F94]  }
0x28: {  	s2 =	sld [smem:$0x3F95]  }
0x29: {  	s4 =	sld [smem:$0x3F97]  }
0x2a: {  	p0 =	seq.s32 s5, $0x0;
	s5 =	sld [smem:$0x3F98]  }
0x2b: {  	s6 =	sld [smem:$0x3F99]  }
0x2c: {  	s7 =	sld [smem:$0x3F9A]  }
0x2d: {  	s3 =	simm.s32 $0x108;
	s8 =	sld [smem:$0x3F9B]  }
0x2e: {  	s3 =	simm.s32 @!p0 $0x1082;
	s9 =	sld [smem:$0x3F9C]  }
0x2f: {  	lr =	sadd.s32 s0, s3;
	s0 =	sld [smem:$0x3F93]  }
0x30: {  	s3 =	sld [smem:$0x3F96]  }
0x31: {  	[smem:$0x3F9F] =	sst s10  }
0x32: {  	s10 =	sld [smem:$0x3F9D];
	_ =	sdelay $0x3  }
0x33: {  	p0 =	seq.s32 s10, $0x1;
	s10 =	sld [smem:$0x3F9F];
	_ =	sdelay $0x3  }
0x34: {  	[smem:$0x3F9F] =	sst s10  }
0x35: {  	s10 =	sld [smem:$0x3F9E];
	_ =	sdelay $0x3  }
0x36: {  	p1 =	seq.s32 s10, $0x1;
	s10 =	sld [smem:$0x3F9F];
	_ =	sdelay $0x3  }
0x37: {  	[smem:$0x3F9F] =	sst s10  }
0x38: {  	s10 =	sld [smem:$0x3FA0]  }
0x39: {  	_ = 	snop;
	(pc) =	sbr.ind lr, $3  }
0x3a: {  	_ = 	snop  }
0x3b: {  	_ = 	snop  }
0x3c: {  	p2 =	seq.s32 s10, $0x1;
	s10 =	sld [smem:$0x3F9F]  }
0x3d: {  	_ =	shalt  }
0x3e: {  	_ =	shalt  }
0x3f: {  	_ =	shalt  }
0x40: {  	_ =	shalt  }
0x41: {  	_ =	shalt  }
0x42: {  	_ =	shalt  }
0x43: {  	_ =	shalt  }
0x44: {  	_ =	shalt  }
0x45: {  	_ =	shalt  }
0x46: {  	_ =	shalt  }
0x47: {  	_ =	shalt  }
0x48: {  	_ =	shalt  }
0x49: {  	_ =	shalt  }
0x4a: {  	_ =	shalt  }
0x4b: {  	_ =	shalt  }
0x4c: {  	_ =	shalt  }
0x4d: {  	_ =	shalt  }
0x4e: {  	_ =	shalt  }
0x4f: {  	_ =	shalt  }
0x50: {  	_ =	shalt  }
0x51: {  	_ =	shalt  }
0x52: {  	_ =	shalt  }
0x53: {  	_ =	shalt  }
0x54: {  	_ =	shalt  }
0x55: {  	_ =	shalt  }
0x56: {  	_ =	shalt  }
0x57: {  	_ =	shalt  }
0x58: {  	_ =	shalt  }
0x59: {  	_ =	shalt  }
0x5a: {  	_ =	shalt  }
0x5b: {  	_ =	shalt  }
0x5c: {  	_ =	shalt  }
0x5d: {  	_ =	shalt  }
0x5e: {  	_ =	shalt  }
0x5f: {  	_ =	shalt  }
0x60: {  	_ =	shalt  }
0x61: {  	_ =	shalt  }
0x62: {  	_ =	shalt  }
0x63: {  	_ =	shalt  }
0x64: {  	_ =	shalt  }
0x65: {  	_ =	shalt  }
0x66: {  	_ =	shalt  }
0x67: {  	_ =	shalt  }
0x68: {  	_ =	shalt  }
0x69: {  	_ =	shalt  }
0x6a: {  	_ =	shalt  }
0x6b: {  	_ =	shalt  }
0x6c: {  	_ =	shalt  }
0x6d: {  	_ =	shalt  }
0x6e: {  	_ =	shalt  }
0x6f: {  	_ =	shalt  }
0x70: {  	_ =	shalt  }
0x71: {  	_ =	shalt  }
0x72: {  	_ =	shalt  }
0x73: {  	_ =	shalt  }
0x74: {  	_ =	shalt  }
0x75: {  	_ =	shalt  }
0x76: {  	_ =	shalt  }
0x77: {  	_ =	shalt  }
0x78: {  	_ =	shalt  }
0x79: {  	_ =	shalt  }
0x7a: {  	_ =	shalt  }
0x7b: {  	_ =	shalt  }
0x7c: {  	_ =	shalt  }
0x7d: {  	_ =	shalt  }
0x7e: {  	_ =	shalt  }
0x7f: {  	_ =	shalt  }
0x80: {  	_ =	shalt  }
0x81: {  	_ =	shalt  }
0x82: {  	_ =	shalt  }
0x83: {  	_ =	shalt  }
0x84: {  	_ =	shalt  }
0x85: {  	_ =	shalt  }
0x86: {  	_ =	shalt  }
0x87: {  	_ =	shalt  }
.Lfunc_end0:
.L_simem_size_0:
called_computation.1_lowered:
.L_overlay_start_0:
0x88: {  	s2 =	sld [smem:$0x3FD9]  }
0x89: {  	s3 =	sld [smem:$0x3FFE];
	_ =	sdelay $0x1  }
0x8a: {  	s1 =	srdreg.scid  }
0x8b: {  	s0 =	sand.u32 $0x1, s1  }
0x8c: {  	s14 =	sshll.u32 s0, $0xA;
	s2 =	sadd.s32 s3, s2  }
0x8d: {  	s2 =	sadd.s32 s2, s14  }
0x8e: {  	[smem:$0x3FAB] =	sst s2  }
0x8f: {  	_ = 	snop  }
0x90: {  	s2 =	sld [smem:$0x3FD0];
	_ =	sdelay $0x2  }
0x91: {  	s15 =	simm.s32 $0xA;
	s4 =	simm.s32 $0x10  }
0x92: {  	[smem:s4], [sflag:s15] =	dma.local [hbm:s2], $0x1  }
0x93: {  	_ =	swait.eq [sflag:s15], $0x1  }
0x94: {  	[sflag:s15] =	ssyncset.done $0x0  }
0x95: {  	s16 =	sld [smem:$0x13];
	[sflag:s15] =	ssyncadd.s32 $0xFFFFFFFF  }
0x96: {  	s17 =	sld [smem:$0x14];
	(tm) =	ssettm $0x1  }
0x97: {  	s18 =	sld [smem:$0x3FFB];
	_ =	sdelay $0x3  }
0x98: {  	_ =	strace s18  }
0x99: {  	s4 =	sld [smem:$0x3FFC];
	_ =	sdelay $0x3  }
0x9a: {  	_ =	strace s4  }
0x9b: {  	s4 =	sld [smem:$0x3FFD];
	_ =	sdelay $0x3  }
0x9c: {  	_ =	strace s4  }
0x9d: {  	_ =	strace $0x8FFFFFFF  }
0x9e: {  	s19 =	sld [smem:$0x3FDB];
	_ =	sdelay $0x1  }
0x9f: {  	s5 =	simm.s32 $_scs_section_size  }
0xa0: {  	s6 =	simm.s32 $_size__tile_overlayer_lowered;
	s7 =	simm.s32 $_tile_overlayer_lowered  }
0xa1: {  	s22 =	simm.s32 $0x1BFF;
	s21 =	sshll.u32 s7, $0x1;
	s4 =	sadd.s32 s5, s19  }
0xa2: {  	s8 =	simm.s32 $0x0;
	s20 =	sshll.u32 s6, $0x1;
	s6 =	sadd.s32 s21, s4  }
0xa3: {  	[timem:s8], [sflag:s22] =	dma.local [hbm:s6], s20  }
0xa4: {  	_ =	swait.ge [sflag:s22], s20  }
0xa5: {  	s5 =	ssub.s32 $0x0, s20;
	[sflag:s22] =	ssyncset.done $0x0  }
0xa6: {  	[sflag:s22] =	ssyncadd.s32 s5;
	_ =	sdelay $0x1  }
0xa7: {  	s23 =	simm.s32 $0x1B8B  }
0xa8: {  	_ =	swait.ge [sflag:s23], $0x1  }
0xa9: {  	[sflag:s23] =	ssyncset.done $0x0  }
0xaa: {  	s25 =	simm.s32 $0x1B8E;
	s24 =	sld [smem:$0x3FFE];
	[sflag:s23] =	ssyncadd.s32 $0xFFFFFFFF  }
0xab: {  	s26 =	simm.s32 $execute0_lowered;
	[smem:$0x3FD2] =	sst s25  }
0xac: {  	s6 =	sshll.u32 s26, $0x1;
	_ =	strace $0x80000049;
	[dreg:$0x1] =	wrdreg $0xFFFFFFFF  }
0xad: {  	s28 =	simm.s32 $_size_execute0_lowered;
	s4 =	sadd.s32 s4, s6;
	[dreg:$0x0] =	wrdreg $0x0  }
0xae: {  	s6 =	sshll.u32 s28, $0x1;
	[dreg:$0x2] =	wrdreg s4  }
0xaf: {  	[dreg:$0x3] =	wrdreg s6  }
0xb0: {  	[dreg:$0x4] =	wrdreg $0xC0  }
0xb1: {  	_ =	task [dreg:s8], $0x5FFFF  }
0xb2: {  	[dreg:$0x1] =	wrdreg $0xFFFFFFFF  }
0xb3: {  	[dreg:$0x0] =	wrdreg $0x60  }
0xb4: {  	[dreg:$0x2] =	wrdreg s24  }
0xb5: {  	[dreg:$0x3] =	wrdreg s16  }
0xb6: {  	[dreg:$0x4] =	wrdreg s17  }
0xb7: {  	[dreg:$0x5] =	wrdreg $0x7B000  }
0xb8: {  	[dreg:$0x6] =	wrdreg $0x9  }
0xb9: {  	_ =	task.clear_ibuf [dreg:s8], $0x7FFFF;
	_ =	strace $0x90000049  }
0xba: {  	s29 =	simm.s32 $0x9;
	_ =	strace $0x8000004B  }
0xbb: {  	_ =	swait.ge [sflag:s29], $0x1  }
0xbc: {  	[sflag:s29] =	ssyncadd.s32 $0xFFFFFFFF  }
0xbd: {  	_ =	strace $0x9000004B  }
0xbe: {  	_ =	sfence  }
0xbf: {  	s30 =	sld [smem:$0x0];
	_ =	sdelay $0x2  }
0xc0: {  	s31 =	sshll.u32 s1, $0xD;
	s1 =	sshrl.u32 s1, $0x2  }
0xc1: {  	s3 =	sand.u32 $0x4000, s31;
	s1 =	sadd.s32 s1, s30  }
0xc2: {  	s0 =	sor.u32 s3, s0;
	s1 =	sshll.u32 s1, $0x11  }
0xc3: {  	s0 =	sor.u32 s1, s0  }
0xc4: {  	s0 =	sadd.s32 $0x8F2B, s0  }
0xc5: {  	[sflag:s0] =	ssyncadd.remote.s32 $0x1  }
0xc6: {  	_ =	sfence.sel $0xFFFF  }
0xc7: {  	[dreg:$0x0] =	wrdreg $0xFFFFFFFF;
	(pc) =	sbr.abs _section_cstart, $3  }
0xc8: {  	[dreg:$0x1] =	wrdreg $0xFFFFFFFF  }
0xc9: {  	_ =	task.clear_ibuf [dreg:s8], $0x2FFFF;
	_ =	strace $0x9FFFFFFF  }
0xca: {  	(tm) =	ssettm $0x7FFFFFFF  }
0xcb: {  	_ =	shalt  }
tec
execute0_lowered:
.L_overlay_start_1:
0x0: {  	(tag) =	ssettag $0x1  }
0x1: {  	s0 =	rddreg [dreg:$0x0]  }
0x2: {  	s1 =	rddreg [dreg:$0x1]  }
0x3: {  	s2 =	rddreg [dreg:$0x2]  }
0x4: {  	s3 =	rddreg [dreg:$0x3]  }
0x5: {  	s4 =	srdreg.scid;
	s5 =	simm.s32 $0x0;
	s11 =	stileid.u32  }
0x6: {  	s28 =	simm.s32 $0x7900;
	s29 =	simm.s32 $0x7980;
	s30 =	simm.s32 $0x2800  }
0x7: {  	s31 =	simm.s32 $0x1;
	s4 =	sand.u32 $0x1, s4;
	s8 =	smul.u32 $0x13C00, s11  }
0x8: {  	[smem:$0x7FF] =	sst s5;
	s6 =	sadd.s32 $0x24200, s0;
	s25 =	smul.u32 $0x4E200, s11  }
0x9: {  	s9 =	sadd.s32 $0x4B400, s0;
	s12 =	sshll.u32 s11, $0x6;
	s7 =	smul.u32 $0x13C000, s4  }
0xa: {  	_ =	strace $0x8000004A;
	[dreg:$0x9] =	wrdreg s9;
	s26 =	ssub.s32 $0x2, s4  }
0xb: {  	s24 =	sshll.u32 s4, $0x4;
	s4 =	smul.u32 $0x27100, s4;
	s10 =	sshrl.u32 s26, $0x1  }
0xc: {  	s9 =	sshrl.u32 s25, $0x2;
	s7 =	sadd.s32 s8, s7;
	s8 =	sor.u32 s11, s24  }
0xd: {  	s9 =	sadd.s32 s9, s3;
	s11 =	smul.u32 $0x2710, s11;
	s7 =	sshrl.u32 s7, $0x3  }
0xe: {  	s8 =	smul.u32 $0x2710, s8;
	[dreg:$0xa] =	wrdreg s9;
	s9 =	sor.u32 $0x1C07, s12  }
0xf: {  	s0 =	sadd.s32 s7, s0;
	s7 =	ssub.s32 s26, s10;
	s4 =	sadd.s32 s11, s4  }
0x10: {  	s8 =	sshrl.u32 s8, $0x3;
	s11 =	sadd.s32 $0x190, s4;
	s22 =	sadd.s32 $0x140, s4  }
0x11: {  	s0 =	sadd.s32 $0x4DC00, s0;
	s13 =	sadd.s32 s1, s8;
	s14 =	sadd.s32 $0xA, s8  }
0x12: {  	s12 =	sadd.s32 s2, s8;
	s16 =	sadd.s32 $0x14, s8;
	[dreg:$0x15] =	wrdreg s0  }
0x13: {  	s19 =	sadd.s32 $0x4CE, s8;
	s21 =	sshrl.u32 s11, $0x3;
	[dreg:$0xb] =	wrdreg s13  }
0x14: {  	s8 =	sadd.s32 $0x4D8, s8;
	[dreg:$0xc] =	wrdreg s12;
	s15 =	sadd.s32 s1, s14  }
0x15: {  	s23 =	sshrl.u32 s22, $0x3;
	s10 =	sadd.s32 s2, s14;
	[dreg:$0xd] =	wrdreg s15  }
0x16: {  	s22 =	sadd.s32 $0xF0, s4;
	s17 =	sadd.s32 s1, s16;
	[dreg:$0xe] =	wrdreg s10  }
0x17: {  	s0 =	simm.s32 $0x7A00;
	s18 =	sadd.s32 s2, s16;
	[dreg:$0xf] =	wrdreg s17  }
0x18: {  	s4 =	simm.s32 $0x7A80;
	s20 =	sadd.s32 s1, s19;
	[dreg:$0x10] =	wrdreg s18  }
0x19: {  	s11 =	sadd.s32 s21, s2;
	s24 =	sadd.s32 s1, s8;
	[dreg:$0x11] =	wrdreg s20  }
0x1a: {  	s25 =	sadd.s32 s23, s2;
	s8 =	sadd.s32 s2, s8;
	[dreg:$0x5] =	wrdreg s11  }
0x1b: {  	s26 =	sadd.s32 s23, s1;
	s23 =	simm.s32 $0x7;
	[dreg:$0x13] =	wrdreg s24  }
0x1c: {  	s12 =	simm.s32 $0x5;
	s13 =	simm.s32 $0x6;
	[dreg:$0x14] =	wrdreg s8  }
0x1d: {  	s14 =	simm.s32 $0x0;
	s10 =	sadd.s32 s2, s19;
	[dreg:$0x7] =	wrdreg s25  }
0x1e: {  	[dreg:$0x8] =	wrdreg s26;
	s24 =	simm.s32 $0x7800;
	s25 =	simm.s32 $0x7880  }
0x1f: {  	s26 =	simm.s32 $0x50;
	s8 =	simm.s32 $0x2;
	s11 =	simm.s32 $0x3  }
0x20: {  	[dreg:$0x12] =	wrdreg s10;
	s10 =	sadd.s32 s21, s1;
	s21 =	smax.u32 s7, $0x1  }
0x21: {  	s7 =	simm.s32 $0x5000;
	[dreg:$0x6] =	wrdreg s10;
	s10 =	simm.s32 $0x4  }
.LBB2_1:
0x22: {  	s15 =	rddreg [dreg:$0xa]  }
0x23: {  	s16 =	rddreg [dreg:$0x9];
	s15 =	sshrl.u32 s15, $0x3  }
0x24: {  	[spmem:s15], [sflag:s9] =	dma.local [hbm:s16], $0x2710  }
0x25: {  	_ =	swait.ge [sflag:s23], $0x2710  }
0x26: {  	[sflag:s23] =	ssyncset.done $0x0  }
0x27: {  	[sflag:s23] =	ssyncadd.s32 $0xFFFFD8F0  }
0x28: {  	[bflag:$0x0] =	sbarrier.arrive $0xFFFF  }
0x29: {  	s18 =	rddreg [dreg:$0xb]  }
0x2a: {  	[tilespmem:s24], [sflag:$0x7] =	stream.linear.gather [hbm4b:s18+s5], $0x50, $0x38;
	[tilespmem:$0x1B380] =	vst v63  }
0x2b: {  	_ =	swait.ge [sflag:s23], $0x50  }
0x2c: {  	[sflag:s23] =	ssyncset.done $0x0  }
0x2d: {  	s19 =	rddreg [dreg:$0xc];
	[sflag:s23] =	ssyncadd.s32 $0xFFFFFFB0  }
0x2e: {  	[tilespmem:s25], [sflag:$0x7] =	stream.linear.gather [hbm4b:s19+s5], $0x50, $0x38;
	[tilespmem:$0x1B380] =	vst v63  }
0x2f: {  	_ =	swait.ge [sflag:s23], $0x50  }
0x30: {  	[sflag:s23] =	ssyncset.done $0x0  }
0x31: {  	[sflag:s23] =	ssyncadd.s32 $0xFFFFFFB0  }
0x32: {  	[tilespmem:s5], [sflag:$0x1] =	stream.indirect.gather [hbm4b:s6+s26], $0x80, s24, s26, $0xb8;
	[tilespmem:$0x1B380] =	vst v63  }
0x33: {  	s20 =	rddreg [dreg:$0xd]  }
0x34: {  	[tilespmem:s28], [sflag:$0x7] =	stream.linear.gather [hbm4b:s20+s5], $0x50, $0x38;
	[tilespmem:$0x1B380] =	vst v63  }
0x35: {  	_ =	swait.ge [sflag:s23], $0x50  }
0x36: {  	[sflag:s23] =	ssyncset.done $0x0  }
0x37: {  	s17 =	rddreg [dreg:$0xe];
	[sflag:s23] =	ssyncadd.s32 $0xFFFFFFB0  }
0x38: {  	[tilespmem:s29], [sflag:$0x7] =	stream.linear.gather [hbm4b:s17+s5], $0x50, $0x38;
	[tilespmem:$0x1B380] =	vst v63  }
0x39: {  	_ =	swait.ge [sflag:s23], $0x50  }
0x3a: {  	[sflag:s23] =	ssyncset.done $0x0  }
0x3b: {  	[sflag:s23] =	ssyncadd.s32 $0xFFFFFFB0  }
0x3c: {  	[tilespmem:s30], [sflag:$0x2] =	stream.indirect.gather [hbm4b:s6+s26], $0x80, s28, s26, $0xb8;
	[tilespmem:$0x1B380] =	vst v63  }
0x3d: {  	_ =	swait.ge [sflag:s31], $0x2800  }
0x3e: {  	[sflag:s31] =	ssyncset.done $0x0  }
0x3f: {  	[sflag:s31] =	ssyncadd.s32 $0xFFFFD800  }
0x40: {  	[spmem:s3] =	stream.indirect.scatter.add.f32 [tilespmem:s5], [sflag:$0x4], $0x80, s25, s26, $0xb8;
	[tilespmem:$0x1B380] =	vst v63  }
0x41: {  	s18 =	rddreg [dreg:$0xf]  }
0x42: {  	[tilespmem:s0], [sflag:$0x7] =	stream.linear.gather [hbm4b:s18+s5], $0x50, $0x38;
	[tilespmem:$0x1B380] =	vst v63  }
0x43: {  	_ =	swait.ge [sflag:s23], $0x50  }
0x44: {  	[sflag:s23] =	ssyncset.done $0x0  }
0x45: {  	s19 =	rddreg [dreg:$0x10];
	[sflag:s23] =	ssyncadd.s32 $0xFFFFFFB0  }
0x46: {  	[tilespmem:s4], [sflag:$0x7] =	stream.linear.gather [hbm4b:s19+s5], $0x50, $0x38;
	[tilespmem:$0x1B380] =	vst v63  }
0x47: {  	_ =	swait.ge [sflag:s23], $0x50  }
0x48: {  	[sflag:s23] =	ssyncset.done $0x0  }
0x49: {  	[sflag:s23] =	ssyncadd.s32 $0xFFFFFFB0  }
0x4a: {  	[tilespmem:s7], [sflag:$0x3] =	stream.indirect.gather [hbm4b:s6+s26], $0x80, s0, s26, $0xb8;
	[tilespmem:$0x1B380] =	vst v63  }
0x4b: {  	_ =	swait.ge [sflag:s8], $0x2800  }
0x4c: {  	[sflag:s8] =	ssyncset.done $0x0  }
0x4d: {  	[sflag:s8] =	ssyncadd.s32 $0xFFFFD800  }
0x4e: {  	[spmem:s3] =	stream.indirect.scatter.add.f32 [tilespmem:s30], [sflag:$0x5], $0x80, s29, s26, $0xb8;
	[tilespmem:$0x1B380] =	vst v63  }
0x4f: {  	_ =	swait.ge [sflag:s10], $0x2800  }
0x50: {  	s20 =	sshrl.u32 s22, $0x3;
	[sflag:s10] =	ssyncset.done $0x0  }
0x51: {  	s17 =	sadd.s32 s1, s20;
	[sflag:s10] =	ssyncadd.s32 $0xFFFFD800  }
0x52: {  	[tilespmem:s24], [sflag:$0x7] =	stream.linear.gather [hbm4b:s17+s5], $0x50, $0x38;
	[tilespmem:$0x1B380] =	vst v63  }
0x53: {  	_ =	swait.ge [sflag:s23], $0x50  }
0x54: {  	[sflag:s23] =	ssyncset.done $0x0  }
0x55: {  	s16 =	sadd.s32 s2, s20;
	[sflag:s23] =	ssyncadd.s32 $0xFFFFFFB0  }
0x56: {  	[tilespmem:s25], [sflag:$0x7] =	stream.linear.gather [hbm4b:s16+s5], $0x50, $0x38;
	[tilespmem:$0x1B380] =	vst v63  }
0x57: {  	_ =	swait.ge [sflag:s23], $0x50  }
0x58: {  	[sflag:s23] =	ssyncset.done $0x0  }
0x59: {  	[sflag:s23] =	ssyncadd.s32 $0xFFFFFFB0  }
0x5a: {  	[tilespmem:s5], [sflag:$0x1] =	stream.indirect.gather [hbm4b:s6+s26], $0x80, s24, s26, $0xb8;
	[tilespmem:$0x1B380] =	vst v63  }
0x5b: {  	_ =	swait.ge [sflag:s11], $0x2800  }
0x5c: {  	[sflag:s11] =	ssyncset.done $0x0  }
0x5d: {  	[sflag:s11] =	ssyncadd.s32 $0xFFFFD800  }
0x5e: {  	[spmem:s3] =	stream.indirect.scatter.add.f32 [tilespmem:s7], [sflag:$0x6], $0x80, s4, s26, $0xb8;
	[tilespmem:$0x1B380] =	vst v63  }
0x5f: {  	_ =	swait.ge [sflag:s12], $0x2800  }
0x60: {  	s17 =	rddreg [dreg:$0x8];
	[sflag:s12] =	ssyncset.done $0x0  }
0x61: {  	[sflag:s12] =	ssyncadd.s32 $0xFFFFD800;
	s16 =	sadd.s32 $0x0, s17  }
0x62: {  	[tilespmem:s28], [sflag:$0x7] =	stream.linear.gather [hbm4b:s16+s5], $0x50, $0x38;
	[tilespmem:$0x1B380] =	vst v63  }
0x63: {  	_ =	swait.ge [sflag:s23], $0x50  }
0x64: {  	s18 =	rddreg [dreg:$0x7];
	[sflag:s23] =	ssyncset.done $0x0  }
0x65: {  	[sflag:s23] =	ssyncadd.s32 $0xFFFFFFB0;
	s16 =	sadd.s32 $0x0, s18  }
0x66: {  	[tilespmem:s29], [sflag:$0x7] =	stream.linear.gather [hbm4b:s16+s5], $0x50, $0x38;
	[tilespmem:$0x1B380] =	vst v63  }
0x67: {  	_ =	swait.ge [sflag:s23], $0x50  }
0x68: {  	[sflag:s23] =	ssyncset.done $0x0  }
0x69: {  	[sflag:s23] =	ssyncadd.s32 $0xFFFFFFB0  }
0x6a: {  	[tilespmem:s30], [sflag:$0x2] =	stream.indirect.gather [hbm4b:s6+s26], $0x80, s28, s26, $0xb8;
	[tilespmem:$0x1B380] =	vst v63  }
0x6b: {  	_ =	swait.ge [sflag:s31], $0x2800  }
0x6c: {  	[sflag:s31] =	ssyncset.done $0x0  }
0x6d: {  	[sflag:s31] =	ssyncadd.s32 $0xFFFFD800  }
0x6e: {  	[spmem:s3] =	stream.indirect.scatter.add.f32 [tilespmem:s5], [sflag:$0x4], $0x80, s25, s26, $0xb8;
	[tilespmem:$0x1B380] =	vst v63  }
0x6f: {  	_ =	swait.ge [sflag:s13], $0x2800  }
0x70: {  	s19 =	rddreg [dreg:$0x6];
	[sflag:s13] =	ssyncset.done $0x0  }
0x71: {  	[sflag:s13] =	ssyncadd.s32 $0xFFFFD800;
	s16 =	sadd.s32 $0x0, s19  }
0x72: {  	[tilespmem:s0], [sflag:$0x7] =	stream.linear.gather [hbm4b:s16+s5], $0x50, $0x38;
	[tilespmem:$0x1B380] =	vst v63  }
0x73: {  	_ =	swait.ge [sflag:s23], $0x50  }
0x74: {  	s20 =	rddreg [dreg:$0x5];
	[sflag:s23] =	ssyncset.done $0x0  }
0x75: {  	[sflag:s23] =	ssyncadd.s32 $0xFFFFFFB0;
	s16 =	sadd.s32 $0x0, s20  }
0x76: {  	[tilespmem:s4], [sflag:$0x7] =	stream.linear.gather [hbm4b:s16+s5], $0x50, $0x38;
	[tilespmem:$0x1B380] =	vst v63  }
0x77: {  	_ =	swait.ge [sflag:s23], $0x50  }
0x78: {  	[sflag:s23] =	ssyncset.done $0x0  }
0x79: {  	[sflag:s23] =	ssyncadd.s32 $0xFFFFFFB0  }
0x7a: {  	[tilespmem:s7], [sflag:$0x3] =	stream.indirect.gather [hbm4b:s6+s26], $0x80, s0, s26, $0xb8;
	[tilespmem:$0x1B380] =	vst v63  }
0x7b: {  	_ =	swait.ge [sflag:s8], $0x2800  }
0x7c: {  	[sflag:s8] =	ssyncset.done $0x0  }
0x7d: {  	s17 =	sadd.s32 $0xF0, s22;
	s16 =	simm.s32 $0x1E;
	[sflag:s8] =	ssyncadd.s32 $0xFFFFD800  }
.LBB2_2:
0x7e: {  	[spmem:s3] =	stream.indirect.scatter.add.f32 [tilespmem:s30], [sflag:$0x5], $0x80, s29, s26, $0xb8;
	[tilespmem:$0x1B380] =	vst v63  }
0x7f: {  	_ =	swait.ge [sflag:s10], $0x2800  }
0x80: {  	s19 =	sshrl.u32 s17, $0x3;
	[sflag:s10] =	ssyncset.done $0x0  }
0x81: {  	s20 =	sadd.s32 s1, s19;
	[sflag:s10] =	ssyncadd.s32 $0xFFFFD800  }
0x82: {  	[tilespmem:s24], [sflag:$0x7] =	stream.linear.gather [hbm4b:s20+s5], $0x50, $0x38;
	[tilespmem:$0x1B380] =	vst v63  }
0x83: {  	_ =	swait.ge [sflag:s23], $0x50  }
0x84: {  	[sflag:s23] =	ssyncset.done $0x0  }
0x85: {  	s19 =	sadd.s32 s2, s19;
	[sflag:s23] =	ssyncadd.s32 $0xFFFFFFB0  }
0x86: {  	[tilespmem:s25], [sflag:$0x7] =	stream.linear.gather [hbm4b:s19+s5], $0x50, $0x38;
	[tilespmem:$0x1B380] =	vst v63  }
0x87: {  	_ =	swait.ge [sflag:s23], $0x50  }
0x88: {  	[sflag:s23] =	ssyncset.done $0x0  }
0x89: {  	[sflag:s23] =	ssyncadd.s32 $0xFFFFFFB0  }
0x8a: {  	[tilespmem:s5], [sflag:$0x1] =	stream.indirect.gather [hbm4b:s6+s26], $0x80, s24, s26, $0xb8;
	[tilespmem:$0x1B380] =	vst v63  }
0x8b: {  	_ =	swait.ge [sflag:s11], $0x2800  }
0x8c: {  	[sflag:s11] =	ssyncset.done $0x0  }
0x8d: {  	[sflag:s11] =	ssyncadd.s32 $0xFFFFD800  }
0x8e: {  	[spmem:s3] =	stream.indirect.scatter.add.f32 [tilespmem:s7], [sflag:$0x6], $0x80, s4, s26, $0xb8;
	[tilespmem:$0x1B380] =	vst v63  }
0x8f: {  	_ =	swait.ge [sflag:s12], $0x2800  }
0x90: {  	s18 =	smov.u32 s16;
	s20 =	rddreg [dreg:$0x8];
	[sflag:s12] =	ssyncset.done $0x0  }
0x91: {  	[sflag:s12] =	ssyncadd.s32 $0xFFFFD800;
	s19 =	sadd.s32 s18, s20  }
0x92: {  	[tilespmem:s28], [sflag:$0x7] =	stream.linear.gather [hbm4b:s19+s5], $0x50, $0x38;
	[tilespmem:$0x1B380] =	vst v63  }
0x93: {  	_ =	swait.ge [sflag:s23], $0x50  }
0x94: {  	s20 =	rddreg [dreg:$0x7];
	[sflag:s23] =	ssyncset.done $0x0  }
0x95: {  	[sflag:s23] =	ssyncadd.s32 $0xFFFFFFB0;
	s19 =	sadd.s32 s18, s20  }
0x96: {  	[tilespmem:s29], [sflag:$0x7] =	stream.linear.gather [hbm4b:s19+s5], $0x50, $0x38;
	[tilespmem:$0x1B380] =	vst v63  }
0x97: {  	_ =	swait.ge [sflag:s23], $0x50  }
0x98: {  	[sflag:s23] =	ssyncset.done $0x0  }
0x99: {  	[sflag:s23] =	ssyncadd.s32 $0xFFFFFFB0  }
0x9a: {  	[tilespmem:s30], [sflag:$0x2] =	stream.indirect.gather [hbm4b:s6+s26], $0x80, s28, s26, $0xb8;
	[tilespmem:$0x1B380] =	vst v63  }
0x9b: {  	_ =	swait.ge [sflag:s31], $0x2800  }
0x9c: {  	[sflag:s31] =	ssyncset.done $0x0  }
0x9d: {  	[sflag:s31] =	ssyncadd.s32 $0xFFFFD800  }
0x9e: {  	[spmem:s3] =	stream.indirect.scatter.add.f32 [tilespmem:s5], [sflag:$0x4], $0x80, s25, s26, $0xb8;
	[tilespmem:$0x1B380] =	vst v63  }
0x9f: {  	_ =	swait.ge [sflag:s13], $0x2800  }
0xa0: {  	s20 =	rddreg [dreg:$0x6];
	[sflag:s13] =	ssyncset.done $0x0  }
0xa1: {  	[sflag:s13] =	ssyncadd.s32 $0xFFFFD800;
	s19 =	sadd.s32 s18, s20  }
0xa2: {  	[tilespmem:s0], [sflag:$0x7] =	stream.linear.gather [hbm4b:s19+s5], $0x50, $0x38;
	[tilespmem:$0x1B380] =	vst v63  }
0xa3: {  	_ =	swait.ge [sflag:s23], $0x50  }
0xa4: {  	s20 =	rddreg [dreg:$0x5];
	[sflag:s23] =	ssyncset.done $0x0  }
0xa5: {  	[sflag:s23] =	ssyncadd.s32 $0xFFFFFFB0;
	s18 =	sadd.s32 s18, s20  }
0xa6: {  	[tilespmem:s4], [sflag:$0x7] =	stream.linear.gather [hbm4b:s18+s5], $0x50, $0x38;
	[tilespmem:$0x1B380] =	vst v63  }
0xa7: {  	_ =	swait.ge [sflag:s23], $0x50  }
0xa8: {  	p0 =	sne.s32 s16, $0x492;
	[sflag:s23] =	ssyncset.done $0x0  }
.Ltmp0:
0xa9: {  	[sflag:s23] =	ssyncadd.s32 $0xFFFFFFB0;
	(pc) =	sbr.rel @p0 .LBB2_2-.Ltmp0, $4  }
0xaa: {  	[tilespmem:s7], [sflag:$0x3] =	stream.indirect.gather [hbm4b:s6+s26], $0x80, s0, s26, $0xb8;
	[tilespmem:$0x1B380] =	vst v63  }
0xab: {  	_ =	swait.ge [sflag:s8], $0x2800  }
0xac: {  	[sflag:s8] =	ssyncset.done $0x0  }
0xad: {  	s16 =	sadd.s32 $0x1E, s16;
	s17 =	sadd.s32 $0xF0, s17;
	[sflag:s8] =	ssyncadd.s32 $0xFFFFD800  }
0xae: {  	[spmem:s3] =	stream.indirect.scatter.add.f32 [tilespmem:s30], [sflag:$0x5], $0x80, s29, s26, $0xb8;
	[tilespmem:$0x1B380] =	vst v63  }
0xaf: {  	_ =	swait.ge [sflag:s10], $0x2800  }
0xb0: {  	[sflag:s10] =	ssyncset.done $0x0  }
0xb1: {  	s16 =	rddreg [dreg:$0x11];
	[sflag:s10] =	ssyncadd.s32 $0xFFFFD800  }
0xb2: {  	[tilespmem:s24], [sflag:$0x7] =	stream.linear.gather [hbm4b:s16+s5], $0x50, $0x38;
	[tilespmem:$0x1B380] =	vst v63  }
0xb3: {  	_ =	swait.ge [sflag:s23], $0x50  }
0xb4: {  	[sflag:s23] =	ssyncset.done $0x0  }
0xb5: {  	s17 =	rddreg [dreg:$0x12];
	[sflag:s23] =	ssyncadd.s32 $0xFFFFFFB0  }
0xb6: {  	[tilespmem:s25], [sflag:$0x7] =	stream.linear.gather [hbm4b:s17+s5], $0x50, $0x38;
	[tilespmem:$0x1B380] =	vst v63  }
0xb7: {  	_ =	swait.ge [sflag:s23], $0x50  }
0xb8: {  	[sflag:s23] =	ssyncset.done $0x0  }
0xb9: {  	[sflag:s23] =	ssyncadd.s32 $0xFFFFFFB0  }
0xba: {  	[tilespmem:s5], [sflag:$0x1] =	stream.indirect.gather [hbm4b:s6+s26], $0x80, s24, s26, $0xb8;
	[tilespmem:$0x1B380] =	vst v63  }
0xbb: {  	_ =	swait.ge [sflag:s11], $0x2800  }
0xbc: {  	[sflag:s11] =	ssyncset.done $0x0  }
0xbd: {  	[sflag:s11] =	ssyncadd.s32 $0xFFFFD800  }
0xbe: {  	[spmem:s3] =	stream.indirect.scatter.add.f32 [tilespmem:s7], [sflag:$0x6], $0x80, s4, s26, $0xb8;
	[tilespmem:$0x1B380] =	vst v63  }
0xbf: {  	_ =	swait.ge [sflag:s12], $0x2800  }
0xc0: {  	[sflag:s12] =	ssyncset.done $0x0  }
0xc1: {  	s18 =	rddreg [dreg:$0x13];
	[sflag:s12] =	ssyncadd.s32 $0xFFFFD800  }
0xc2: {  	[tilespmem:s28], [sflag:$0x7] =	stream.linear.gather [hbm4b:s18+s5], $0x50, $0x38;
	[tilespmem:$0x1B380] =	vst v63  }
0xc3: {  	_ =	swait.ge [sflag:s23], $0x50  }
0xc4: {  	[sflag:s23] =	ssyncset.done $0x0  }
0xc5: {  	s19 =	rddreg [dreg:$0x14];
	[sflag:s23] =	ssyncadd.s32 $0xFFFFFFB0  }
0xc6: {  	[tilespmem:s29], [sflag:$0x7] =	stream.linear.gather [hbm4b:s19+s5], $0x50, $0x38;
	[tilespmem:$0x1B380] =	vst v63  }
0xc7: {  	_ =	swait.ge [sflag:s23], $0x50  }
0xc8: {  	[sflag:s23] =	ssyncset.done $0x0  }
0xc9: {  	[sflag:s23] =	ssyncadd.s32 $0xFFFFFFB0  }
0xca: {  	[tilespmem:s30], [sflag:$0x2] =	stream.indirect.gather [hbm4b:s6+s26], $0x80, s28, s26, $0xb8;
	[tilespmem:$0x1B380] =	vst v63  }
0xcb: {  	_ =	swait.ge [sflag:s31], $0x2800  }
0xcc: {  	[sflag:s31] =	ssyncset.done $0x0  }
0xcd: {  	[sflag:s31] =	ssyncadd.s32 $0xFFFFD800  }
0xce: {  	[spmem:s3] =	stream.indirect.scatter.add.f32 [tilespmem:s5], [sflag:$0x4], $0x80, s25, s26, $0xb8;
	[tilespmem:$0x1B380] =	vst v63  }
0xcf: {  	_ =	swait.ge [sflag:s8], $0x2800  }
0xd0: {  	[sflag:s8] =	ssyncset.done $0x0  }
0xd1: {  	[sflag:s8] =	ssyncadd.s32 $0xFFFFD800  }
0xd2: {  	[spmem:s3] =	stream.indirect.scatter.add.f32 [tilespmem:s30], [sflag:$0x5], $0x80, s29, s26, $0xb8;
	[tilespmem:$0x1B380] =	vst v63  }
0xd3: {  	_ =	swait.ge [sflag:s10], $0x2800  }
0xd4: {  	[sflag:s10] =	ssyncset.done $0x0  }
0xd5: {  	[sflag:s10] =	ssyncadd.s32 $0xFFFFD800  }
0xd6: {  	_ =	swait.ge [sflag:s12], $0x2800  }
0xd7: {  	[sflag:s12] =	ssyncset.done $0x0  }
0xd8: {  	[sflag:s12] =	ssyncadd.s32 $0xFFFFD800  }
0xd9: {  	_ =	swait.ge [sflag:s13], $0x2800  }
0xda: {  	[sflag:s13] =	ssyncset.done $0x0  }
0xdb: {  	s14 =	sadd.s32 $0x1, s14;
	[sflag:s13] =	ssyncadd.s32 $0xFFFFD800  }
0xdc: {  	p0 =	sne.s32 s14, s21;
	[bflag:$0x0] =	sbarrier.arrive $0xFFFF  }
.Ltmp1:
0xdd: {  	s20 =	rddreg [dreg:$0x15];
	(pc) =	sbr.rel @p0 .LBB2_1-.Ltmp1, $4  }
0xde: {  	[hbm:s20], [sflag:s9] =	dma.local [spmem:s15], $0x2710  }
0xdf: {  	_ =	swait.ge [sflag:s23], $0x2710  }
0xe0: {  	[sflag:s23] =	ssyncset.done $0x0  }
0xe1: {  	[sflag:s23] =	ssyncadd.s32 $0xFFFFD8F0  }
0xe2: {  	_ =	sfence.sel $0x180000  }
0xe3: {  	[bflag:$0x0] =	sbarrier.arrive $0xFFFF  }
0xe4: {  	_ =	strace $0x9000004A  }
0xe5: {  	s0 =	stileid.u32;
	[bflag:$0x2] =	sbarrier.arrive $0xFFFF  }
0xe6: {  	p0 =	sne.s32 s0, $0x0;
	s0 =	rddreg [dreg:$0x4]  }
0xe7: {  	s0 =	sadd.s32 @!p0 $0x100000, s0  }
0xe8: {  	[sflag:s0] =	ssyncadd.tile.s32 @!p0 $0x1;
	_ =	shalt  }
.Lfunc_end2:
_tile_overlayer_lowered:
.L_overlay_start_2:
0xe9: {  	(tag) =	ssettag $0x2  }
0xea: {  	s0 =	rddreg [dreg:$0x0];
	s2 =	stileid.u32  }
0xeb: {  	s1 =	rddreg [dreg:$0x1];
	p0 =	sne.s32 s2, $0x0  }
0xec: {  	s3 =	rddreg [dreg:$0x2];
	[bflag:$0x3] =	sbarrier.arrive $0xFFFF;
	s2 =	simm.s32 @!p0 $0x1C07  }
0xed: {  	[timem:s3], [sflag:s2] =	dma.local @!p0 [hbm:s0], s1  }
0xee: {  	s0 =	simm.s32 @!p0 $0x7  }
0xef: {  	_ =	swait.ge @!p0 [sflag:s0], s1  }
0xf0: {  	s1 =	ssub.s32 @!p0 $0x0, s1;
	[sflag:s0] =	ssyncset.done @!p0 $0x0  }
0xf1: {  	[sflag:s0] =	ssyncadd.s32 @!p0 s1  }
0xf2: {  	[bflag:$0x3] =	sbarrier.arrive $0xFFFF  }
0xf3: {  	_ =	shalt  }

// kernel: kernel.9.cloned.1.call-start
scs
__scs_entry_jumppad:
0x0: {  	(pc) =	sbr.rel $0x88, $3  }
0x1: {  	(tag) =	ssettag $0x0;
	lr =	simm.s32 $0x1  }
0x2: {  	[smem:$0x3F84] =	sst lr;
	_ =	strace $0xD0000000  }
0x3: {  	_ = 	snop  }
0x4: {  	_ = 	snop  }
0x5: {  	_ = 	snop  }
0x6: {  	_ = 	snop  }
0x7: {  	_ = 	snop  }
__scs_overlays_trampoline_lowered:
0x8: {  	[smem:$0x3F93] =	sst s0  }
0x9: {  	[smem:$0x3F94] =	sst s1  }
0xa: {  	[smem:$0x3F95] =	sst s2  }
0xb: {  	[smem:$0x3F96] =	sst s3  }
0xc: {  	[smem:$0x3F97] =	sst s4  }
0xd: {  	[smem:$0x3F98] =	sst s5  }
0xe: {  	[smem:$0x3F99] =	sst s6  }
0xf: {  	[smem:$0x3F9A] =	sst s7  }
0x10: {  	[smem:$0x3F9B] =	sst s8  }
0x11: {  	[smem:$0x3F9C] =	sst s9;
	s0 =	simm.s32 @!p0 $0x0  }
0x12: {  	s1 =	sld [smem:$0x3F82];
	s0 =	simm.s32 @p0 $0x1  }
0x13: {  	[smem:$0x3F9D] =	sst s0;
	s0 =	simm.s32 @!p1 $0x0  }
0x14: {  	s2 =	sld [smem:$0x3F81];
	s0 =	simm.s32 @p1 $0x1  }
0x15: {  	[smem:$0x3F9E] =	sst s0;
	s0 =	simm.s32 @!p2 $0x0  }
0x16: {  	s3 =	sld [smem:$0x3FDB];
	s0 =	simm.s32 @p2 $0x1  }
0x17: {  	s4 =	simm.s32 $0x1BF5;
	[smem:$0x3FA0] =	sst s0  }
0x18: {  	s0 =	sld [smem:$0x3F83];
	_ =	swait.ge [sflag:s4], $0x0  }
0x19: {  	s7 =	sld [smem:$0x3F84]  }
0x1a: {  	s8 =	sadd.s32 $0xFFFFE003, lr  }
0x1b: {  	s9 =	sadd.s32 $0xFFFFFEF7, lr;
	s5 =	simm.s32 $0xFFFFFFFF;
	p2 =	slt.u32 s8, $0xFFFFF086  }
0x1c: {  	p1 =	slt.u32 s9, $0xF7A;
	s5 =	simm.s32 @!p2 $0x0  }
0x1d: {  	s5 =	simm.s32 @p1 $0x1;
	p0 =	seq.s32 s7, s2  }
0x1e: {  	s7 =	smul.u32 @!p0 $0xF7A, s2;
	p2 =	seq.s32 @!p0 s5, $0x0  }
0x1f: {  	s9 =	smul.u32 $0xF7A, s1;
	s8 =	simm.s32 @!p0 $0x1BF5;
	p2 =	por !p2, p0  }
0x20: {  	[sflag:s8] =	ssyncset.s32 @!p0 $0xFFFFF086;
	s6 =	sadd.s32 @!p0 s3, s7;
	s7 =	simm.s32 @!p0 $0x108  }
0x21: {  	s3 =	sadd.s32 s3, s9;
	s6 =	sadd.s32 @!p0 $0x88, s6;
	s7 =	simm.s32 @p2 $0x1082  }
0x22: {  	[simem:s7], [sflag:s8] =	dma.local @!p0 [hbm:s6], $0xF7A  }
0x23: {  	s9 =	sor.u32 $0xD0000000, s2;
	s6 =	simm.s32 $0x108;
	_ =	swait.ge @!p0 [sflag:s8], $0x0  }
0x24: {  	s3 =	sadd.s32 $0x88, s3;
	s6 =	simm.s32 @!p1 $0x1082;
	[sflag:s4] =	ssyncset.s32 $0xFFFFF086  }
0x25: {  	[simem:s6], [sflag:s4] =	dma.local [hbm:s3], $0xF7A  }
0x26: {  	[smem:$0x3F84] =	sst s1;
	(tag) =	ssettag s2;
	_ =	strace s9  }
0x27: {  	s1 =	sld [smem:$0x3F94]  }
0x28: {  	s2 =	sld [smem:$0x3F95]  }
0x29: {  	s4 =	sld [smem:$0x3F97]  }
0x2a: {  	p0 =	seq.s32 s5, $0x0;
	s5 =	sld [smem:$0x3F98]  }
0x2b: {  	s6 =	sld [smem:$0x3F99]  }
0x2c: {  	s7 =	sld [smem:$0x3F9A]  }
0x2d: {  	s3 =	simm.s32 $0x108;
	s8 =	sld [smem:$0x3F9B]  }
0x2e: {  	s3 =	simm.s32 @!p0 $0x1082;
	s9 =	sld [smem:$0x3F9C]  }
0x2f: {  	lr =	sadd.s32 s0, s3;
	s0 =	sld [smem:$0x3F93]  }
0x30: {  	s3 =	sld [smem:$0x3F96]  }
0x31: {  	[smem:$0x3F9F] =	sst s10  }
0x32: {  	s10 =	sld [smem:$0x3F9D];
	_ =	sdelay $0x3  }
0x33: {  	p0 =	seq.s32 s10, $0x1;
	s10 =	sld [smem:$0x3F9F];
	_ =	sdelay $0x3  }
0x34: {  	[smem:$0x3F9F] =	sst s10  }
0x35: {  	s10 =	sld [smem:$0x3F9E];
	_ =	sdelay $0x3  }
0x36: {  	p1 =	seq.s32 s10, $0x1;
	s10 =	sld [smem:$0x3F9F];
	_ =	sdelay $0x3  }
0x37: {  	[smem:$0x3F9F] =	sst s10  }
0x38: {  	s10 =	sld [smem:$0x3FA0]  }
0x39: {  	_ = 	snop;
	(pc) =	sbr.ind lr, $3  }
0x3a: {  	_ = 	snop  }
0x3b: {  	_ = 	snop  }
0x3c: {  	p2 =	seq.s32 s10, $0x1;
	s10 =	sld [smem:$0x3F9F]  }
0x3d: {  	_ =	shalt  }
0x3e: {  	_ =	shalt  }
0x3f: {  	_ =	shalt  }
0x40: {  	_ =	shalt  }
0x41: {  	_ =	shalt  }
0x42: {  	_ =	shalt  }
0x43: {  	_ =	shalt  }
0x44: {  	_ =	shalt  }
0x45: {  	_ =	shalt  }
0x46: {  	_ =	shalt  }
0x47: {  	_ =	shalt  }
0x48: {  	_ =	shalt  }
0x49: {  	_ =	shalt  }
0x4a: {  	_ =	shalt  }
0x4b: {  	_ =	shalt  }
0x4c: {  	_ =	shalt  }
0x4d: {  	_ =	shalt  }
0x4e: {  	_ =	shalt  }
0x4f: {  	_ =	shalt  }
0x50: {  	_ =	shalt  }
0x51: {  	_ =	shalt  }
0x52: {  	_ =	shalt  }
0x53: {  	_ =	shalt  }
0x54: {  	_ =	shalt  }
0x55: {  	_ =	shalt  }
0x56: {  	_ =	shalt  }
0x57: {  	_ =	shalt  }
0x58: {  	_ =	shalt  }
0x59: {  	_ =	shalt  }
0x5a: {  	_ =	shalt  }
0x5b: {  	_ =	shalt  }
0x5c: {  	_ =	shalt  }
0x5d: {  	_ =	shalt  }
0x5e: {  	_ =	shalt  }
0x5f: {  	_ =	shalt  }
0x60: {  	_ =	shalt  }
0x61: {  	_ =	shalt  }
0x62: {  	_ =	shalt  }
0x63: {  	_ =	shalt  }
0x64: {  	_ =	shalt  }
0x65: {  	_ =	shalt  }
0x66: {  	_ =	shalt  }
0x67: {  	_ =	shalt  }
0x68: {  	_ =	shalt  }
0x69: {  	_ =	shalt  }
0x6a: {  	_ =	shalt  }
0x6b: {  	_ =	shalt  }
0x6c: {  	_ =	shalt  }
0x6d: {  	_ =	shalt  }
0x6e: {  	_ =	shalt  }
0x6f: {  	_ =	shalt  }
0x70: {  	_ =	shalt  }
0x71: {  	_ =	shalt  }
0x72: {  	_ =	shalt  }
0x73: {  	_ =	shalt  }
0x74: {  	_ =	shalt  }
0x75: {  	_ =	shalt  }
0x76: {  	_ =	shalt  }
0x77: {  	_ =	shalt  }
0x78: {  	_ =	shalt  }
0x79: {  	_ =	shalt  }
0x7a: {  	_ =	shalt  }
0x7b: {  	_ =	shalt  }
0x7c: {  	_ =	shalt  }
0x7d: {  	_ =	shalt  }
0x7e: {  	_ =	shalt  }
0x7f: {  	_ =	shalt  }
0x80: {  	_ =	shalt  }
0x81: {  	_ =	shalt  }
0x82: {  	_ =	shalt  }
0x83: {  	_ =	shalt  }
0x84: {  	_ =	shalt  }
0x85: {  	_ =	shalt  }
0x86: {  	_ =	shalt  }
0x87: {  	_ =	shalt  }
.Lfunc_end0:
.L_simem_size_0:
called_computation_lowered:
.L_overlay_start_0:
0x88: {  	s2 =	sld [smem:$0x3FD9]  }
0x89: {  	s3 =	sld [smem:$0x3FFE];
	_ =	sdelay $0x1  }
0x8a: {  	s1 =	srdreg.scid  }
0x8b: {  	s0 =	sand.u32 $0x1, s1  }
0x8c: {  	s14 =	sshll.u32 s0, $0xA;
	s2 =	sadd.s32 s3, s2  }
0x8d: {  	s2 =	sadd.s32 s2, s14  }
0x8e: {  	[smem:$0x3FAB] =	sst s2  }
0x8f: {  	_ = 	snop  }
0x90: {  	s2 =	sld [smem:$0x3FD0];
	_ =	sdelay $0x2  }
0x91: {  	s15 =	simm.s32 $0xA;
	s4 =	simm.s32 $0x10  }
0x92: {  	[smem:s4], [sflag:s15] =	dma.local [hbm:s2], $0x1  }
0x93: {  	_ =	swait.eq [sflag:s15], $0x1  }
0x94: {  	[sflag:s15] =	ssyncset.done $0x0  }
0x95: {  	s16 =	sld [smem:$0x13];
	[sflag:s15] =	ssyncadd.s32 $0xFFFFFFFF  }
0x96: {  	s17 =	sld [smem:$0x14];
	(tm) =	ssettm $0x1  }
0x97: {  	s18 =	sld [smem:$0x3FFB];
	_ =	sdelay $0x3  }
0x98: {  	_ =	strace s18  }
0x99: {  	s4 =	sld [smem:$0x3FFC];
	_ =	sdelay $0x3  }
0x9a: {  	_ =	strace s4  }
0x9b: {  	s4 =	sld [smem:$0x3FFD];
	_ =	sdelay $0x3  }
0x9c: {  	_ =	strace s4  }
0x9d: {  	_ =	strace $0x8FFFFFFF  }
0x9e: {  	s19 =	sld [smem:$0x3FDB];
	_ =	sdelay $0x1  }
0x9f: {  	s5 =	simm.s32 $_scs_section_size  }
0xa0: {  	s6 =	simm.s32 $_size__tile_overlayer_lowered;
	s7 =	simm.s32 $_tile_overlayer_lowered  }
0xa1: {  	s22 =	simm.s32 $0x1BFF;
	s21 =	sshll.u32 s7, $0x1;
	s4 =	sadd.s32 s5, s19  }
0xa2: {  	s8 =	simm.s32 $0x0;
	s20 =	sshll.u32 s6, $0x1;
	s6 =	sadd.s32 s21, s4  }
0xa3: {  	[timem:s8], [sflag:s22] =	dma.local [hbm:s6], s20  }
0xa4: {  	_ =	swait.ge [sflag:s22], s20  }
0xa5: {  	s5 =	ssub.s32 $0x0, s20;
	[sflag:s22] =	ssyncset.done $0x0  }
0xa6: {  	[sflag:s22] =	ssyncadd.s32 s5;
	_ =	sdelay $0x1  }
0xa7: {  	s23 =	simm.s32 $0x1B8B  }
0xa8: {  	_ =	swait.ge [sflag:s23], $0x1  }
0xa9: {  	[sflag:s23] =	ssyncset.done $0x0  }
0xaa: {  	s25 =	simm.s32 $0x1B8E;
	s24 =	sld [smem:$0x3FFE];
	[sflag:s23] =	ssyncadd.s32 $0xFFFFFFFF  }
0xab: {  	s26 =	simm.s32 $execute0_lowered;
	[smem:$0x3FD2] =	sst s25  }
0xac: {  	s6 =	sshll.u32 s26, $0x1;
	_ =	strace $0x80000046;
	[dreg:$0x1] =	wrdreg $0xFFFFFFFF  }
0xad: {  	s28 =	simm.s32 $_size_execute0_lowered;
	s4 =	sadd.s32 s4, s6;
	[dreg:$0x0] =	wrdreg $0x0  }
0xae: {  	s6 =	sshll.u32 s28, $0x1;
	[dreg:$0x2] =	wrdreg s4  }
0xaf: {  	[dreg:$0x3] =	wrdreg s6  }
0xb0: {  	[dreg:$0x4] =	wrdreg $0xC0  }
0xb1: {  	_ =	task [dreg:s8], $0x5FFFF  }
0xb2: {  	[dreg:$0x1] =	wrdreg $0xFFFFFFFF  }
0xb3: {  	[dreg:$0x0] =	wrdreg $0x60  }
0xb4: {  	[dreg:$0x2] =	wrdreg s24  }
0xb5: {  	[dreg:$0x3] =	wrdreg s16  }
0xb6: {  	[dreg:$0x4] =	wrdreg s17  }
0xb7: {  	[dreg:$0x5] =	wrdreg $0x7B000  }
0xb8: {  	[dreg:$0x6] =	wrdreg $0x1B6800  }
0xb9: {  	[dreg:$0x7] =	wrdreg $0x9  }
0xba: {  	_ =	task.clear_ibuf [dreg:s8], $0x8FFFF;
	_ =	strace $0x90000046  }
0xbb: {  	s29 =	simm.s32 $0x9;
	_ =	strace $0x80000048  }
0xbc: {  	_ =	swait.ge [sflag:s29], $0x1  }
0xbd: {  	[sflag:s29] =	ssyncadd.s32 $0xFFFFFFFF  }
0xbe: {  	_ =	strace $0x90000048  }
0xbf: {  	_ =	sfence  }
0xc0: {  	s30 =	sld [smem:$0x0];
	_ =	sdelay $0x2  }
0xc1: {  	s31 =	sshll.u32 s1, $0xD;
	s1 =	sshrl.u32 s1, $0x2  }
0xc2: {  	s3 =	sand.u32 $0x4000, s31;
	s1 =	sadd.s32 s1, s30  }
0xc3: {  	s0 =	sor.u32 s3, s0;
	s1 =	sshll.u32 s1, $0x11  }
0xc4: {  	s0 =	sor.u32 s1, s0  }
0xc5: {  	s0 =	sadd.s32 $0x8F2B, s0  }
0xc6: {  	[sflag:s0] =	ssyncadd.remote.s32 $0x1  }
0xc7: {  	_ =	sfence.sel $0xFFFF  }
0xc8: {  	[dreg:$0x0] =	wrdreg $0xFFFFFFFF;
	(pc) =	sbr.abs _section_cstart, $3  }
0xc9: {  	[dreg:$0x1] =	wrdreg $0xFFFFFFFF  }
0xca: {  	_ =	task.clear_ibuf [dreg:s8], $0x2FFFF;
	_ =	strace $0x9FFFFFFF  }
0xcb: {  	(tm) =	ssettm $0x7FFFFFFF  }
tec
execute0_lowered:
.L_overlay_start_1:
0x0: {  	(tag) =	ssettag $0x1  }
0x1: {  	s0 =	rddreg [dreg:$0x0]  }
0x2: {  	s1 =	rddreg [dreg:$0x1]  }
0x3: {  	s2 =	rddreg [dreg:$0x2]  }
0x4: {  	s3 =	rddreg [dreg:$0x3]  }
0x5: {  	s4 =	rddreg [dreg:$0x4];
	s14 =	stileid.u32  }
0x6: {  	s5 =	srdreg.scid;
	s9 =	smul.u32 $0x13C00, s14  }
0x7: {  	s6 =	simm.s32 $0x0;
	s29 =	simm.s32 $0x7800;
	s24 =	smul.u32 $0x280, s14  }
0x8: {  	s30 =	simm.s32 $0x7880;
	s31 =	simm.s32 $0x50;
	s26 =	smul.u32 $0x4E200, s14  }
0x9: {  	s5 =	sand.u32 $0x1, s5;
	[smem:$0x7FF] =	sst s6;
	s13 =	smul.u32 $0x9C0, s14  }
0xa: {  	s7 =	sadd.s32 $0x24200, s0;
	s12 =	sadd.s32 $0x4B400, s0;
	s16 =	smul.u32 $0x2710, s14  }
0xb: {  	s15 =	sshll.u32 s14, $0x6;
	s8 =	smul.u32 $0x13C000, s5;
	_ =	strace $0x80000047  }
0xc: {  	s10 =	smul.u32 $0x2800, s5;
	s11 =	sshll.u32 s5, $0x4;
	[dreg:$0xa] =	wrdreg s12  }
0xd: {  	s25 =	ssub.s32 $0x2, s5;
	s5 =	smul.u32 $0x27100, s5;
	s23 =	sor.u32 $0x1C07, s15  }
0xe: {  	s11 =	sor.u32 s14, s11;
	s28 =	sshrl.u32 s25, $0x1;
	s12 =	sshrl.u32 s26, $0x2  }
0xf: {  	s13 =	sshrl.u32 s13, $0x2;
	[dreg:$0xc] =	wrdreg s23;
	s8 =	sadd.s32 s9, s8  }
0x10: {  	s9 =	sadd.s32 s24, s10;
	s11 =	smul.u32 $0x2710, s11;
	s10 =	sadd.s32 s12, s3  }
0x11: {  	s5 =	sadd.s32 s16, s5;
	s8 =	sshrl.u32 s8, $0x3;
	s9 =	sshrl.u32 s9, $0x3  }
0x12: {  	[dreg:$0xb] =	wrdreg s10;
	s20 =	sadd.s32 $0x190, s5;
	s16 =	sadd.s32 $0x140, s5  }
0x13: {  	s8 =	sadd.s32 s8, s0;
	s0 =	sadd.s32 s9, s0;
	s14 =	sshrl.u32 s11, $0x3  }
0x14: {  	s9 =	ssub.s32 s25, s28;
	s11 =	sadd.s32 s13, s4;
	s17 =	sadd.s32 s1, s14  }
0x15: {  	s24 =	sshrl.u32 s20, $0x3;
	s18 =	sadd.s32 s2, s14;
	[dreg:$0xd] =	wrdreg s17  }
0x16: {  	s26 =	sshrl.u32 s16, $0x3;
	s15 =	sadd.s32 s24, s2;
	[dreg:$0xe] =	wrdreg s18  }
0x17: {  	s13 =	simm.s32 $0x7A00;
	s12 =	sadd.s32 s24, s1;
	[dreg:$0x6] =	wrdreg s15  }
0x18: {  	s19 =	sadd.s32 $0xA, s14;
	s16 =	sadd.s32 s26, s2;
	[dreg:$0x7] =	wrdreg s12  }
0x19: {  	s25 =	sadd.s32 $0x14, s14;
	s8 =	sadd.s32 $0x4DC00, s8;
	[dreg:$0x8] =	wrdreg s16  }
0x1a: {  	s20 =	sadd.s32 $0x4D8, s14;
	s0 =	sadd.s32 $0x9CC00, s0;
	[dreg:$0x17] =	wrdreg s8  }
0x1b: {  	s21 =	sadd.s32 s1, s19;
	s22 =	sadd.s32 s2, s19;
	[dreg:$0x18] =	wrdreg s0  }
0x1c: {  	s28 =	sadd.s32 s1, s25;
	s17 =	sadd.s32 s2, s25;
	[dreg:$0xf] =	wrdreg s21  }
0x1d: {  	s18 =	sadd.s32 $0x4CE, s14;
	s24 =	sadd.s32 s1, s20;
	[dreg:$0x10] =	wrdreg s22  }
0x1e: {  	s25 =	sadd.s32 s2, s20;
	s0 =	simm.s32 $0x7900;
	[dreg:$0x11] =	wrdreg s28  }
0x1f: {  	s8 =	simm.s32 $0x2800;
	s12 =	simm.s32 $0x1B380;
	[dreg:$0x12] =	wrdreg s17  }
0x20: {  	s14 =	simm.s32 $0x7A80;
	s15 =	simm.s32 $0x5000;
	[dreg:$0x15] =	wrdreg s24  }
0x21: {  	s16 =	simm.s32 $0x2;
	s19 =	sadd.s32 s1, s18;
	[dreg:$0x16] =	wrdreg s25  }
0x22: {  	s20 =	simm.s32 $0x6;
	s22 =	sadd.s32 s2, s18;
	[dreg:$0x13] =	wrdreg s19  }
0x23: {  	s21 =	sadd.s32 s26, s1;
	s26 =	smax.u32 s9, $0x1;
	[dreg:$0x14] =	wrdreg s22  }
0x24: {  	s28 =	sadd.s32 $0xF0, s5;
	s24 =	simm.s32 $0x1B400;
	[dreg:$0x9] =	wrdreg s21  }
0x25: {  	s5 =	simm.s32 $0x7980;
	s9 =	simm.s32 $0x1;
	[dreg:$0x19] =	wrdreg s26  }
0x26: {  	s17 =	simm.s32 $0x4;
	s18 =	simm.s32 $0x3;
	[dreg:$0x1a] =	wrdreg s28  }
0x27: {  	v0 =	vimm.f32 $1.000000000e+00;
	v1 =	vimm.f32 $0.0e+00;
	s26 =	simm.s32 $0x7;
	s19 =	simm.s32 $0x5;
	s21 =	simm.s32 $0x0  }
.LBB2_1:
0x28: {  	s10 =	rddreg [dreg:$0xb]  }
0x29: {  	s28 =	rddreg [dreg:$0xa];
	s22 =	sshrl.u32 s10, $0x3  }
0x2a: {  	[spmem:s22], [sflag:s23] =	dma.local [hbm:s28], $0x2710  }
0x2b: {  	_ =	swait.ge [sflag:s26], $0x2710  }
0x2c: {  	[sflag:s26] =	ssyncset.done $0x0  }
0x2d: {  	[sflag:s26] =	ssyncadd.s32 $0xFFFFD8F0  }
0x2e: {  	[tilespmem:$0x1B380] =	vst v0  }
0x2f: {  	[tilespmem:$0x1B390] =	vst v0  }
0x30: {  	[tilespmem:$0x1B3A0] =	vst v0  }
0x31: {  	[tilespmem:$0x1B3B0] =	vst v0  }
0x32: {  	[tilespmem:$0x1B3C0] =	vst v0  }
0x33: {  	[tilespmem:$0x1B400] =	vst v1  }
0x34: {  	[tilespmem:$0x1B410] =	vst v1  }
0x35: {  	[tilespmem:$0x1B420] =	vst v1  }
0x36: {  	[tilespmem:$0x1B430] =	vst v1  }
0x37: {  	[tilespmem:$0x1B440] =	vst v1  }
0x38: {  	[tilespmem:$0x1B450] =	vst v1  }
0x39: {  	[tilespmem:$0x1B460] =	vst v1  }
0x3a: {  	[tilespmem:$0x1B470] =	vst v1  }
0x3b: {  	[tilespmem:$0x1B480] =	vst v1  }
0x3c: {  	[tilespmem:$0x1B490] =	vst v1  }
0x3d: {  	[tilespmem:$0x1B4A0] =	vst v1  }
0x3e: {  	[tilespmem:$0x1B4B0] =	vst v1  }
0x3f: {  	[tilespmem:$0x1B4C0] =	vst v1  }
0x40: {  	[tilespmem:$0x1B4D0] =	vst v1  }
0x41: {  	[tilespmem:$0x1B4E0] =	vst v1  }
0x42: {  	[tilespmem:$0x1B4F0] =	vst v1  }
0x43: {  	[tilespmem:$0x1B500] =	vst v1  }
0x44: {  	[tilespmem:$0x1B510] =	vst v1  }
0x45: {  	[tilespmem:$0x1B520] =	vst v1  }
0x46: {  	[tilespmem:$0x1B530] =	vst v1  }
0x47: {  	[tilespmem:$0x1B540] =	vst v1  }
0x48: {  	[tilespmem:$0x1B550] =	vst v1  }
0x49: {  	[tilespmem:$0x1B560] =	vst v1  }
0x4a: {  	[tilespmem:$0x1B570] =	vst v1  }
0x4b: {  	[tilespmem:$0x1B580] =	vst v1  }
0x4c: {  	[tilespmem:$0x1B590] =	vst v1  }
0x4d: {  	[tilespmem:$0x1B5A0] =	vst v1  }
0x4e: {  	[tilespmem:$0x1B5B0] =	vst v1  }
0x4f: {  	[tilespmem:$0x1B5C0] =	vst v1  }
0x50: {  	[tilespmem:$0x1B5D0] =	vst v1  }
0x51: {  	[tilespmem:$0x1B5E0] =	vst v1  }
0x52: {  	[tilespmem:$0x1B5F0] =	vst v1  }
0x53: {  	[tilespmem:$0x1B600] =	vst v1  }
0x54: {  	[tilespmem:$0x1B610] =	vst v1  }
0x55: {  	[tilespmem:$0x1B620] =	vst v1  }
0x56: {  	[tilespmem:$0x1B630] =	vst v1  }
0x57: {  	[tilespmem:$0x1B640] =	vst v1  }
0x58: {  	[tilespmem:$0x1B650] =	vst v1  }
0x59: {  	[tilespmem:$0x1B660] =	vst v1  }
0x5a: {  	[tilespmem:$0x1B670] =	vst v1  }
0x5b: {  	[spmem:s11] =	stream.linear.scatter [tilespmem:s24], [sflag:$0x7], $0x280, $0x38;
	[tilespmem:$0x1B900] =	vst v63  }
0x5c: {  	_ =	swait.ge [sflag:s26], $0x280  }
0x5d: {  	[sflag:s26] =	ssyncset.done $0x0  }
0x5e: {  	[sflag:s26] =	ssyncadd.s32 $0xFFFFFD80  }
0x5f: {  	[bflag:$0x0] =	sbarrier.arrive $0xFFFF  }
0x60: {  	s23 =	rddreg [dreg:$0xd]  }
0x61: {  	[tilespmem:s29], [sflag:$0x7] =	stream.linear.gather [hbm4b:s23+s6], $0x50, $0x38;
	[tilespmem:$0x1B900] =	vst v63  }
0x62: {  	_ =	swait.ge [sflag:s26], $0x50  }
0x63: {  	[sflag:s26] =	ssyncset.done $0x0  }
0x64: {  	s24 =	rddreg [dreg:$0xe];
	[sflag:s26] =	ssyncadd.s32 $0xFFFFFFB0  }
0x65: {  	[tilespmem:s30], [sflag:$0x7] =	stream.linear.gather [hbm4b:s24+s6], $0x50, $0x38;
	[tilespmem:$0x1B900] =	vst v63  }
0x66: {  	_ =	swait.ge [sflag:s26], $0x50  }
0x67: {  	[sflag:s26] =	ssyncset.done $0x0  }
0x68: {  	[sflag:s26] =	ssyncadd.s32 $0xFFFFFFB0  }
0x69: {  	[tilespmem:s6], [sflag:$0x1] =	stream.indirect.gather [hbm4b:s7+s31], $0x80, s29, s31, $0xb8;
	[tilespmem:$0x1B900] =	vst v63  }
0x6a: {  	s28 =	rddreg [dreg:$0xf]  }
0x6b: {  	[tilespmem:s0], [sflag:$0x7] =	stream.linear.gather [hbm4b:s28+s6], $0x50, $0x38;
	[tilespmem:$0x1B900] =	vst v63  }
0x6c: {  	_ =	swait.ge [sflag:s26], $0x50  }
0x6d: {  	[sflag:s26] =	ssyncset.done $0x0  }
0x6e: {  	s25 =	smov.u32 s11;
	s11 =	rddreg [dreg:$0x10];
	[sflag:s26] =	ssyncadd.s32 $0xFFFFFFB0  }
0x6f: {  	[tilespmem:s5], [sflag:$0x7] =	stream.linear.gather [hbm4b:s11+s6], $0x50, $0x38;
	[tilespmem:$0x1B900] =	vst v63  }
0x70: {  	_ =	swait.ge [sflag:s26], $0x50  }
0x71: {  	[sflag:s26] =	ssyncset.done $0x0  }
0x72: {  	[sflag:s26] =	ssyncadd.s32 $0xFFFFFFB0  }
0x73: {  	[tilespmem:s8], [sflag:$0x2] =	stream.indirect.gather [hbm4b:s7+s31], $0x80, s0, s31, $0xb8;
	[tilespmem:$0x1B900] =	vst v63  }
0x74: {  	_ =	swait.ge [sflag:s9], $0x2800  }
0x75: {  	[sflag:s9] =	ssyncset.done $0x0  }
0x76: {  	[sflag:s9] =	ssyncadd.s32 $0xFFFFD800  }
0x77: {  	[spmem:s3] =	stream.indirect.scatter.add.f32 [tilespmem:s6], [sflag:$0x4], $0x80, s30, s31, $0xb8;
	[tilespmem:$0x1B900] =	vst v63  }
0x78: {  	_ = 	snop  }
0x79: {  	[spmem:s4] =	stream.indirect.scatter.add.f32 [tilespmem:s12], [sflag:$0x4], $0x1, s30, s31, $0xb8;
	[tilespmem:$0x1B900] =	vst v63  }
0x7a: {  	s23 =	rddreg [dreg:$0x11]  }
0x7b: {  	[tilespmem:s13], [sflag:$0x7] =	stream.linear.gather [hbm4b:s23+s6], $0x50, $0x38;
	[tilespmem:$0x1B900] =	vst v63  }
0x7c: {  	_ =	swait.ge [sflag:s26], $0x50  }
0x7d: {  	[sflag:s26] =	ssyncset.done $0x0  }
0x7e: {  	s24 =	rddreg [dreg:$0x12];
	[sflag:s26] =	ssyncadd.s32 $0xFFFFFFB0  }
0x7f: {  	[tilespmem:s14], [sflag:$0x7] =	stream.linear.gather [hbm4b:s24+s6], $0x50, $0x38;
	[tilespmem:$0x1B900] =	vst v63  }
0x80: {  	_ =	swait.ge [sflag:s26], $0x50  }
0x81: {  	[sflag:s26] =	ssyncset.done $0x0  }
0x82: {  	[sflag:s26] =	ssyncadd.s32 $0xFFFFFFB0  }
0x83: {  	[tilespmem:s15], [sflag:$0x3] =	stream.indirect.gather [hbm4b:s7+s31], $0x80, s13, s31, $0xb8;
	[tilespmem:$0x1B900] =	vst v63  }
0x84: {  	_ =	swait.ge [sflag:s16], $0x2800  }
0x85: {  	[sflag:s16] =	ssyncset.done $0x0  }
0x86: {  	[sflag:s16] =	ssyncadd.s32 $0xFFFFD800  }
0x87: {  	[spmem:s3] =	stream.indirect.scatter.add.f32 [tilespmem:s8], [sflag:$0x5], $0x80, s5, s31, $0xb8;
	[tilespmem:$0x1B900] =	vst v63  }
0x88: {  	_ = 	snop  }
0x89: {  	[spmem:s4] =	stream.indirect.scatter.add.f32 [tilespmem:s12], [sflag:$0x5], $0x1, s5, s31, $0xb8;
	[tilespmem:$0x1B900] =	vst v63  }
0x8a: {  	_ =	swait.ge [sflag:s17], $0x2800  }
0x8b: {  	[sflag:s17] =	ssyncset.done $0x0  }
0x8c: {  	[sflag:s17] =	ssyncadd.s32 $0xFFFFD800  }
0x8d: {  	_ =	swait.ge [sflag:s17], $0x50  }
0x8e: {  	s10 =	rddreg [dreg:$0x1a]  }
0x8f: {  	[sflag:s17] =	ssyncset.done $0x0;
	s28 =	sshrl.u32 s10, $0x3  }
0x90: {  	[sflag:s17] =	ssyncadd.s32 $0xFFFFFFB0;
	s11 =	sadd.s32 s1, s28  }
0x91: {  	[tilespmem:s29], [sflag:$0x7] =	stream.linear.gather [hbm4b:s11+s6], $0x50, $0x38;
	[tilespmem:$0x1B900] =	vst v63  }
0x92: {  	_ =	swait.ge [sflag:s26], $0x50  }
0x93: {  	[sflag:s26] =	ssyncset.done $0x0  }
0x94: {  	s23 =	sadd.s32 s2, s28;
	[sflag:s26] =	ssyncadd.s32 $0xFFFFFFB0  }
0x95: {  	[tilespmem:s30], [sflag:$0x7] =	stream.linear.gather [hbm4b:s23+s6], $0x50, $0x38;
	[tilespmem:$0x1B900] =	vst v63  }
0x96: {  	_ =	swait.ge [sflag:s26], $0x50  }
0x97: {  	[sflag:s26] =	ssyncset.done $0x0  }
0x98: {  	[sflag:s26] =	ssyncadd.s32 $0xFFFFFFB0  }
0x99: {  	[tilespmem:s6], [sflag:$0x1] =	stream.indirect.gather [hbm4b:s7+s31], $0x80, s29, s31, $0xb8;
	[tilespmem:$0x1B900] =	vst v63  }
0x9a: {  	_ =	swait.ge [sflag:s18], $0x2800  }
0x9b: {  	[sflag:s18] =	ssyncset.done $0x0  }
0x9c: {  	[sflag:s18] =	ssyncadd.s32 $0xFFFFD800  }
0x9d: {  	[spmem:s3] =	stream.indirect.scatter.add.f32 [tilespmem:s15], [sflag:$0x6], $0x80, s14, s31, $0xb8;
	[tilespmem:$0x1B900] =	vst v63  }
0x9e: {  	_ = 	snop  }
0x9f: {  	[spmem:s4] =	stream.indirect.scatter.add.f32 [tilespmem:s12], [sflag:$0x6], $0x1, s14, s31, $0xb8;
	[tilespmem:$0x1B900] =	vst v63  }
0xa0: {  	_ =	swait.ge [sflag:s19], $0x2800  }
0xa1: {  	[sflag:s19] =	ssyncset.done $0x0  }
0xa2: {  	[sflag:s19] =	ssyncadd.s32 $0xFFFFD800  }
0xa3: {  	_ =	swait.ge [sflag:s19], $0x50  }
0xa4: {  	s28 =	rddreg [dreg:$0x9];
	[sflag:s19] =	ssyncset.done $0x0  }
0xa5: {  	[sflag:s19] =	ssyncadd.s32 $0xFFFFFFB0;
	s23 =	sadd.s32 $0x0, s28  }
0xa6: {  	[tilespmem:s0], [sflag:$0x7] =	stream.linear.gather [hbm4b:s23+s6], $0x50, $0x38;
	[tilespmem:$0x1B900] =	vst v63  }
0xa7: {  	_ =	swait.ge [sflag:s26], $0x50  }
0xa8: {  	s11 =	rddreg [dreg:$0x8];
	[sflag:s26] =	ssyncset.done $0x0  }
0xa9: {  	[sflag:s26] =	ssyncadd.s32 $0xFFFFFFB0;
	s23 =	sadd.s32 $0x0, s11  }
0xaa: {  	[tilespmem:s5], [sflag:$0x7] =	stream.linear.gather [hbm4b:s23+s6], $0x50, $0x38;
	[tilespmem:$0x1B900] =	vst v63  }
0xab: {  	_ =	swait.ge [sflag:s26], $0x50  }
0xac: {  	[sflag:s26] =	ssyncset.done $0x0  }
0xad: {  	[sflag:s26] =	ssyncadd.s32 $0xFFFFFFB0  }
0xae: {  	[tilespmem:s8], [sflag:$0x2] =	stream.indirect.gather [hbm4b:s7+s31], $0x80, s0, s31, $0xb8;
	[tilespmem:$0x1B900] =	vst v63  }
0xaf: {  	_ =	swait.ge [sflag:s9], $0x2800  }
0xb0: {  	[sflag:s9] =	ssyncset.done $0x0  }
0xb1: {  	[sflag:s9] =	ssyncadd.s32 $0xFFFFD800  }
0xb2: {  	[spmem:s3] =	stream.indirect.scatter.add.f32 [tilespmem:s6], [sflag:$0x4], $0x80, s30, s31, $0xb8;
	[tilespmem:$0x1B900] =	vst v63  }
0xb3: {  	_ = 	snop  }
0xb4: {  	[spmem:s4] =	stream.indirect.scatter.add.f32 [tilespmem:s12], [sflag:$0x4], $0x1, s30, s31, $0xb8;
	[tilespmem:$0x1B900] =	vst v63  }
0xb5: {  	_ =	swait.ge [sflag:s20], $0x2800  }
0xb6: {  	[sflag:s20] =	ssyncset.done $0x0  }
0xb7: {  	[sflag:s20] =	ssyncadd.s32 $0xFFFFD800  }
0xb8: {  	_ =	swait.ge [sflag:s20], $0x50  }
0xb9: {  	s24 =	rddreg [dreg:$0x7];
	[sflag:s20] =	ssyncset.done $0x0  }
0xba: {  	[sflag:s20] =	ssyncadd.s32 $0xFFFFFFB0;
	s23 =	sadd.s32 $0x0, s24  }
0xbb: {  	[tilespmem:s13], [sflag:$0x7] =	stream.linear.gather [hbm4b:s23+s6], $0x50, $0x38;
	[tilespmem:$0x1B900] =	vst v63  }
0xbc: {  	_ =	swait.ge [sflag:s26], $0x50  }
0xbd: {  	s28 =	rddreg [dreg:$0x6];
	[sflag:s26] =	ssyncset.done $0x0  }
0xbe: {  	[sflag:s26] =	ssyncadd.s32 $0xFFFFFFB0;
	s23 =	sadd.s32 $0x0, s28  }
0xbf: {  	[tilespmem:s14], [sflag:$0x7] =	stream.linear.gather [hbm4b:s23+s6], $0x50, $0x38;
	[tilespmem:$0x1B900] =	vst v63  }
0xc0: {  	_ =	swait.ge [sflag:s26], $0x50  }
0xc1: {  	[sflag:s26] =	ssyncset.done $0x0  }
0xc2: {  	[sflag:s26] =	ssyncadd.s32 $0xFFFFFFB0  }
0xc3: {  	[tilespmem:s15], [sflag:$0x3] =	stream.indirect.gather [hbm4b:s7+s31], $0x80, s13, s31, $0xb8;
	[tilespmem:$0x1B900] =	vst v63  }
0xc4: {  	_ =	swait.ge [sflag:s16], $0x2800  }
0xc5: {  	[sflag:s16] =	ssyncset.done $0x0  }
0xc6: {  	s24 =	sadd.s32 $0xF0, s10;
	s23 =	simm.s32 $0x1E;
	[sflag:s16] =	ssyncadd.s32 $0xFFFFD800  }
0xc7: {  	[spmem:s3] =	stream.indirect.scatter.add.f32 [tilespmem:s8], [sflag:$0x5], $0x80, s5, s31, $0xb8;
	[tilespmem:$0x1B900] =	vst v63  }
.LBB2_2:
0xc8: {  	[spmem:s4] =	stream.indirect.scatter.add.f32 [tilespmem:s12], [sflag:$0x5], $0x1, s5, s31, $0xb8;
	[tilespmem:$0x1B900] =	vst v63  }
0xc9: {  	_ =	swait.ge [sflag:s17], $0x2800  }
0xca: {  	[sflag:s17] =	ssyncset.done $0x0  }
0xcb: {  	[sflag:s17] =	ssyncadd.s32 $0xFFFFD800  }
0xcc: {  	_ =	swait.ge [sflag:s17], $0x50  }
0xcd: {  	s10 =	sshrl.u32 s24, $0x3;
	[sflag:s17] =	ssyncset.done $0x0  }
0xce: {  	s11 =	sadd.s32 s1, s10;
	[sflag:s17] =	ssyncadd.s32 $0xFFFFFFB0  }
0xcf: {  	[tilespmem:s29], [sflag:$0x7] =	stream.linear.gather [hbm4b:s11+s6], $0x50, $0x38;
	[tilespmem:$0x1B900] =	vst v63  }
0xd0: {  	_ =	swait.ge [sflag:s26], $0x50  }
0xd1: {  	[sflag:s26] =	ssyncset.done $0x0  }
0xd2: {  	s10 =	sadd.s32 s2, s10;
	[sflag:s26] =	ssyncadd.s32 $0xFFFFFFB0  }
0xd3: {  	[tilespmem:s30], [sflag:$0x7] =	stream.linear.gather [hbm4b:s10+s6], $0x50, $0x38;
	[tilespmem:$0x1B900] =	vst v63  }
0xd4: {  	_ =	swait.ge [sflag:s26], $0x50  }
0xd5: {  	[sflag:s26] =	ssyncset.done $0x0  }
0xd6: {  	[sflag:s26] =	ssyncadd.s32 $0xFFFFFFB0  }
0xd7: {  	[tilespmem:s6], [sflag:$0x1] =	stream.indirect.gather [hbm4b:s7+s31], $0x80, s29, s31, $0xb8;
	[tilespmem:$0x1B900] =	vst v63  }
0xd8: {  	_ =	swait.ge [sflag:s18], $0x2800  }
0xd9: {  	[sflag:s18] =	ssyncset.done $0x0  }
0xda: {  	[sflag:s18] =	ssyncadd.s32 $0xFFFFD800  }
0xdb: {  	[spmem:s3] =	stream.indirect.scatter.add.f32 [tilespmem:s15], [sflag:$0x6], $0x80, s14, s31, $0xb8;
	[tilespmem:$0x1B900] =	vst v63  }
0xdc: {  	_ = 	snop  }
0xdd: {  	[spmem:s4] =	stream.indirect.scatter.add.f32 [tilespmem:s12], [sflag:$0x6], $0x1, s14, s31, $0xb8;
	[tilespmem:$0x1B900] =	vst v63  }
0xde: {  	_ =	swait.ge [sflag:s19], $0x2800  }
0xdf: {  	[sflag:s19] =	ssyncset.done $0x0  }
0xe0: {  	[sflag:s19] =	ssyncadd.s32 $0xFFFFD800  }
0xe1: {  	_ =	swait.ge [sflag:s19], $0x50  }
0xe2: {  	s28 =	smov.u32 s23;
	s11 =	rddreg [dreg:$0x9];
	[sflag:s19] =	ssyncset.done $0x0  }
0xe3: {  	[sflag:s19] =	ssyncadd.s32 $0xFFFFFFB0;
	s10 =	sadd.s32 s28, s11  }
0xe4: {  	[tilespmem:s0], [sflag:$0x7] =	stream.linear.gather [hbm4b:s10+s6], $0x50, $0x38;
	[tilespmem:$0x1B900] =	vst v63  }
0xe5: {  	_ =	swait.ge [sflag:s26], $0x50  }
0xe6: {  	s11 =	rddreg [dreg:$0x8];
	[sflag:s26] =	ssyncset.done $0x0  }
0xe7: {  	[sflag:s26] =	ssyncadd.s32 $0xFFFFFFB0;
	s10 =	sadd.s32 s28, s11  }
0xe8: {  	[tilespmem:s5], [sflag:$0x7] =	stream.linear.gather [hbm4b:s10+s6], $0x50, $0x38;
	[tilespmem:$0x1B900] =	vst v63  }
0xe9: {  	_ =	swait.ge [sflag:s26], $0x50  }
0xea: {  	[sflag:s26] =	ssyncset.done $0x0  }
0xeb: {  	[sflag:s26] =	ssyncadd.s32 $0xFFFFFFB0  }
0xec: {  	[tilespmem:s8], [sflag:$0x2] =	stream.indirect.gather [hbm4b:s7+s31], $0x80, s0, s31, $0xb8;
	[tilespmem:$0x1B900] =	vst v63  }
0xed: {  	_ =	swait.ge [sflag:s9], $0x2800  }
0xee: {  	[sflag:s9] =	ssyncset.done $0x0  }
0xef: {  	[sflag:s9] =	ssyncadd.s32 $0xFFFFD800  }
0xf0: {  	[spmem:s3] =	stream.indirect.scatter.add.f32 [tilespmem:s6], [sflag:$0x4], $0x80, s30, s31, $0xb8;
	[tilespmem:$0x1B900] =	vst v63  }
0xf1: {  	_ = 	snop  }
0xf2: {  	[spmem:s4] =	stream.indirect.scatter.add.f32 [tilespmem:s12], [sflag:$0x4], $0x1, s30, s31, $0xb8;
	[tilespmem:$0x1B900] =	vst v63  }
0xf3: {  	_ =	swait.ge [sflag:s20], $0x2800  }
0xf4: {  	[sflag:s20] =	ssyncset.done $0x0  }
0xf5: {  	[sflag:s20] =	ssyncadd.s32 $0xFFFFD800  }
0xf6: {  	_ =	swait.ge [sflag:s20], $0x50  }
0xf7: {  	s11 =	rddreg [dreg:$0x7];
	[sflag:s20] =	ssyncset.done $0x0  }
0xf8: {  	[sflag:s20] =	ssyncadd.s32 $0xFFFFFFB0;
	s10 =	sadd.s32 s28, s11  }
0xf9: {  	[tilespmem:s13], [sflag:$0x7] =	stream.linear.gather [hbm4b:s10+s6], $0x50, $0x38;
	[tilespmem:$0x1B900] =	vst v63  }
0xfa: {  	_ =	swait.ge [sflag:s26], $0x50  }
0xfb: {  	s11 =	rddreg [dreg:$0x6];
	[sflag:s26] =	ssyncset.done $0x0  }
0xfc: {  	[sflag:s26] =	ssyncadd.s32 $0xFFFFFFB0;
	s10 =	sadd.s32 s28, s11  }
0xfd: {  	[tilespmem:s14], [sflag:$0x7] =	stream.linear.gather [hbm4b:s10+s6], $0x50, $0x38;
	[tilespmem:$0x1B900] =	vst v63  }
0xfe: {  	_ =	swait.ge [sflag:s26], $0x50  }
0xff: {  	[sflag:s26] =	ssyncset.done $0x0  }
0x100: {  	p0 =	sne.s32 s23, $0x492;
	[sflag:s26] =	ssyncadd.s32 $0xFFFFFFB0  }
0x101: {  	[tilespmem:s15], [sflag:$0x3] =	stream.indirect.gather [hbm4b:s7+s31], $0x80, s13, s31, $0xb8;
	[tilespmem:$0x1B900] =	vst v63  }
.Ltmp0:
0x102: {  	_ = 	snop;
	(pc) =	sbr.rel @p0 .LBB2_2-.Ltmp0, $4  }
0x103: {  	_ =	swait.ge [sflag:s16], $0x2800  }
0x104: {  	[sflag:s16] =	ssyncset.done $0x0  }
0x105: {  	s23 =	sadd.s32 $0x1E, s23;
	s24 =	sadd.s32 $0xF0, s24;
	[sflag:s16] =	ssyncadd.s32 $0xFFFFD800  }
0x106: {  	[spmem:s3] =	stream.indirect.scatter.add.f32 [tilespmem:s8], [sflag:$0x5], $0x80, s5, s31, $0xb8;
	[tilespmem:$0x1B900] =	vst v63  }
0x107: {  	[spmem:s4] =	stream.indirect.scatter.add.f32 [tilespmem:s12], [sflag:$0x5], $0x1, s5, s31, $0xb8;
	[tilespmem:$0x1B900] =	vst v63  }
0x108: {  	_ =	swait.ge [sflag:s17], $0x2800  }
0x109: {  	[sflag:s17] =	ssyncset.done $0x0  }
0x10a: {  	[sflag:s17] =	ssyncadd.s32 $0xFFFFD800  }
0x10b: {  	_ =	swait.ge [sflag:s17], $0x50  }
0x10c: {  	[sflag:s17] =	ssyncset.done $0x0  }
0x10d: {  	s10 =	rddreg [dreg:$0x13];
	[sflag:s17] =	ssyncadd.s32 $0xFFFFFFB0  }
0x10e: {  	[tilespmem:s29], [sflag:$0x7] =	stream.linear.gather [hbm4b:s10+s6], $0x50, $0x38;
	[tilespmem:$0x1B900] =	vst v63  }
0x10f: {  	_ =	swait.ge [sflag:s26], $0x50  }
0x110: {  	[sflag:s26] =	ssyncset.done $0x0  }
0x111: {  	s28 =	rddreg [dreg:$0x14];
	[sflag:s26] =	ssyncadd.s32 $0xFFFFFFB0  }
0x112: {  	[tilespmem:s30], [sflag:$0x7] =	stream.linear.gather [hbm4b:s28+s6], $0x50, $0x38;
	[tilespmem:$0x1B900] =	vst v63  }
0x113: {  	_ =	swait.ge [sflag:s26], $0x50  }
0x114: {  	[sflag:s26] =	ssyncset.done $0x0  }
0x115: {  	[sflag:s26] =	ssyncadd.s32 $0xFFFFFFB0  }
0x116: {  	[tilespmem:s6], [sflag:$0x1] =	stream.indirect.gather [hbm4b:s7+s31], $0x80, s29, s31, $0xb8;
	[tilespmem:$0x1B900] =	vst v63  }
0x117: {  	_ =	swait.ge [sflag:s18], $0x2800  }
0x118: {  	[sflag:s18] =	ssyncset.done $0x0  }
0x119: {  	[sflag:s18] =	ssyncadd.s32 $0xFFFFD800  }
0x11a: {  	[spmem:s3] =	stream.indirect.scatter.add.f32 [tilespmem:s15], [sflag:$0x6], $0x80, s14, s31, $0xb8;
	[tilespmem:$0x1B900] =	vst v63  }
0x11b: {  	_ = 	snop  }
0x11c: {  	[spmem:s4] =	stream.indirect.scatter.add.f32 [tilespmem:s12], [sflag:$0x6], $0x1, s14, s31, $0xb8;
	[tilespmem:$0x1B900] =	vst v63  }
0x11d: {  	_ =	swait.ge [sflag:s19], $0x2800  }
0x11e: {  	[sflag:s19] =	ssyncset.done $0x0  }
0x11f: {  	[sflag:s19] =	ssyncadd.s32 $0xFFFFD800  }
0x120: {  	_ =	swait.ge [sflag:s19], $0x50  }
0x121: {  	[sflag:s19] =	ssyncset.done $0x0  }
0x122: {  	s11 =	rddreg [dreg:$0x15];
	[sflag:s19] =	ssyncadd.s32 $0xFFFFFFB0  }
0x123: {  	[tilespmem:s0], [sflag:$0x7] =	stream.linear.gather [hbm4b:s11+s6], $0x50, $0x38;
	[tilespmem:$0x1B900] =	vst v63  }
0x124: {  	_ =	swait.ge [sflag:s26], $0x50  }
0x125: {  	[sflag:s26] =	ssyncset.done $0x0  }
0x126: {  	s23 =	rddreg [dreg:$0x16];
	[sflag:s26] =	ssyncadd.s32 $0xFFFFFFB0  }
0x127: {  	[tilespmem:s5], [sflag:$0x7] =	stream.linear.gather [hbm4b:s23+s6], $0x50, $0x38;
	[tilespmem:$0x1B900] =	vst v63  }
0x128: {  	_ =	swait.ge [sflag:s26], $0x50  }
0x129: {  	[sflag:s26] =	ssyncset.done $0x0  }
0x12a: {  	[sflag:s26] =	ssyncadd.s32 $0xFFFFFFB0  }
0x12b: {  	[tilespmem:s8], [sflag:$0x2] =	stream.indirect.gather [hbm4b:s7+s31], $0x80, s0, s31, $0xb8;
	[tilespmem:$0x1B900] =	vst v63  }
0x12c: {  	_ =	swait.ge [sflag:s9], $0x2800  }
0x12d: {  	[sflag:s9] =	ssyncset.done $0x0  }
0x12e: {  	[sflag:s9] =	ssyncadd.s32 $0xFFFFD800  }
0x12f: {  	[spmem:s3] =	stream.indirect.scatter.add.f32 [tilespmem:s6], [sflag:$0x4], $0x80, s30, s31, $0xb8;
	[tilespmem:$0x1B900] =	vst v63  }
0x130: {  	_ = 	snop  }
0x131: {  	[spmem:s4] =	stream.indirect.scatter.add.f32 [tilespmem:s12], [sflag:$0x4], $0x1, s30, s31, $0xb8;
	[tilespmem:$0x1B900] =	vst v63  }
0x132: {  	_ =	swait.ge [sflag:s16], $0x2800  }
0x133: {  	[sflag:s16] =	ssyncset.done $0x0  }
0x134: {  	[sflag:s16] =	ssyncadd.s32 $0xFFFFD800  }
0x135: {  	[spmem:s3] =	stream.indirect.scatter.add.f32 [tilespmem:s8], [sflag:$0x5], $0x80, s5, s31, $0xb8;
	[tilespmem:$0x1B900] =	vst v63  }
0x136: {  	_ = 	snop  }
0x137: {  	[spmem:s4] =	stream.indirect.scatter.add.f32 [tilespmem:s12], [sflag:$0x5], $0x1, s5, s31, $0xb8;
	[tilespmem:$0x1B900] =	vst v63  }
0x138: {  	_ =	swait.ge [sflag:s17], $0x2800  }
0x139: {  	[sflag:s17] =	ssyncset.done $0x0  }
0x13a: {  	[sflag:s17] =	ssyncadd.s32 $0xFFFFD800  }
0x13b: {  	_ =	swait.ge [sflag:s17], $0x50  }
0x13c: {  	[sflag:s17] =	ssyncset.done $0x0  }
0x13d: {  	[sflag:s17] =	ssyncadd.s32 $0xFFFFFFB0  }
0x13e: {  	_ =	swait.ge [sflag:s19], $0x2800  }
0x13f: {  	[sflag:s19] =	ssyncset.done $0x0  }
0x140: {  	[sflag:s19] =	ssyncadd.s32 $0xFFFFD800  }
0x141: {  	_ =	swait.ge [sflag:s19], $0x50  }
0x142: {  	[sflag:s19] =	ssyncset.done $0x0  }
0x143: {  	[sflag:s19] =	ssyncadd.s32 $0xFFFFFFB0  }
0x144: {  	_ =	swait.ge [sflag:s20], $0x2800  }
0x145: {  	[sflag:s20] =	ssyncset.done $0x0  }
0x146: {  	[sflag:s20] =	ssyncadd.s32 $0xFFFFD800  }
0x147: {  	_ =	swait.ge [sflag:s20], $0x50  }
0x148: {  	[sflag:s20] =	ssyncset.done $0x0  }
0x149: {  	[sflag:s20] =	ssyncadd.s32 $0xFFFFFFB0  }
0x14a: {  	[bflag:$0x0] =	sbarrier.arrive $0xFFFF  }
0x14b: {  	s23 =	rddreg [dreg:$0xc]  }
0x14c: {  	s24 =	rddreg [dreg:$0x17]  }
0x14d: {  	[hbm:s24], [sflag:s23] =	dma.local [spmem:s22], $0x2710  }
0x14e: {  	_ =	swait.ge [sflag:s26], $0x2710  }
0x14f: {  	[sflag:s26] =	ssyncset.done $0x0  }
0x150: {  	s24 =	simm.s32 $0x1B400;
	[sflag:s26] =	ssyncadd.s32 $0xFFFFD8F0  }
0x151: {  	[tilespmem:s24], [sflag:$0x7] =	stream.linear.gather [spmem:s25], $0x280, $0x38;
	[tilespmem:$0x1B900] =	vst v63  }
0x152: {  	_ =	swait.ge [sflag:s26], $0x280  }
0x153: {  	[sflag:s26] =	ssyncset.done $0x0  }
0x154: {  	s11 =	smov.u32 s25;
	s25 =	rddreg [dreg:$0x18];
	[sflag:s26] =	ssyncadd.s32 $0xFFFFFD80  }
0x155: {  	[hbm4b:s25+s6] =	stream.linear.scatter [tilespmem:s24], [sflag:$0x7], $0x280, $0x38;
	[tilespmem:$0x1B900] =	vst v63  }
0x156: {  	_ =	swait.ge [sflag:s26], $0x280  }
0x157: {  	s21 =	sadd.s32 $0x1, s21;
	s28 =	rddreg [dreg:$0x19]  }
0x158: {  	p0 =	sne.s32 s21, s28  }
.Ltmp1:
0x159: {  	_ = 	snop;
	(pc) =	sbr.rel @p0 .LBB2_1-.Ltmp1, $3  }
0x15a: {  	_ =	sdelay $0x1  }
0x15b: {  	[sflag:s26] =	ssyncset.done $0x0  }
0x15c: {  	[sflag:s26] =	ssyncadd.s32 $0xFFFFFD80  }
0x15d: {  	_ =	sfence.sel $0x180000  }
0x15e: {  	[bflag:$0x0] =	sbarrier.arrive $0xFFFF  }
0x15f: {  	_ =	strace $0x90000047  }
0x160: {  	s0 =	stileid.u32;
	[bflag:$0x2] =	sbarrier.arrive $0xFFFF  }
0x161: {  	p0 =	sne.s32 s0, $0x0;
	s0 =	rddreg [dreg:$0x5]  }
0x162: {  	s0 =	sadd.s32 @!p0 $0x100000, s0  }
0x163: {  	[sflag:s0] =	ssyncadd.tile.s32 @!p0 $0x1;
	_ =	shalt  }
.Lfunc_end2:
_tile_overlayer_lowered:
.L_overlay_start_2:
0x164: {  	(tag) =	ssettag $0x2  }
0x165: {  	s0 =	rddreg [dreg:$0x0];
	s2 =	stileid.u32  }
0x166: {  	s1 =	rddreg [dreg:$0x1];
	p0 =	sne.s32 s2, $0x0  }
0x167: {  	s3 =	rddreg [dreg:$0x2];
	[bflag:$0x3] =	sbarrier.arrive $0xFFFF;
	s2 =	simm.s32 @!p0 $0x1C07  }
0x168: {  	[timem:s3], [sflag:s2] =	dma.local @!p0 [hbm:s0], s1  }
0x169: {  	s0 =	simm.s32 @!p0 $0x7  }
0x16a: {  	_ =	swait.ge @!p0 [sflag:s0], s1  }
0x16b: {  	s1 =	ssub.s32 @!p0 $0x0, s1;
	[sflag:s0] =	ssyncset.done @!p0 $0x0  }
0x16c: {  	[sflag:s0] =	ssyncadd.s32 @!p0 s1  }
0x16d: {  	[bflag:$0x3] =	sbarrier.arrive $0xFFFF  }
0x16e: {  	_ =	shalt  }

</sc_bundles>
